<compile_context>
chip_gen: v7x
topology: tpu7x:2x2x1
jax: 0.10.2.dev20260603
libtpu: 0.0.44.dev20260713+nightly
codegen_flags: <defaults>
</compile_context>

<pallas_src>
import functools

import jax
import jax.numpy as jnp
from jax import lax
from jax.experimental import pallas as pl
from jax.experimental.pallas import tpu as pltpu
from jax.experimental.pallas import tpu_sc as plsc

N = 10000
NP = 10240
E = 160000
D_IN = 256
D_H = 256
D_OUT = 4

NC, NS, L = 2, 16, 16
CH = 128
EP = 163840
NCHUNK = EP // CH
CPT_AC = NCHUNK // (NC * NS)
ROWS_PER_TILE = NP // NS

_mesh = plsc.VectorSubcoreMesh(
    core_axis_name="c", subcore_axis_name="s", num_cores=NC, num_subcores=NS
)
_sc_params = pltpu.CompilerParams(use_tc_tiling_on_sc=False)



def _sc_deg(dst2, ones_blk, zeros_narrow):

    @functools.partial(
        pl.kernel,
        out_type=jax.ShapeDtypeStruct((NC, NP, L), jnp.float32),
        mesh=_mesh,
        compiler_params=_sc_params,
        scratch_types=[
            pltpu.VMEM((CPT_AC, CH), jnp.int32),
            pltpu.VMEM((CH, L), jnp.float32),
            pltpu.VMEM_SHARED((NP, L), jnp.float32),
            pltpu.SemaphoreType.DMA,
        ],
    )
    def k(dst_hbm, ones_hbm, zero_hbm, out_hbm, idx_d2, ones_v, acc, sem):
        c = lax.axis_index("c")
        s = lax.axis_index("s")
        rows0 = s * ROWS_PER_TILE
        pltpu.sync_copy(zero_hbm, acc.at[pl.ds(rows0, ROWS_PER_TILE)])
        pltpu.sync_copy(ones_hbm, ones_v)
        ch0 = (c * NS + s) * CPT_AC
        pltpu.sync_copy(dst_hbm.at[pl.ds(ch0, CPT_AC)], idx_d2)
        plsc.subcore_barrier()

        FD = 8

        @pl.loop(0, CPT_AC, step=FD)
        def _(j):
            for b in range(FD):
                pltpu.async_copy(ones_v, acc.at[idx_d2.at[j + b]], sem, add=True)
            for b in range(FD):
                pltpu.make_async_copy(ones_v, acc.at[idx_d2.at[j + b]], sem).wait()

        plsc.subcore_barrier()
        pltpu.sync_copy(
            acc.at[pl.ds(rows0, ROWS_PER_TILE)],
            out_hbm.at[c].at[pl.ds(rows0, ROWS_PER_TILE)],
        )

    return k(dst2, ones_blk, zeros_narrow)


def _sc_agg(y_hbm_arr, src2, dst2, zeros_blk, width, dtype, ch, nb):
    nchunk = EP // ch
    cpt = nchunk // (NC * NS)
    NB = nb

    @functools.partial(
        pl.kernel,
        out_type=jax.ShapeDtypeStruct((NC, NP, width), dtype),
        mesh=_mesh,
        compiler_params=_sc_params,
        scratch_types=[
            pltpu.VMEM((cpt, ch), jnp.int32),
            pltpu.VMEM((cpt, ch), jnp.int32),
        ] + [pltpu.VMEM((ch, width), dtype) for _ in range(NB)]
          + [pltpu.VMEM_SHARED((NP, width), dtype)]
          + [pltpu.SemaphoreType.DMA for _ in range(2 * NB)],
    )
    def k(y_hbm, src_hbm, dst_hbm, zero_hbm, out_hbm,
          idx_s2, idx_d2, *rest):
        bufs = rest[:NB]
        acc = rest[NB]
        gs = rest[NB + 1:NB + 1 + NB]
        ss = rest[NB + 1 + NB:]
        c = lax.axis_index("c")
        s = lax.axis_index("s")
        rows0 = s * ROWS_PER_TILE
        pltpu.sync_copy(zero_hbm, acc.at[pl.ds(rows0, ROWS_PER_TILE)])
        ch0 = (c * NS + s) * cpt
        pltpu.sync_copy(src_hbm.at[pl.ds(ch0, cpt)], idx_s2)
        pltpu.sync_copy(dst_hbm.at[pl.ds(ch0, cpt)], idx_d2)

        def g_start(j, b):
            pltpu.async_copy(y_hbm.at[idx_s2.at[j]], bufs[b], gs[b])

        def g_wait(j, b):
            pltpu.make_async_copy(y_hbm.at[idx_s2.at[j]], bufs[b], gs[b]).wait()

        def s_start(j, b):
            pltpu.async_copy(bufs[b], acc.at[idx_d2.at[j]], ss[b], add=True)

        def s_wait(j, b):
            pltpu.make_async_copy(bufs[b], acc.at[idx_d2.at[j]], ss[b]).wait()

        for b in range(NB):
            g_start(b, b)
        plsc.subcore_barrier()

        @pl.loop(0, cpt, step=NB)
        def _(j):
            for b in range(NB):
                kk = j + b
                g_wait(kk, b)
                s_start(kk, b)
                m = kk - (NB - 2)
                bm = (b + 2) % NB

                @pl.when(jnp.logical_and(m >= 0, m + NB < cpt))
                def _():
                    s_wait(m, bm)
                    g_start(m + NB, bm)

        for b in range(NB):
            s_wait(cpt - NB + b, b)
        plsc.subcore_barrier()
        pltpu.sync_copy(
            acc.at[pl.ds(rows0, ROWS_PER_TILE)],
            out_hbm.at[c].at[pl.ds(rows0, ROWS_PER_TILE)],
        )

    return k(y_hbm_arr, src2, dst2, zeros_blk)



_RB = 1000


def _deg_inv_sqrt(dr_ref):
    deg = dr_ref[0, :, 0:1] + dr_ref[1, :, 0:1] + 1.0
    return lax.rsqrt(deg)


def _tc_matmul(x, W1):
    def body(x_ref, w_ref, o_ref):
        o_ref[...] = lax.dot_general(
            x_ref[...], w_ref[...], (((1,), (0,)), ((), ())),
            precision=lax.Precision.HIGHEST,
            preferred_element_type=jnp.float32,
        )

    return pl.pallas_call(
        body,
        grid=(N // _RB,),
        in_specs=[
            pl.BlockSpec((_RB, D_IN), lambda i: (i, 0)),
            pl.BlockSpec((D_IN, D_H), lambda i: (0, 0)),
        ],
        out_specs=pl.BlockSpec((_RB, D_H), lambda i: (i, 0)),
        out_shape=jax.ShapeDtypeStruct((N, D_H), jnp.float32),
    )(x, W1)


def _tc_scale(xw, degraw):

    def body(xw_ref, dr_ref, y_ref):
        d = _deg_inv_sqrt(dr_ref)
        y_ref[...] = (xw_ref[...] * d).astype(jnp.bfloat16)

    return pl.pallas_call(
        body,
        grid=(N // _RB,),
        in_specs=[
            pl.BlockSpec((_RB, D_H), lambda i: (i, 0)),
            pl.BlockSpec((NC, _RB, L), lambda i: (0, i, 0)),
        ],
        out_specs=pl.BlockSpec((_RB, D_H), lambda i: (i, 0)),
        out_shape=jax.ShapeDtypeStruct((N, D_H), jnp.bfloat16),
    )(xw, degraw)


def _tc_layer2(acc1, y1, degraw, b1p, W2p):

    def body(a_ref, y_ref, dr_ref, b1_ref, w2_ref, y2_ref):
        d = _deg_inv_sqrt(dr_ref)
        t = (a_ref[0].astype(jnp.float32) + a_ref[1].astype(jnp.float32)
             + y_ref[...].astype(jnp.float32))
        h = jnp.maximum(d * t + b1_ref[...], 0.0)
        hw = lax.dot_general(
            h, w2_ref[...], (((1,), (0,)), ((), ())),
            precision=lax.Precision.HIGHEST, preferred_element_type=jnp.float32,
        )
        y2_ref[...] = d * hw

    return pl.pallas_call(
        body,
        grid=(N // _RB,),
        in_specs=[
            pl.BlockSpec((NC, _RB, D_H), lambda i: (0, i, 0)),
            pl.BlockSpec((_RB, D_H), lambda i: (i, 0)),
            pl.BlockSpec((NC, _RB, L), lambda i: (0, i, 0)),
            pl.BlockSpec((1, D_H), lambda i: (0, 0)),
            pl.BlockSpec((D_H, L), lambda i: (0, 0)),
        ],
        out_specs=pl.BlockSpec((_RB, L), lambda i: (i, 0)),
        out_shape=jax.ShapeDtypeStruct((N, L), jnp.float32),
    )(acc1, y1, degraw, b1p, W2p)


def _tc_out(acc2, y2, degraw, b2r):
    def body(a_ref, y_ref, dr_ref, b2_ref, o_ref):
        d = _deg_inv_sqrt(dr_ref)
        logit = d * (a_ref[0] + a_ref[1] + y_ref[...]) + b2_ref[...]
        lid = lax.broadcasted_iota(jnp.int32, (_RB, L), 1)
        real = lid < D_OUT
        masked = jnp.where(real, logit, -jnp.inf)
        m = jnp.max(masked, axis=1, keepdims=True)
        e = jnp.where(real, jnp.exp(logit - m), 0.0)
        p = e / jnp.sum(e, axis=1, keepdims=True)
        o_ref[...] = p[:, :D_OUT]

    return pl.pallas_call(
        body,
        grid=(N // _RB,),
        in_specs=[
            pl.BlockSpec((NC, _RB, L), lambda i: (0, i, 0)),
            pl.BlockSpec((_RB, L), lambda i: (i, 0)),
            pl.BlockSpec((NC, _RB, L), lambda i: (0, i, 0)),
            pl.BlockSpec((1, L), lambda i: (0, 0)),
        ],
        out_specs=pl.BlockSpec((_RB, D_OUT), lambda i: (i, 0)),
        out_shape=jax.ShapeDtypeStruct((N, D_OUT), jnp.float32),
    )(acc2, y2, degraw, b2r)



def kernel(x, edge_index, W1, b1, W2, b2):
    src = edge_index[0]
    dst = edge_index[1]
    pad = EP - E
    pad_i = jnp.arange(pad, dtype=jnp.int32)
    srcp = jnp.concatenate([src, pad_i % N])
    dstp = jnp.concatenate([dst, N + pad_i % (NP - N)])
    src2 = srcp.reshape(NCHUNK, CH)
    dst2 = dstp.reshape(NCHUNK, CH)

    ones_blk = jnp.ones((CH, L), jnp.float32)
    zeros_narrow = jnp.zeros((ROWS_PER_TILE, L), jnp.float32)
    zeros_wide = jnp.zeros((ROWS_PER_TILE, D_H), jnp.bfloat16)
    b1p = b1.reshape(1, D_H)
    W2p = jnp.pad(W2, ((0, 0), (0, L - D_OUT)))
    b2r = jnp.pad(b2, (0, L - D_OUT)).reshape(1, L)

    degraw = _sc_deg(dst2, ones_blk, zeros_narrow)
    xw = _tc_matmul(x, W1)
    y1 = _tc_scale(xw, degraw)
    acc1 = _sc_agg(y1, src2, dst2, zeros_wide,
                   width=D_H, dtype=jnp.bfloat16, ch=CH, nb=2)
    y2 = _tc_layer2(acc1, y1, degraw, b1p, W2p)
    acc2 = _sc_agg(y2, src2, dst2, zeros_narrow,
                   width=L, dtype=jnp.float32, ch=CH, nb=4)
    return _tc_out(acc2, y2, degraw, b2r)

# --- scband reference (transcript-rebuilt; emitter-appended) ---
"""Pipeline reference for scband-gcn-54305566491105 (READ-ONLY COPY).

The authoritative reference and input builder live on the scoring server;
editing this copy changes nothing except your own understanding.
"""

import jax, jax.numpy as jnp
import numpy as np

N = 10000
E = 160000
D_IN = 256
D_H = 256
D_OUT = 4


def setup_inputs(seed: int = 0) -> dict:
    key = jax.random.key(seed)
    k1, k2, k3, k4 = jax.random.split(key, 4)
    x = jax.random.normal(k1, (N, D_IN), dtype=jnp.float32)
    edge_index = jax.random.randint(k2, (2, E), 0, N, dtype=jnp.int32)
    # GCNConv weights (glorot-style init), bias zeros, matching PyG GCNConv params
    W1 = jax.random.normal(k3, (D_IN, D_H), dtype=jnp.float32) * np.sqrt(2.0 / (D_IN + D_H))
    b1 = jnp.zeros((D_H,), dtype=jnp.float32)
    W2 = jax.random.normal(k4, (D_H, D_OUT), dtype=jnp.float32) * np.sqrt(2.0 / (D_H + D_OUT))
    b2 = jnp.zeros((D_OUT,), dtype=jnp.float32)
    return {"x": x, "edge_index": edge_index, "W1": W1, "b1": b1, "W2": W2, "b2": b2}


def _gcn_conv(x, edge_index, W, b):
    # Faithful PyG GCNConv: add self-loops, symmetric deg^-1/2 normalization,
    # linear transform, scatter-add aggregation over destination nodes, bias.
    src = edge_index[0]
    dst = edge_index[1]
    loop = jnp.arange(N, dtype=src.dtype)
    src = jnp.concatenate([src, loop])
    dst = jnp.concatenate([dst, loop])
    deg = jax.ops.segment_sum(jnp.ones_like(src, dtype=x.dtype), dst, num_segments=N)
    deg_inv_sqrt = jnp.where(deg > 0, deg ** -0.5, 0.0)
    norm = deg_inv_sqrt[src] * deg_inv_sqrt[dst]
    xw = x @ W
    msg = jnp.take(xw, src, axis=0) * norm[:, None]
    out = jax.ops.segment_sum(msg, dst, num_segments=N)
    return out + b


def reference(x, edge_index, W1, b1, W2, b2):
    h = _gcn_conv(x, edge_index, W1, b1)
    h = jax.nn.relu(h)
    # dropout is identity in eval mode
    h = _gcn_conv(h, edge_index, W2, b2)
    return jax.nn.softmax(h, axis=1)

if __name__ == "__main__":
    import jax
    _d = setup_inputs()
    print(jax.jit(kernel)(*tuple(_d.values())))

</pallas_src>

<mosaic_0001>
#map = affine_map<(d0, d1) -> (0, 0)>
#map1 = affine_map<(d0, d1) -> (0, 0, 0)>
module attributes {stable_mosaic.version = 14 : i64} {
  func.func @k(%arg0: i32, %arg1: i32, %arg2: memref<1280x128xi32, #tpu.memory_space<hbm>>, %arg3: memref<128x16xf32, #tpu.memory_space<hbm>>, %arg4: memref<640x16xf32, #tpu.memory_space<hbm>>, %arg5: memref<2x10240x16xf32, #tpu.memory_space<hbm>>, %arg6: memref<40x128xi32, #tpu.memory_space<vmem>>, %arg7: memref<128x16xf32, #tpu.memory_space<vmem>>, %arg8: memref<10240x16xf32, #tpu.memory_space<vmem_shared>>, %arg9: memref<!tpu.dma_semaphore, #tpu.memory_space<semaphore_mem>>) attributes {dimension_semantics = [#tpu.dimension_semantics<core_parallel>, #tpu.dimension_semantics<subcore_parallel>], iteration_bounds = array<i64: 2, 16>, scalar_prefetch = 0 : i64, scratch_operands = 4 : i64, tpu.core_type = #tpu.core_type<sc_vector_subcore>, window_params = [{transform_indices = #map}, {transform_indices = #map}, {transform_indices = #map}, {transform_indices = #map1}]} {
    %mul3A = arith.constant 640 : i32
    %mul3A_0 = arith.muli %arg1, %mul3A : i32
    "tpu.region"() ({
      %run_scoped3A = tpu.sem_alloc : memref<!tpu.dma_semaphore, #tpu.memory_space<semaphore_mem>>
      %dma_start3A = arith.constant 0 : i32
      %dma_start3A_10 = tpu.memref_slice %arg8[%mul3A_0, %dma_start3A] : memref<10240x16xf32, #tpu.memory_space<vmem_shared>> -> memref<640x16xf32, #tpu.memory_space<vmem_shared>>
      tpu.enqueue_dma source(%arg4 : memref<640x16xf32, #tpu.memory_space<hbm>>) target(%dma_start3A_10 : memref<640x16xf32, #tpu.memory_space<vmem_shared>>) target_semaphore(%run_scoped3A : memref<!tpu.dma_semaphore, #tpu.memory_space<semaphore_mem>>)
      %dma_wait3A = arith.constant 0 : i32
      %dma_wait3A_11 = tpu.memref_slice %arg8[%mul3A_0, %dma_wait3A] : memref<10240x16xf32, #tpu.memory_space<vmem_shared>> -> memref<640x16xf32, #tpu.memory_space<vmem_shared>>
      tpu.wait_dma2 semaphore(%run_scoped3A : memref<!tpu.dma_semaphore, #tpu.memory_space<semaphore_mem>>) src(%arg4 : memref<640x16xf32, #tpu.memory_space<hbm>>) dst(%dma_wait3A_11 : memref<640x16xf32, #tpu.memory_space<vmem_shared>>)
      tpu.yield
    }) : () -> ()
    "tpu.region"() ({
      %run_scoped3A = tpu.sem_alloc : memref<!tpu.dma_semaphore, #tpu.memory_space<semaphore_mem>>
      tpu.enqueue_dma source(%arg3 : memref<128x16xf32, #tpu.memory_space<hbm>>) target(%arg7 : memref<128x16xf32, #tpu.memory_space<vmem>>) target_semaphore(%run_scoped3A : memref<!tpu.dma_semaphore, #tpu.memory_space<semaphore_mem>>)
      tpu.wait_dma2 semaphore(%run_scoped3A : memref<!tpu.dma_semaphore, #tpu.memory_space<semaphore_mem>>) src(%arg3 : memref<128x16xf32, #tpu.memory_space<hbm>>) dst(%arg7 : memref<128x16xf32, #tpu.memory_space<vmem>>)
      tpu.yield
    }) : () -> ()
    %mul3A_1 = arith.constant 16 : i32
    %mul3A_2 = arith.muli %arg0, %mul3A_1 : i32
    %add3A = arith.addi %mul3A_2, %arg1 : i32
    %mul3A_3 = arith.constant 40 : i32
    %mul3A_4 = arith.muli %add3A, %mul3A_3 : i32
    "tpu.region"() ({
      %run_scoped3A = tpu.sem_alloc : memref<!tpu.dma_semaphore, #tpu.memory_space<semaphore_mem>>
      %dma_start3A = arith.constant 0 : i32
      %dma_start3A_10 = tpu.memref_slice %arg2[%mul3A_4, %dma_start3A] : memref<1280x128xi32, #tpu.memory_space<hbm>> -> memref<40x128xi32, #tpu.memory_space<hbm>>
      %dma_start3A_11 = arith.constant 0 : i32
      %dma_start3A_12 = tpu.memref_slice %arg2[%mul3A_4, %dma_start3A_11] : memref<1280x128xi32, #tpu.memory_space<hbm>> -> memref<40x128xi32, #tpu.memory_space<hbm>>
      tpu.enqueue_dma source(%dma_start3A_12 : memref<40x128xi32, #tpu.memory_space<hbm>>) target(%arg6 : memref<40x128xi32, #tpu.memory_space<vmem>>) target_semaphore(%run_scoped3A : memref<!tpu.dma_semaphore, #tpu.memory_space<semaphore_mem>>)
      %dma_wait3A = arith.constant 0 : i32
      %dma_wait3A_13 = tpu.memref_slice %arg2[%mul3A_4, %dma_wait3A] : memref<1280x128xi32, #tpu.memory_space<hbm>> -> memref<40x128xi32, #tpu.memory_space<hbm>>
      %dma_wait3A_14 = arith.constant 0 : i32
      %dma_wait3A_15 = tpu.memref_slice %arg2[%mul3A_4, %dma_wait3A_14] : memref<1280x128xi32, #tpu.memory_space<hbm>> -> memref<40x128xi32, #tpu.memory_space<hbm>>
      tpu.wait_dma2 semaphore(%run_scoped3A : memref<!tpu.dma_semaphore, #tpu.memory_space<semaphore_mem>>) src(%dma_wait3A_15 : memref<40x128xi32, #tpu.memory_space<hbm>>) dst(%arg6 : memref<40x128xi32, #tpu.memory_space<vmem>>)
      tpu.yield
    }) : () -> ()
    %barrier3A = arith.constant 0 : index
    tpu.barrier barrier_id(%barrier3A)
    %scan3A = arith.constant 0 : i32
    %scan3A_5 = arith.constant 5 : i32
    %scan3A_6 = arith.addi %scan3A, %scan3A_5 : i32
    %scan3A_7 = arith.constant 1 : i32
    scf.for %scan3A_10 = %scan3A to %scan3A_6 step %scan3A_7  : i32 {
      %mul3A_11 = arith.constant 8 : i32
      %mul3A_12 = arith.muli %scan3A_10, %mul3A_11 : i32
      %add3A_13 = arith.constant 0 : i32
      %add3A_14 = arith.addi %add3A_13, %mul3A_12 : i32
      %add3A_15 = arith.constant 0 : i32
      %add3A_16 = arith.addi %add3A_14, %add3A_15 : i32
      %dma_start3A = arith.constant 0 : i32
      %dma_start3A_17 = tpu.memref_slice %arg6[%add3A_16, %dma_start3A] : memref<40x128xi32, #tpu.memory_space<vmem>> -> memref<1x128xi32, #tpu.memory_space<vmem>>
      %dma_start3A_18 = tpu.memref_squeeze %dma_start3A_17 : memref<1x128xi32, #tpu.memory_space<vmem>> -> memref<128xi32, #tpu.memory_space<vmem>>
      %dma_start3A_19 = arith.constant 0 : i32
      %dma_start3A_20 = arith.constant 0 : i32
      %dma_start3A_21 = tpu.memref_slice %arg8[%dma_start3A_19, %dma_start3A_20] : memref<10240x16xf32, #tpu.memory_space<vmem_shared>> -> memref<10240x16xf32, #tpu.memory_space<vmem_shared>>
      tpu.enqueue_indirect_dma source(%arg7 : memref<128x16xf32, #tpu.memory_space<vmem>>) target(%dma_start3A_21 : memref<10240x16xf32, #tpu.memory_space<vmem_shared>>) offsets(%dma_start3A_18 : memref<128xi32, #tpu.memory_space<vmem>>) semaphore(%arg9 : memref<!tpu.dma_semaphore, #tpu.memory_space<semaphore_mem>>) {add = true}
      %add3A_22 = arith.constant 1 : i32
      %add3A_23 = arith.addi %add3A_14, %add3A_22 : i32
      %dma_start3A_24 = arith.constant 0 : i32
      %dma_start3A_25 = tpu.memref_slice %arg6[%add3A_23, %dma_start3A_24] : memref<40x128xi32, #tpu.memory_space<vmem>> -> memref<1x128xi32, #tpu.memory_space<vmem>>
      %dma_start3A_26 = tpu.memref_squeeze %dma_start3A_25 : memref<1x128xi32, #tpu.memory_space<vmem>> -> memref<128xi32, #tpu.memory_space<vmem>>
      %dma_start3A_27 = arith.constant 0 : i32
      %dma_start3A_28 = arith.constant 0 : i32
      %dma_start3A_29 = tpu.memref_slice %arg8[%dma_start3A_27, %dma_start3A_28] : memref<10240x16xf32, #tpu.memory_space<vmem_shared>> -> memref<10240x16xf32, #tpu.memory_space<vmem_shared>>
      tpu.enqueue_indirect_dma source(%arg7 : memref<128x16xf32, #tpu.memory_space<vmem>>) target(%dma_start3A_29 : memref<10240x16xf32, #tpu.memory_space<vmem_shared>>) offsets(%dma_start3A_26 : memref<128xi32, #tpu.memory_space<vmem>>) semaphore(%arg9 : memref<!tpu.dma_semaphore, #tpu.memory_space<semaphore_mem>>) {add = true}
      %add3A_30 = arith.constant 2 : i32
      %add3A_31 = arith.addi %add3A_14, %add3A_30 : i32
      %dma_start3A_32 = arith.constant 0 : i32
      %dma_start3A_33 = tpu.memref_slice %arg6[%add3A_31, %dma_start3A_32] : memref<40x128xi32, #tpu.memory_space<vmem>> -> memref<1x128xi32, #tpu.memory_space<vmem>>
      %dma_start3A_34 = tpu.memref_squeeze %dma_start3A_33 : memref<1x128xi32, #tpu.memory_space<vmem>> -> memref<128xi32, #tpu.memory_space<vmem>>
      %dma_start3A_35 = arith.constant 0 : i32
      %dma_start3A_36 = arith.constant 0 : i32
      %dma_start3A_37 = tpu.memref_slice %arg8[%dma_start3A_35, %dma_start3A_36] : memref<10240x16xf32, #tpu.memory_space<vmem_shared>> -> memref<10240x16xf32, #tpu.memory_space<vmem_shared>>
      tpu.enqueue_indirect_dma source(%arg7 : memref<128x16xf32, #tpu.memory_space<vmem>>) target(%dma_start3A_37 : memref<10240x16xf32, #tpu.memory_space<vmem_shared>>) offsets(%dma_start3A_34 : memref<128xi32, #tpu.memory_space<vmem>>) semaphore(%arg9 : memref<!tpu.dma_semaphore, #tpu.memory_space<semaphore_mem>>) {add = true}
      %add3A_38 = arith.constant 3 : i32
      %add3A_39 = arith.addi %add3A_14, %add3A_38 : i32
      %dma_start3A_40 = arith.constant 0 : i32
      %dma_start3A_41 = tpu.memref_slice %arg6[%add3A_39, %dma_start3A_40] : memref<40x128xi32, #tpu.memory_space<vmem>> -> memref<1x128xi32, #tpu.memory_space<vmem>>
      %dma_start3A_42 = tpu.memref_squeeze %dma_start3A_41 : memref<1x128xi32, #tpu.memory_space<vmem>> -> memref<128xi32, #tpu.memory_space<vmem>>
      %dma_start3A_43 = arith.constant 0 : i32
      %dma_start3A_44 = arith.constant 0 : i32
      %dma_start3A_45 = tpu.memref_slice %arg8[%dma_start3A_43, %dma_start3A_44] : memref<10240x16xf32, #tpu.memory_space<vmem_shared>> -> memref<10240x16xf32, #tpu.memory_space<vmem_shared>>
      tpu.enqueue_indirect_dma source(%arg7 : memref<128x16xf32, #tpu.memory_space<vmem>>) target(%dma_start3A_45 : memref<10240x16xf32, #tpu.memory_space<vmem_shared>>) offsets(%dma_start3A_42 : memref<128xi32, #tpu.memory_space<vmem>>) semaphore(%arg9 : memref<!tpu.dma_semaphore, #tpu.memory_space<semaphore_mem>>) {add = true}
      %add3A_46 = arith.constant 4 : i32
      %add3A_47 = arith.addi %add3A_14, %add3A_46 : i32
      %dma_start3A_48 = arith.constant 0 : i32
      %dma_start3A_49 = tpu.memref_slice %arg6[%add3A_47, %dma_start3A_48] : memref<40x128xi32, #tpu.memory_space<vmem>> -> memref<1x128xi32, #tpu.memory_space<vmem>>
      %dma_start3A_50 = tpu.memref_squeeze %dma_start3A_49 : memref<1x128xi32, #tpu.memory_space<vmem>> -> memref<128xi32, #tpu.memory_space<vmem>>
      %dma_start3A_51 = arith.constant 0 : i32
      %dma_start3A_52 = arith.constant 0 : i32
      %dma_start3A_53 = tpu.memref_slice %arg8[%dma_start3A_51, %dma_start3A_52] : memref<10240x16xf32, #tpu.memory_space<vmem_shared>> -> memref<10240x16xf32, #tpu.memory_space<vmem_shared>>
      tpu.enqueue_indirect_dma source(%arg7 : memref<128x16xf32, #tpu.memory_space<vmem>>) target(%dma_start3A_53 : memref<10240x16xf32, #tpu.memory_space<vmem_shared>>) offsets(%dma_start3A_50 : memref<128xi32, #tpu.memory_space<vmem>>) semaphore(%arg9 : memref<!tpu.dma_semaphore, #tpu.memory_space<semaphore_mem>>) {add = true}
      %add3A_54 = arith.constant 5 : i32
      %add3A_55 = arith.addi %add3A_14, %add3A_54 : i32
      %dma_start3A_56 = arith.constant 0 : i32
      %dma_start3A_57 = tpu.memref_slice %arg6[%add3A_55, %dma_start3A_56] : memref<40x128xi32, #tpu.memory_space<vmem>> -> memref<1x128xi32, #tpu.memory_space<vmem>>
      %dma_start3A_58 = tpu.memref_squeeze %dma_start3A_57 : memref<1x128xi32, #tpu.memory_space<vmem>> -> memref<128xi32, #tpu.memory_space<vmem>>
      %dma_start3A_59 = arith.constant 0 : i32
      %dma_start3A_60 = arith.constant 0 : i32
      %dma_start3A_61 = tpu.memref_slice %arg8[%dma_start3A_59, %dma_start3A_60] : memref<10240x16xf32, #tpu.memory_space<vmem_shared>> -> memref<10240x16xf32, #tpu.memory_space<vmem_shared>>
      tpu.enqueue_indirect_dma source(%arg7 : memref<128x16xf32, #tpu.memory_space<vmem>>) target(%dma_start3A_61 : memref<10240x16xf32, #tpu.memory_space<vmem_shared>>) offsets(%dma_start3A_58 : memref<128xi32, #tpu.memory_space<vmem>>) semaphore(%arg9 : memref<!tpu.dma_semaphore, #tpu.memory_space<semaphore_mem>>) {add = true}
      %add3A_62 = arith.constant 6 : i32
      %add3A_63 = arith.addi %add3A_14, %add3A_62 : i32
      %dma_start3A_64 = arith.constant 0 : i32
      %dma_start3A_65 = tpu.memref_slice %arg6[%add3A_63, %dma_start3A_64] : memref<40x128xi32, #tpu.memory_space<vmem>> -> memref<1x128xi32, #tpu.memory_space<vmem>>
      %dma_start3A_66 = tpu.memref_squeeze %dma_start3A_65 : memref<1x128xi32, #tpu.memory_space<vmem>> -> memref<128xi32, #tpu.memory_space<vmem>>
      %dma_start3A_67 = arith.constant 0 : i32
      %dma_start3A_68 = arith.constant 0 : i32
      %dma_start3A_69 = tpu.memref_slice %arg8[%dma_start3A_67, %dma_start3A_68] : memref<10240x16xf32, #tpu.memory_space<vmem_shared>> -> memref<10240x16xf32, #tpu.memory_space<vmem_shared>>
      tpu.enqueue_indirect_dma source(%arg7 : memref<128x16xf32, #tpu.memory_space<vmem>>) target(%dma_start3A_69 : memref<10240x16xf32, #tpu.memory_space<vmem_shared>>) offsets(%dma_start3A_66 : memref<128xi32, #tpu.memory_space<vmem>>) semaphore(%arg9 : memref<!tpu.dma_semaphore, #tpu.memory_space<semaphore_mem>>) {add = true}
      %add3A_70 = arith.constant 7 : i32
      %add3A_71 = arith.addi %add3A_14, %add3A_70 : i32
      %dma_start3A_72 = arith.constant 0 : i32
      %dma_start3A_73 = tpu.memref_slice %arg6[%add3A_71, %dma_start3A_72] : memref<40x128xi32, #tpu.memory_space<vmem>> -> memref<1x128xi32, #tpu.memory_space<vmem>>
      %dma_start3A_74 = tpu.memref_squeeze %dma_start3A_73 : memref<1x128xi32, #tpu.memory_space<vmem>> -> memref<128xi32, #tpu.memory_space<vmem>>
      %dma_start3A_75 = arith.constant 0 : i32
      %dma_start3A_76 = arith.constant 0 : i32
      %dma_start3A_77 = tpu.memref_slice %arg8[%dma_start3A_75, %dma_start3A_76] : memref<10240x16xf32, #tpu.memory_space<vmem_shared>> -> memref<10240x16xf32, #tpu.memory_space<vmem_shared>>
      tpu.enqueue_indirect_dma source(%arg7 : memref<128x16xf32, #tpu.memory_space<vmem>>) target(%dma_start3A_77 : memref<10240x16xf32, #tpu.memory_space<vmem_shared>>) offsets(%dma_start3A_74 : memref<128xi32, #tpu.memory_space<vmem>>) semaphore(%arg9 : memref<!tpu.dma_semaphore, #tpu.memory_space<semaphore_mem>>) {add = true}
      %add3A_78 = arith.constant 0 : i32
      %add3A_79 = arith.addi %add3A_14, %add3A_78 : i32
      %dma_wait3A = arith.constant 0 : i32
      %dma_wait3A_80 = tpu.memref_slice %arg6[%add3A_79, %dma_wait3A] : memref<40x128xi32, #tpu.memory_space<vmem>> -> memref<1x128xi32, #tpu.memory_space<vmem>>
      %dma_wait3A_81 = tpu.memref_squeeze %dma_wait3A_80 : memref<1x128xi32, #tpu.memory_space<vmem>> -> memref<128xi32, #tpu.memory_space<vmem>>
      %dma_wait3A_82 = arith.constant 0 : i32
      %dma_wait3A_83 = arith.constant 0 : i32
      %dma_wait3A_84 = tpu.memref_slice %arg8[%dma_wait3A_82, %dma_wait3A_83] : memref<10240x16xf32, #tpu.memory_space<vmem_shared>> -> memref<10240x16xf32, #tpu.memory_space<vmem_shared>>
      tpu.wait_indirect_dma semaphore(%arg9 : memref<!tpu.dma_semaphore, #tpu.memory_space<semaphore_mem>>) src(%arg7 : memref<128x16xf32, #tpu.memory_space<vmem>>) dst(%dma_wait3A_84 : memref<10240x16xf32, #tpu.memory_space<vmem_shared>>)
      %add3A_85 = arith.constant 1 : i32
      %add3A_86 = arith.addi %add3A_14, %add3A_85 : i32
      %dma_wait3A_87 = arith.constant 0 : i32
      %dma_wait3A_88 = tpu.memref_slice %arg6[%add3A_86, %dma_wait3A_87] : memref<40x128xi32, #tpu.memory_space<vmem>> -> memref<1x128xi32, #tpu.memory_space<vmem>>
      %dma_wait3A_89 = tpu.memref_squeeze %dma_wait3A_88 : memref<1x128xi32, #tpu.memory_space<vmem>> -> memref<128xi32, #tpu.memory_space<vmem>>
      %dma_wait3A_90 = arith.constant 0 : i32
      %dma_wait3A_91 = arith.constant 0 : i32
      %dma_wait3A_92 = tpu.memref_slice %arg8[%dma_wait3A_90, %dma_wait3A_91] : memref<10240x16xf32, #tpu.memory_space<vmem_shared>> -> memref<10240x16xf32, #tpu.memory_space<vmem_shared>>
      tpu.wait_indirect_dma semaphore(%arg9 : memref<!tpu.dma_semaphore, #tpu.memory_space<semaphore_mem>>) src(%arg7 : memref<128x16xf32, #tpu.memory_space<vmem>>) dst(%dma_wait3A_92 : memref<10240x16xf32, #tpu.memory_space<vmem_shared>>)
      %add3A_93 = arith.constant 2 : i32
      %add3A_94 = arith.addi %add3A_14, %add3A_93 : i32
      %dma_wait3A_95 = arith.constant 0 : i32
      %dma_wait3A_96 = tpu.memref_slice %arg6[%add3A_94, %dma_wait3A_95] : memref<40x128xi32, #tpu.memory_space<vmem>> -> memref<1x128xi32, #tpu.memory_space<vmem>>
      %dma_wait3A_97 = tpu.memref_squeeze %dma_wait3A_96 : memref<1x128xi32, #tpu.memory_space<vmem>> -> memref<128xi32, #tpu.memory_space<vmem>>
      %dma_wait3A_98 = arith.constant 0 : i32
      %dma_wait3A_99 = arith.constant 0 : i32
      %dma_wait3A_100 = tpu.memref_slice %arg8[%dma_wait3A_98, %dma_wait3A_99] : memref<10240x16xf32, #tpu.memory_space<vmem_shared>> -> memref<10240x16xf32, #tpu.memory_space<vmem_shared>>
      tpu.wait_indirect_dma semaphore(%arg9 : memref<!tpu.dma_semaphore, #tpu.memory_space<semaphore_mem>>) src(%arg7 : memref<128x16xf32, #tpu.memory_space<vmem>>) dst(%dma_wait3A_100 : memref<10240x16xf32, #tpu.memory_space<vmem_shared>>)
      %add3A_101 = arith.constant 3 : i32
      %add3A_102 = arith.addi %add3A_14, %add3A_101 : i32
      %dma_wait3A_103 = arith.constant 0 : i32
      %dma_wait3A_104 = tpu.memref_slice %arg6[%add3A_102, %dma_wait3A_103] : memref<40x128xi32, #tpu.memory_space<vmem>> -> memref<1x128xi32, #tpu.memory_space<vmem>>
      %dma_wait3A_105 = tpu.memref_squeeze %dma_wait3A_104 : memref<1x128xi32, #tpu.memory_space<vmem>> -> memref<128xi32, #tpu.memory_space<vmem>>
      %dma_wait3A_106 = arith.constant 0 : i32
      %dma_wait3A_107 = arith.constant 0 : i32
      %dma_wait3A_108 = tpu.memref_slice %arg8[%dma_wait3A_106, %dma_wait3A_107] : memref<10240x16xf32, #tpu.memory_space<vmem_shared>> -> memref<10240x16xf32, #tpu.memory_space<vmem_shared>>
      tpu.wait_indirect_dma semaphore(%arg9 : memref<!tpu.dma_semaphore, #tpu.memory_space<semaphore_mem>>) src(%arg7 : memref<128x16xf32, #tpu.memory_space<vmem>>) dst(%dma_wait3A_108 : memref<10240x16xf32, #tpu.memory_space<vmem_shared>>)
      %add3A_109 = arith.constant 4 : i32
      %add3A_110 = arith.addi %add3A_14, %add3A_109 : i32
      %dma_wait3A_111 = arith.constant 0 : i32
      %dma_wait3A_112 = tpu.memref_slice %arg6[%add3A_110, %dma_wait3A_111] : memref<40x128xi32, #tpu.memory_space<vmem>> -> memref<1x128xi32, #tpu.memory_space<vmem>>
      %dma_wait3A_113 = tpu.memref_squeeze %dma_wait3A_112 : memref<1x128xi32, #tpu.memory_space<vmem>> -> memref<128xi32, #tpu.memory_space<vmem>>
      %dma_wait3A_114 = arith.constant 0 : i32
      %dma_wait3A_115 = arith.constant 0 : i32
      %dma_wait3A_116 = tpu.memref_slice %arg8[%dma_wait3A_114, %dma_wait3A_115] : memref<10240x16xf32, #tpu.memory_space<vmem_shared>> -> memref<10240x16xf32, #tpu.memory_space<vmem_shared>>
      tpu.wait_indirect_dma semaphore(%arg9 : memref<!tpu.dma_semaphore, #tpu.memory_space<semaphore_mem>>) src(%arg7 : memref<128x16xf32, #tpu.memory_space<vmem>>) dst(%dma_wait3A_116 : memref<10240x16xf32, #tpu.memory_space<vmem_shared>>)
      %add3A_117 = arith.constant 5 : i32
      %add3A_118 = arith.addi %add3A_14, %add3A_117 : i32
      %dma_wait3A_119 = arith.constant 0 : i32
      %dma_wait3A_120 = tpu.memref_slice %arg6[%add3A_118, %dma_wait3A_119] : memref<40x128xi32, #tpu.memory_space<vmem>> -> memref<1x128xi32, #tpu.memory_space<vmem>>
      %dma_wait3A_121 = tpu.memref_squeeze %dma_wait3A_120 : memref<1x128xi32, #tpu.memory_space<vmem>> -> memref<128xi32, #tpu.memory_space<vmem>>
      %dma_wait3A_122 = arith.constant 0 : i32
      %dma_wait3A_123 = arith.constant 0 : i32
      %dma_wait3A_124 = tpu.memref_slice %arg8[%dma_wait3A_122, %dma_wait3A_123] : memref<10240x16xf32, #tpu.memory_space<vmem_shared>> -> memref<10240x16xf32, #tpu.memory_space<vmem_shared>>
      tpu.wait_indirect_dma semaphore(%arg9 : memref<!tpu.dma_semaphore, #tpu.memory_space<semaphore_mem>>) src(%arg7 : memref<128x16xf32, #tpu.memory_space<vmem>>) dst(%dma_wait3A_124 : memref<10240x16xf32, #tpu.memory_space<vmem_shared>>)
      %add3A_125 = arith.constant 6 : i32
      %add3A_126 = arith.addi %add3A_14, %add3A_125 : i32
      %dma_wait3A_127 = arith.constant 0 : i32
      %dma_wait3A_128 = tpu.memref_slice %arg6[%add3A_126, %dma_wait3A_127] : memref<40x128xi32, #tpu.memory_space<vmem>> -> memref<1x128xi32, #tpu.memory_space<vmem>>
      %dma_wait3A_129 = tpu.memref_squeeze %dma_wait3A_128 : memref<1x128xi32, #tpu.memory_space<vmem>> -> memref<128xi32, #tpu.memory_space<vmem>>
      %dma_wait3A_130 = arith.constant 0 : i32
      %dma_wait3A_131 = arith.constant 0 : i32
      %dma_wait3A_132 = tpu.memref_slice %arg8[%dma_wait3A_130, %dma_wait3A_131] : memref<10240x16xf32, #tpu.memory_space<vmem_shared>> -> memref<10240x16xf32, #tpu.memory_space<vmem_shared>>
      tpu.wait_indirect_dma semaphore(%arg9 : memref<!tpu.dma_semaphore, #tpu.memory_space<semaphore_mem>>) src(%arg7 : memref<128x16xf32, #tpu.memory_space<vmem>>) dst(%dma_wait3A_132 : memref<10240x16xf32, #tpu.memory_space<vmem_shared>>)
      %add3A_133 = arith.constant 7 : i32
      %add3A_134 = arith.addi %add3A_14, %add3A_133 : i32
      %dma_wait3A_135 = arith.constant 0 : i32
      %dma_wait3A_136 = tpu.memref_slice %arg6[%add3A_134, %dma_wait3A_135] : memref<40x128xi32, #tpu.memory_space<vmem>> -> memref<1x128xi32, #tpu.memory_space<vmem>>
      %dma_wait3A_137 = tpu.memref_squeeze %dma_wait3A_136 : memref<1x128xi32, #tpu.memory_space<vmem>> -> memref<128xi32, #tpu.memory_space<vmem>>
      %dma_wait3A_138 = arith.constant 0 : i32
      %dma_wait3A_139 = arith.constant 0 : i32
      %dma_wait3A_140 = tpu.memref_slice %arg8[%dma_wait3A_138, %dma_wait3A_139] : memref<10240x16xf32, #tpu.memory_space<vmem_shared>> -> memref<10240x16xf32, #tpu.memory_space<vmem_shared>>
      tpu.wait_indirect_dma semaphore(%arg9 : memref<!tpu.dma_semaphore, #tpu.memory_space<semaphore_mem>>) src(%arg7 : memref<128x16xf32, #tpu.memory_space<vmem>>) dst(%dma_wait3A_140 : memref<10240x16xf32, #tpu.memory_space<vmem_shared>>)
    }
    %scan3A_8 = arith.constant 5 : i32
    %barrier3A_9 = arith.constant 0 : index
    tpu.barrier barrier_id(%barrier3A_9)
    "tpu.region"() ({
      %run_scoped3A = tpu.sem_alloc : memref<!tpu.dma_semaphore, #tpu.memory_space<semaphore_mem>>
      %dma_start3A = arith.constant 0 : i32
      %dma_start3A_10 = arith.constant 0 : i32
      %dma_start3A_11 = tpu.memref_slice %arg5[%arg0, %dma_start3A, %dma_start3A_10] : memref<2x10240x16xf32, #tpu.memory_space<hbm>> -> memref<1x10240x16xf32, #tpu.memory_space<hbm>>
      %dma_start3A_12 = tpu.memref_squeeze %dma_start3A_11 : memref<1x10240x16xf32, #tpu.memory_space<hbm>> -> memref<10240x16xf32, #tpu.memory_space<hbm>>
      %dma_start3A_13 = arith.constant 0 : i32
      %dma_start3A_14 = tpu.memref_slice %dma_start3A_12[%mul3A_0, %dma_start3A_13] : memref<10240x16xf32, #tpu.memory_space<hbm>> -> memref<640x16xf32, #tpu.memory_space<hbm>>
      %dma_start3A_15 = arith.constant 0 : i32
      %dma_start3A_16 = tpu.memref_slice %arg8[%mul3A_0, %dma_start3A_15] : memref<10240x16xf32, #tpu.memory_space<vmem_shared>> -> memref<640x16xf32, #tpu.memory_space<vmem_shared>>
      tpu.enqueue_dma source(%dma_start3A_16 : memref<640x16xf32, #tpu.memory_space<vmem_shared>>) target(%dma_start3A_14 : memref<640x16xf32, #tpu.memory_space<hbm>>) target_semaphore(%run_scoped3A : memref<!tpu.dma_semaphore, #tpu.memory_space<semaphore_mem>>)
      %dma_wait3A = arith.constant 0 : i32
      %dma_wait3A_17 = arith.constant 0 : i32
      %dma_wait3A_18 = tpu.memref_slice %arg5[%arg0, %dma_wait3A, %dma_wait3A_17] : memref<2x10240x16xf32, #tpu.memory_space<hbm>> -> memref<1x10240x16xf32, #tpu.memory_space<hbm>>
      %dma_wait3A_19 = tpu.memref_squeeze %dma_wait3A_18 : memref<1x10240x16xf32, #tpu.memory_space<hbm>> -> memref<10240x16xf32, #tpu.memory_space<hbm>>
      %dma_wait3A_20 = arith.constant 0 : i32
      %dma_wait3A_21 = tpu.memref_slice %dma_wait3A_19[%mul3A_0, %dma_wait3A_20] : memref<10240x16xf32, #tpu.memory_space<hbm>> -> memref<640x16xf32, #tpu.memory_space<hbm>>
      %dma_wait3A_22 = arith.constant 0 : i32
      %dma_wait3A_23 = tpu.memref_slice %arg8[%mul3A_0, %dma_wait3A_22] : memref<10240x16xf32, #tpu.memory_space<vmem_shared>> -> memref<640x16xf32, #tpu.memory_space<vmem_shared>>
      tpu.wait_dma2 semaphore(%run_scoped3A : memref<!tpu.dma_semaphore, #tpu.memory_space<semaphore_mem>>) src(%dma_wait3A_23 : memref<640x16xf32, #tpu.memory_space<vmem_shared>>) dst(%dma_wait3A_21 : memref<640x16xf32, #tpu.memory_space<hbm>>)
      tpu.yield
    }) : () -> ()
    return
  }
}

#map = affine_map<(d0, d1) -> (0, 0)>
#map1 = affine_map<(d0, d1) -> (0, 0, 0)>
module attributes {stable_mosaic.version = 14 : i64} {
  func.func @k(%arg0: i32, %arg1: i32, %arg2: memref<10000x16xf32, #tpu.memory_space<hbm>>, %arg3: memref<1280x128xi32, #tpu.memory_space<hbm>>, %arg4: memref<1280x128xi32, #tpu.memory_space<hbm>>, %arg5: memref<640x16xf32, #tpu.memory_space<hbm>>, %arg6: memref<2x10240x16xf32, #tpu.memory_space<hbm>>, %arg7: memref<40x128xi32, #tpu.memory_space<vmem>>, %arg8: memref<40x128xi32, #tpu.memory_space<vmem>>, %arg9: memref<128x16xf32, #tpu.memory_space<vmem>>, %arg10: memref<128x16xf32, #tpu.memory_space<vmem>>, %arg11: memref<128x16xf32, #tpu.memory_space<vmem>>, %arg12: memref<128x16xf32, #tpu.memory_space<vmem>>, %arg13: memref<10240x16xf32, #tpu.memory_space<vmem_shared>>, %arg14: memref<!tpu.dma_semaphore, #tpu.memory_space<semaphore_mem>>, %arg15: memref<!tpu.dma_semaphore, #tpu.memory_space<semaphore_mem>>, %arg16: memref<!tpu.dma_semaphore, #tpu.memory_space<semaphore_mem>>, %arg17: memref<!tpu.dma_semaphore, #tpu.memory_space<semaphore_mem>>, %arg18: memref<!tpu.dma_semaphore, #tpu.memory_space<semaphore_mem>>, %arg19: memref<!tpu.dma_semaphore, #tpu.memory_space<semaphore_mem>>, %arg20: memref<!tpu.dma_semaphore, #tpu.memory_space<semaphore_mem>>, %arg21: memref<!tpu.dma_semaphore, #tpu.memory_space<semaphore_mem>>) attributes {dimension_semantics = [#tpu.dimension_semantics<core_parallel>, #tpu.dimension_semantics<subcore_parallel>], iteration_bounds = array<i64: 2, 16>, scalar_prefetch = 0 : i64, scratch_operands = 15 : i64, tpu.core_type = #tpu.core_type<sc_vector_subcore>, window_params = [{transform_indices = #map}, {transform_indices = #map}, {transform_indices = #map}, {transform_indices = #map}, {transform_indices = #map1}]} {
    %mul3A = arith.constant 640 : i32
    %mul3A_0 = arith.muli %arg1, %mul3A : i32
    "tpu.region"() ({
      %run_scoped3A = tpu.sem_alloc : memref<!tpu.dma_semaphore, #tpu.memory_space<semaphore_mem>>
      %dma_start3A_64 = arith.constant 0 : i32
      %dma_start3A_65 = tpu.memref_slice %arg13[%mul3A_0, %dma_start3A_64] : memref<10240x16xf32, #tpu.memory_space<vmem_shared>> -> memref<640x16xf32, #tpu.memory_space<vmem_shared>>
      tpu.enqueue_dma source(%arg5 : memref<640x16xf32, #tpu.memory_space<hbm>>) target(%dma_start3A_65 : memref<640x16xf32, #tpu.memory_space<vmem_shared>>) target_semaphore(%run_scoped3A : memref<!tpu.dma_semaphore, #tpu.memory_space<semaphore_mem>>)
      %dma_wait3A_66 = arith.constant 0 : i32
      %dma_wait3A_67 = tpu.memref_slice %arg13[%mul3A_0, %dma_wait3A_66] : memref<10240x16xf32, #tpu.memory_space<vmem_shared>> -> memref<640x16xf32, #tpu.memory_space<vmem_shared>>
      tpu.wait_dma2 semaphore(%run_scoped3A : memref<!tpu.dma_semaphore, #tpu.memory_space<semaphore_mem>>) src(%arg5 : memref<640x16xf32, #tpu.memory_space<hbm>>) dst(%dma_wait3A_67 : memref<640x16xf32, #tpu.memory_space<vmem_shared>>)
      tpu.yield
    }) : () -> ()
    %mul3A_1 = arith.constant 16 : i32
    %mul3A_2 = arith.muli %arg0, %mul3A_1 : i32
    %add3A = arith.addi %mul3A_2, %arg1 : i32
    %mul3A_3 = arith.constant 40 : i32
    %mul3A_4 = arith.muli %add3A, %mul3A_3 : i32
    "tpu.region"() ({
      %run_scoped3A = tpu.sem_alloc : memref<!tpu.dma_semaphore, #tpu.memory_space<semaphore_mem>>
      %dma_start3A_64 = arith.constant 0 : i32
      %dma_start3A_65 = tpu.memref_slice %arg3[%mul3A_4, %dma_start3A_64] : memref<1280x128xi32, #tpu.memory_space<hbm>> -> memref<40x128xi32, #tpu.memory_space<hbm>>
      %dma_start3A_66 = arith.constant 0 : i32
      %dma_start3A_67 = tpu.memref_slice %arg3[%mul3A_4, %dma_start3A_66] : memref<1280x128xi32, #tpu.memory_space<hbm>> -> memref<40x128xi32, #tpu.memory_space<hbm>>
      tpu.enqueue_dma source(%dma_start3A_67 : memref<40x128xi32, #tpu.memory_space<hbm>>) target(%arg7 : memref<40x128xi32, #tpu.memory_space<vmem>>) target_semaphore(%run_scoped3A : memref<!tpu.dma_semaphore, #tpu.memory_space<semaphore_mem>>)
      %dma_wait3A_68 = arith.constant 0 : i32
      %dma_wait3A_69 = tpu.memref_slice %arg3[%mul3A_4, %dma_wait3A_68] : memref<1280x128xi32, #tpu.memory_space<hbm>> -> memref<40x128xi32, #tpu.memory_space<hbm>>
      %dma_wait3A_70 = arith.constant 0 : i32
      %dma_wait3A_71 = tpu.memref_slice %arg3[%mul3A_4, %dma_wait3A_70] : memref<1280x128xi32, #tpu.memory_space<hbm>> -> memref<40x128xi32, #tpu.memory_space<hbm>>
      tpu.wait_dma2 semaphore(%run_scoped3A : memref<!tpu.dma_semaphore, #tpu.memory_space<semaphore_mem>>) src(%dma_wait3A_71 : memref<40x128xi32, #tpu.memory_space<hbm>>) dst(%arg7 : memref<40x128xi32, #tpu.memory_space<vmem>>)
      tpu.yield
    }) : () -> ()
    "tpu.region"() ({
      %run_scoped3A = tpu.sem_alloc : memref<!tpu.dma_semaphore, #tpu.memory_space<semaphore_mem>>
      %dma_start3A_64 = arith.constant 0 : i32
      %dma_start3A_65 = tpu.memref_slice %arg4[%mul3A_4, %dma_start3A_64] : memref<1280x128xi32, #tpu.memory_space<hbm>> -> memref<40x128xi32, #tpu.memory_space<hbm>>
      %dma_start3A_66 = arith.constant 0 : i32
      %dma_start3A_67 = tpu.memref_slice %arg4[%mul3A_4, %dma_start3A_66] : memref<1280x128xi32, #tpu.memory_space<hbm>> -> memref<40x128xi32, #tpu.memory_space<hbm>>
      tpu.enqueue_dma source(%dma_start3A_67 : memref<40x128xi32, #tpu.memory_space<hbm>>) target(%arg8 : memref<40x128xi32, #tpu.memory_space<vmem>>) target_semaphore(%run_scoped3A : memref<!tpu.dma_semaphore, #tpu.memory_space<semaphore_mem>>)
      %dma_wait3A_68 = arith.constant 0 : i32
      %dma_wait3A_69 = tpu.memref_slice %arg4[%mul3A_4, %dma_wait3A_68] : memref<1280x128xi32, #tpu.memory_space<hbm>> -> memref<40x128xi32, #tpu.memory_space<hbm>>
      %dma_wait3A_70 = arith.constant 0 : i32
      %dma_wait3A_71 = tpu.memref_slice %arg4[%mul3A_4, %dma_wait3A_70] : memref<1280x128xi32, #tpu.memory_space<hbm>> -> memref<40x128xi32, #tpu.memory_space<hbm>>
      tpu.wait_dma2 semaphore(%run_scoped3A : memref<!tpu.dma_semaphore, #tpu.memory_space<semaphore_mem>>) src(%dma_wait3A_71 : memref<40x128xi32, #tpu.memory_space<hbm>>) dst(%arg8 : memref<40x128xi32, #tpu.memory_space<vmem>>)
      tpu.yield
    }) : () -> ()
    %dma_start3A = arith.constant 0 : i32
    %dma_start3A_5 = arith.constant 0 : i32
    %dma_start3A_6 = tpu.memref_slice %arg7[%dma_start3A, %dma_start3A_5] : memref<40x128xi32, #tpu.memory_space<vmem>> -> memref<1x128xi32, #tpu.memory_space<vmem>>
    %dma_start3A_7 = tpu.memref_squeeze %dma_start3A_6 : memref<1x128xi32, #tpu.memory_space<vmem>> -> memref<128xi32, #tpu.memory_space<vmem>>
    %dma_start3A_8 = arith.constant 0 : i32
    %dma_start3A_9 = arith.constant 0 : i32
    %dma_start3A_10 = tpu.memref_slice %arg2[%dma_start3A_8, %dma_start3A_9] : memref<10000x16xf32, #tpu.memory_space<hbm>> -> memref<10000x16xf32, #tpu.memory_space<hbm>>
    tpu.enqueue_indirect_dma source(%dma_start3A_10 : memref<10000x16xf32, #tpu.memory_space<hbm>>) target(%arg9 : memref<128x16xf32, #tpu.memory_space<vmem>>) offsets(%dma_start3A_7 : memref<128xi32, #tpu.memory_space<vmem>>) semaphore(%arg14 : memref<!tpu.dma_semaphore, #tpu.memory_space<semaphore_mem>>)
    %dma_start3A_11 = arith.constant 1 : i32
    %dma_start3A_12 = arith.constant 0 : i32
    %dma_start3A_13 = tpu.memref_slice %arg7[%dma_start3A_11, %dma_start3A_12] : memref<40x128xi32, #tpu.memory_space<vmem>> -> memref<1x128xi32, #tpu.memory_space<vmem>>
    %dma_start3A_14 = tpu.memref_squeeze %dma_start3A_13 : memref<1x128xi32, #tpu.memory_space<vmem>> -> memref<128xi32, #tpu.memory_space<vmem>>
    %dma_start3A_15 = arith.constant 0 : i32
    %dma_start3A_16 = arith.constant 0 : i32
    %dma_start3A_17 = tpu.memref_slice %arg2[%dma_start3A_15, %dma_start3A_16] : memref<10000x16xf32, #tpu.memory_space<hbm>> -> memref<10000x16xf32, #tpu.memory_space<hbm>>
    tpu.enqueue_indirect_dma source(%dma_start3A_17 : memref<10000x16xf32, #tpu.memory_space<hbm>>) target(%arg10 : memref<128x16xf32, #tpu.memory_space<vmem>>) offsets(%dma_start3A_14 : memref<128xi32, #tpu.memory_space<vmem>>) semaphore(%arg15 : memref<!tpu.dma_semaphore, #tpu.memory_space<semaphore_mem>>)
    %dma_start3A_18 = arith.constant 2 : i32
    %dma_start3A_19 = arith.constant 0 : i32
    %dma_start3A_20 = tpu.memref_slice %arg7[%dma_start3A_18, %dma_start3A_19] : memref<40x128xi32, #tpu.memory_space<vmem>> -> memref<1x128xi32, #tpu.memory_space<vmem>>
    %dma_start3A_21 = tpu.memref_squeeze %dma_start3A_20 : memref<1x128xi32, #tpu.memory_space<vmem>> -> memref<128xi32, #tpu.memory_space<vmem>>
    %dma_start3A_22 = arith.constant 0 : i32
    %dma_start3A_23 = arith.constant 0 : i32
    %dma_start3A_24 = tpu.memref_slice %arg2[%dma_start3A_22, %dma_start3A_23] : memref<10000x16xf32, #tpu.memory_space<hbm>> -> memref<10000x16xf32, #tpu.memory_space<hbm>>
    tpu.enqueue_indirect_dma source(%dma_start3A_24 : memref<10000x16xf32, #tpu.memory_space<hbm>>) target(%arg11 : memref<128x16xf32, #tpu.memory_space<vmem>>) offsets(%dma_start3A_21 : memref<128xi32, #tpu.memory_space<vmem>>) semaphore(%arg16 : memref<!tpu.dma_semaphore, #tpu.memory_space<semaphore_mem>>)
    %dma_start3A_25 = arith.constant 3 : i32
    %dma_start3A_26 = arith.constant 0 : i32
    %dma_start3A_27 = tpu.memref_slice %arg7[%dma_start3A_25, %dma_start3A_26] : memref<40x128xi32, #tpu.memory_space<vmem>> -> memref<1x128xi32, #tpu.memory_space<vmem>>
    %dma_start3A_28 = tpu.memref_squeeze %dma_start3A_27 : memref<1x128xi32, #tpu.memory_space<vmem>> -> memref<128xi32, #tpu.memory_space<vmem>>
    %dma_start3A_29 = arith.constant 0 : i32
    %dma_start3A_30 = arith.constant 0 : i32
    %dma_start3A_31 = tpu.memref_slice %arg2[%dma_start3A_29, %dma_start3A_30] : memref<10000x16xf32, #tpu.memory_space<hbm>> -> memref<10000x16xf32, #tpu.memory_space<hbm>>
    tpu.enqueue_indirect_dma source(%dma_start3A_31 : memref<10000x16xf32, #tpu.memory_space<hbm>>) target(%arg12 : memref<128x16xf32, #tpu.memory_space<vmem>>) offsets(%dma_start3A_28 : memref<128xi32, #tpu.memory_space<vmem>>) semaphore(%arg17 : memref<!tpu.dma_semaphore, #tpu.memory_space<semaphore_mem>>)
    %barrier3A = arith.constant 0 : index
    tpu.barrier barrier_id(%barrier3A)
    %scan3A = arith.constant 0 : i32
    %scan3A_32 = arith.constant 10 : i32
    %scan3A_33 = arith.addi %scan3A, %scan3A_32 : i32
    %scan3A_34 = arith.constant 1 : i32
    scf.for %scan3A_64 = %scan3A to %scan3A_33 step %scan3A_34  : i32 {
      %mul3A_65 = arith.constant 4 : i32
      %mul3A_66 = arith.muli %scan3A_64, %mul3A_65 : i32
      %add3A_67 = arith.constant 0 : i32
      %add3A_68 = arith.addi %add3A_67, %mul3A_66 : i32
      %add3A_69 = arith.constant 0 : i32
      %add3A_70 = arith.addi %add3A_68, %add3A_69 : i32
      %dma_wait3A_71 = arith.constant 0 : i32
      %dma_wait3A_72 = tpu.memref_slice %arg7[%add3A_70, %dma_wait3A_71] : memref<40x128xi32, #tpu.memory_space<vmem>> -> memref<1x128xi32, #tpu.memory_space<vmem>>
      %dma_wait3A_73 = tpu.memref_squeeze %dma_wait3A_72 : memref<1x128xi32, #tpu.memory_space<vmem>> -> memref<128xi32, #tpu.memory_space<vmem>>
      %dma_wait3A_74 = arith.constant 0 : i32
      %dma_wait3A_75 = arith.constant 0 : i32
      %dma_wait3A_76 = tpu.memref_slice %arg2[%dma_wait3A_74, %dma_wait3A_75] : memref<10000x16xf32, #tpu.memory_space<hbm>> -> memref<10000x16xf32, #tpu.memory_space<hbm>>
      tpu.wait_indirect_dma semaphore(%arg14 : memref<!tpu.dma_semaphore, #tpu.memory_space<semaphore_mem>>) src(%dma_wait3A_76 : memref<10000x16xf32, #tpu.memory_space<hbm>>) dst(%arg9 : memref<128x16xf32, #tpu.memory_space<vmem>>)
      %dma_start3A_77 = arith.constant 0 : i32
      %dma_start3A_78 = tpu.memref_slice %arg8[%add3A_70, %dma_start3A_77] : memref<40x128xi32, #tpu.memory_space<vmem>> -> memref<1x128xi32, #tpu.memory_space<vmem>>
      %dma_start3A_79 = tpu.memref_squeeze %dma_start3A_78 : memref<1x128xi32, #tpu.memory_space<vmem>> -> memref<128xi32, #tpu.memory_space<vmem>>
      %dma_start3A_80 = arith.constant 0 : i32
      %dma_start3A_81 = arith.constant 0 : i32
      %dma_start3A_82 = tpu.memref_slice %arg13[%dma_start3A_80, %dma_start3A_81] : memref<10240x16xf32, #tpu.memory_space<vmem_shared>> -> memref<10240x16xf32, #tpu.memory_space<vmem_shared>>
      tpu.enqueue_indirect_dma source(%arg9 : memref<128x16xf32, #tpu.memory_space<vmem>>) target(%dma_start3A_82 : memref<10240x16xf32, #tpu.memory_space<vmem_shared>>) offsets(%dma_start3A_79 : memref<128xi32, #tpu.memory_space<vmem>>) semaphore(%arg18 : memref<!tpu.dma_semaphore, #tpu.memory_space<semaphore_mem>>) {add = true}
      %sub3A = arith.constant 2 : i32
      %sub3A_83 = arith.subi %add3A_70, %sub3A : i32
      %ge3A = arith.constant 0 : i32
      %ge3A_84 = arith.cmpi sge, %sub3A_83, %ge3A : i32
      %add3A_85 = arith.constant 4 : i32
      %add3A_86 = arith.addi %sub3A_83, %add3A_85 : i32
      %lt3A = arith.constant 40 : i32
      %lt3A_87 = arith.cmpi slt, %add3A_86, %lt3A : i32
      %and3A = arith.andi %ge3A_84, %lt3A_87 : i1
      %convert_element_type3A = arith.extui %and3A : i1 to i32
      %cond3A = arith.constant 0 : i32
      %cond3A_88 = arith.cmpi ne, %convert_element_type3A, %cond3A : i32
      scf.if %cond3A_88 {
        %dma_wait3A_167 = arith.constant 0 : i32
        %dma_wait3A_168 = tpu.memref_slice %arg8[%sub3A_83, %dma_wait3A_167] : memref<40x128xi32, #tpu.memory_space<vmem>> -> memref<1x128xi32, #tpu.memory_space<vmem>>
        %dma_wait3A_169 = tpu.memref_squeeze %dma_wait3A_168 : memref<1x128xi32, #tpu.memory_space<vmem>> -> memref<128xi32, #tpu.memory_space<vmem>>
        %dma_wait3A_170 = arith.constant 0 : i32
        %dma_wait3A_171 = arith.constant 0 : i32
        %dma_wait3A_172 = tpu.memref_slice %arg13[%dma_wait3A_170, %dma_wait3A_171] : memref<10240x16xf32, #tpu.memory_space<vmem_shared>> -> memref<10240x16xf32, #tpu.memory_space<vmem_shared>>
        tpu.wait_indirect_dma semaphore(%arg20 : memref<!tpu.dma_semaphore, #tpu.memory_space<semaphore_mem>>) src(%arg11 : memref<128x16xf32, #tpu.memory_space<vmem>>) dst(%dma_wait3A_172 : memref<10240x16xf32, #tpu.memory_space<vmem_shared>>)
        %add3A_173 = arith.constant 4 : i32
        %add3A_174 = arith.addi %sub3A_83, %add3A_173 : i32
        %dma_start3A_175 = arith.constant 0 : i32
        %dma_start3A_176 = tpu.memref_slice %arg7[%add3A_174, %dma_start3A_175] : memref<40x128xi32, #tpu.memory_space<vmem>> -> memref<1x128xi32, #tpu.memory_space<vmem>>
        %dma_start3A_177 = tpu.memref_squeeze %dma_start3A_176 : memref<1x128xi32, #tpu.memory_space<vmem>> -> memref<128xi32, #tpu.memory_space<vmem>>
        %dma_start3A_178 = arith.constant 0 : i32
        %dma_start3A_179 = arith.constant 0 : i32
        %dma_start3A_180 = tpu.memref_slice %arg2[%dma_start3A_178, %dma_start3A_179] : memref<10000x16xf32, #tpu.memory_space<hbm>> -> memref<10000x16xf32, #tpu.memory_space<hbm>>
        tpu.enqueue_indirect_dma source(%dma_start3A_180 : memref<10000x16xf32, #tpu.memory_space<hbm>>) target(%arg11 : memref<128x16xf32, #tpu.memory_space<vmem>>) offsets(%dma_start3A_177 : memref<128xi32, #tpu.memory_space<vmem>>) semaphore(%arg16 : memref<!tpu.dma_semaphore, #tpu.memory_space<semaphore_mem>>)
      } else {
      }
      %add3A_89 = arith.constant 1 : i32
      %add3A_90 = arith.addi %add3A_68, %add3A_89 : i32
      %dma_wait3A_91 = arith.constant 0 : i32
      %dma_wait3A_92 = tpu.memref_slice %arg7[%add3A_90, %dma_wait3A_91] : memref<40x128xi32, #tpu.memory_space<vmem>> -> memref<1x128xi32, #tpu.memory_space<vmem>>
      %dma_wait3A_93 = tpu.memref_squeeze %dma_wait3A_92 : memref<1x128xi32, #tpu.memory_space<vmem>> -> memref<128xi32, #tpu.memory_space<vmem>>
      %dma_wait3A_94 = arith.constant 0 : i32
      %dma_wait3A_95 = arith.constant 0 : i32
      %dma_wait3A_96 = tpu.memref_slice %arg2[%dma_wait3A_94, %dma_wait3A_95] : memref<10000x16xf32, #tpu.memory_space<hbm>> -> memref<10000x16xf32, #tpu.memory_space<hbm>>
      tpu.wait_indirect_dma semaphore(%arg15 : memref<!tpu.dma_semaphore, #tpu.memory_space<semaphore_mem>>) src(%dma_wait3A_96 : memref<10000x16xf32, #tpu.memory_space<hbm>>) dst(%arg10 : memref<128x16xf32, #tpu.memory_space<vmem>>)
      %dma_start3A_97 = arith.constant 0 : i32
      %dma_start3A_98 = tpu.memref_slice %arg8[%add3A_90, %dma_start3A_97] : memref<40x128xi32, #tpu.memory_space<vmem>> -> memref<1x128xi32, #tpu.memory_space<vmem>>
      %dma_start3A_99 = tpu.memref_squeeze %dma_start3A_98 : memref<1x128xi32, #tpu.memory_space<vmem>> -> memref<128xi32, #tpu.memory_space<vmem>>
      %dma_start3A_100 = arith.constant 0 : i32
      %dma_start3A_101 = arith.constant 0 : i32
      %dma_start3A_102 = tpu.memref_slice %arg13[%dma_start3A_100, %dma_start3A_101] : memref<10240x16xf32, #tpu.memory_space<vmem_shared>> -> memref<10240x16xf32, #tpu.memory_space<vmem_shared>>
      tpu.enqueue_indirect_dma source(%arg10 : memref<128x16xf32, #tpu.memory_space<vmem>>) target(%dma_start3A_102 : memref<10240x16xf32, #tpu.memory_space<vmem_shared>>) offsets(%dma_start3A_99 : memref<128xi32, #tpu.memory_space<vmem>>) semaphore(%arg19 : memref<!tpu.dma_semaphore, #tpu.memory_space<semaphore_mem>>) {add = true}
      %sub3A_103 = arith.constant 2 : i32
      %sub3A_104 = arith.subi %add3A_90, %sub3A_103 : i32
      %ge3A_105 = arith.constant 0 : i32
      %ge3A_106 = arith.cmpi sge, %sub3A_104, %ge3A_105 : i32
      %add3A_107 = arith.constant 4 : i32
      %add3A_108 = arith.addi %sub3A_104, %add3A_107 : i32
      %lt3A_109 = arith.constant 40 : i32
      %lt3A_110 = arith.cmpi slt, %add3A_108, %lt3A_109 : i32
      %and3A_111 = arith.andi %ge3A_106, %lt3A_110 : i1
      %convert_element_type3A_112 = arith.extui %and3A_111 : i1 to i32
      %cond3A_113 = arith.constant 0 : i32
      %cond3A_114 = arith.cmpi ne, %convert_element_type3A_112, %cond3A_113 : i32
      scf.if %cond3A_114 {
        %dma_wait3A_167 = arith.constant 0 : i32
        %dma_wait3A_168 = tpu.memref_slice %arg8[%sub3A_104, %dma_wait3A_167] : memref<40x128xi32, #tpu.memory_space<vmem>> -> memref<1x128xi32, #tpu.memory_space<vmem>>
        %dma_wait3A_169 = tpu.memref_squeeze %dma_wait3A_168 : memref<1x128xi32, #tpu.memory_space<vmem>> -> memref<128xi32, #tpu.memory_space<vmem>>
        %dma_wait3A_170 = arith.constant 0 : i32
        %dma_wait3A_171 = arith.constant 0 : i32
        %dma_wait3A_172 = tpu.memref_slice %arg13[%dma_wait3A_170, %dma_wait3A_171] : memref<10240x16xf32, #tpu.memory_space<vmem_shared>> -> memref<10240x16xf32, #tpu.memory_space<vmem_shared>>
        tpu.wait_indirect_dma semaphore(%arg21 : memref<!tpu.dma_semaphore, #tpu.memory_space<semaphore_mem>>) src(%arg12 : memref<128x16xf32, #tpu.memory_space<vmem>>) dst(%dma_wait3A_172 : memref<10240x16xf32, #tpu.memory_space<vmem_shared>>)
        %add3A_173 = arith.constant 4 : i32
        %add3A_174 = arith.addi %sub3A_104, %add3A_173 : i32
        %dma_start3A_175 = arith.constant 0 : i32
        %dma_start3A_176 = tpu.memref_slice %arg7[%add3A_174, %dma_start3A_175] : memref<40x128xi32, #tpu.memory_space<vmem>> -> memref<1x128xi32, #tpu.memory_space<vmem>>
        %dma_start3A_177 = tpu.memref_squeeze %dma_start3A_176 : memref<1x128xi32, #tpu.memory_space<vmem>> -> memref<128xi32, #tpu.memory_space<vmem>>
        %dma_start3A_178 = arith.constant 0 : i32
        %dma_start3A_179 = arith.constant 0 : i32
        %dma_start3A_180 = tpu.memref_slice %arg2[%dma_start3A_178, %dma_start3A_179] : memref<10000x16xf32, #tpu.memory_space<hbm>> -> memref<10000x16xf32, #tpu.memory_space<hbm>>
        tpu.enqueue_indirect_dma source(%dma_start3A_180 : memref<10000x16xf32, #tpu.memory_space<hbm>>) target(%arg12 : memref<128x16xf32, #tpu.memory_space<vmem>>) offsets(%dma_start3A_177 : memref<128xi32, #tpu.memory_space<vmem>>) semaphore(%arg17 : memref<!tpu.dma_semaphore, #tpu.memory_space<semaphore_mem>>)
      } else {
      }
      %add3A_115 = arith.constant 2 : i32
      %add3A_116 = arith.addi %add3A_68, %add3A_115 : i32
      %dma_wait3A_117 = arith.constant 0 : i32
      %dma_wait3A_118 = tpu.memref_slice %arg7[%add3A_116, %dma_wait3A_117] : memref<40x128xi32, #tpu.memory_space<vmem>> -> memref<1x128xi32, #tpu.memory_space<vmem>>
      %dma_wait3A_119 = tpu.memref_squeeze %dma_wait3A_118 : memref<1x128xi32, #tpu.memory_space<vmem>> -> memref<128xi32, #tpu.memory_space<vmem>>
      %dma_wait3A_120 = arith.constant 0 : i32
      %dma_wait3A_121 = arith.constant 0 : i32
      %dma_wait3A_122 = tpu.memref_slice %arg2[%dma_wait3A_120, %dma_wait3A_121] : memref<10000x16xf32, #tpu.memory_space<hbm>> -> memref<10000x16xf32, #tpu.memory_space<hbm>>
      tpu.wait_indirect_dma semaphore(%arg16 : memref<!tpu.dma_semaphore, #tpu.memory_space<semaphore_mem>>) src(%dma_wait3A_122 : memref<10000x16xf32, #tpu.memory_space<hbm>>) dst(%arg11 : memref<128x16xf32, #tpu.memory_space<vmem>>)
      %dma_start3A_123 = arith.constant 0 : i32
      %dma_start3A_124 = tpu.memref_slice %arg8[%add3A_116, %dma_start3A_123] : memref<40x128xi32, #tpu.memory_space<vmem>> -> memref<1x128xi32, #tpu.memory_space<vmem>>
      %dma_start3A_125 = tpu.memref_squeeze %dma_start3A_124 : memref<1x128xi32, #tpu.memory_space<vmem>> -> memref<128xi32, #tpu.memory_space<vmem>>
      %dma_start3A_126 = arith.constant 0 : i32
      %dma_start3A_127 = arith.constant 0 : i32
      %dma_start3A_128 = tpu.memref_slice %arg13[%dma_start3A_126, %dma_start3A_127] : memref<10240x16xf32, #tpu.memory_space<vmem_shared>> -> memref<10240x16xf32, #tpu.memory_space<vmem_shared>>
      tpu.enqueue_indirect_dma source(%arg11 : memref<128x16xf32, #tpu.memory_space<vmem>>) target(%dma_start3A_128 : memref<10240x16xf32, #tpu.memory_space<vmem_shared>>) offsets(%dma_start3A_125 : memref<128xi32, #tpu.memory_space<vmem>>) semaphore(%arg20 : memref<!tpu.dma_semaphore, #tpu.memory_space<semaphore_mem>>) {add = true}
      %sub3A_129 = arith.constant 2 : i32
      %sub3A_130 = arith.subi %add3A_116, %sub3A_129 : i32
      %ge3A_131 = arith.constant 0 : i32
      %ge3A_132 = arith.cmpi sge, %sub3A_130, %ge3A_131 : i32
      %add3A_133 = arith.constant 4 : i32
      %add3A_134 = arith.addi %sub3A_130, %add3A_133 : i32
      %lt3A_135 = arith.constant 40 : i32
      %lt3A_136 = arith.cmpi slt, %add3A_134, %lt3A_135 : i32
      %and3A_137 = arith.andi %ge3A_132, %lt3A_136 : i1
      %convert_element_type3A_138 = arith.extui %and3A_137 : i1 to i32
      %cond3A_139 = arith.constant 0 : i32
      %cond3A_140 = arith.cmpi ne, %convert_element_type3A_138, %cond3A_139 : i32
      scf.if %cond3A_140 {
        %dma_wait3A_167 = arith.constant 0 : i32
        %dma_wait3A_168 = tpu.memref_slice %arg8[%sub3A_130, %dma_wait3A_167] : memref<40x128xi32, #tpu.memory_space<vmem>> -> memref<1x128xi32, #tpu.memory_space<vmem>>
        %dma_wait3A_169 = tpu.memref_squeeze %dma_wait3A_168 : memref<1x128xi32, #tpu.memory_space<vmem>> -> memref<128xi32, #tpu.memory_space<vmem>>
        %dma_wait3A_170 = arith.constant 0 : i32
        %dma_wait3A_171 = arith.constant 0 : i32
        %dma_wait3A_172 = tpu.memref_slice %arg13[%dma_wait3A_170, %dma_wait3A_171] : memref<10240x16xf32, #tpu.memory_space<vmem_shared>> -> memref<10240x16xf32, #tpu.memory_space<vmem_shared>>
        tpu.wait_indirect_dma semaphore(%arg18 : memref<!tpu.dma_semaphore, #tpu.memory_space<semaphore_mem>>) src(%arg9 : memref<128x16xf32, #tpu.memory_space<vmem>>) dst(%dma_wait3A_172 : memref<10240x16xf32, #tpu.memory_space<vmem_shared>>)
        %add3A_173 = arith.constant 4 : i32
        %add3A_174 = arith.addi %sub3A_130, %add3A_173 : i32
        %dma_start3A_175 = arith.constant 0 : i32
        %dma_start3A_176 = tpu.memref_slice %arg7[%add3A_174, %dma_start3A_175] : memref<40x128xi32, #tpu.memory_space<vmem>> -> memref<1x128xi32, #tpu.memory_space<vmem>>
        %dma_start3A_177 = tpu.memref_squeeze %dma_start3A_176 : memref<1x128xi32, #tpu.memory_space<vmem>> -> memref<128xi32, #tpu.memory_space<vmem>>
        %dma_start3A_178 = arith.constant 0 : i32
        %dma_start3A_179 = arith.constant 0 : i32
        %dma_start3A_180 = tpu.memref_slice %arg2[%dma_start3A_178, %dma_start3A_179] : memref<10000x16xf32, #tpu.memory_space<hbm>> -> memref<10000x16xf32, #tpu.memory_space<hbm>>
        tpu.enqueue_indirect_dma source(%dma_start3A_180 : memref<10000x16xf32, #tpu.memory_space<hbm>>) target(%arg9 : memref<128x16xf32, #tpu.memory_space<vmem>>) offsets(%dma_start3A_177 : memref<128xi32, #tpu.memory_space<vmem>>) semaphore(%arg14 : memref<!tpu.dma_semaphore, #tpu.memory_space<semaphore_mem>>)
      } else {
      }
      %add3A_141 = arith.constant 3 : i32
      %add3A_142 = arith.addi %add3A_68, %add3A_141 : i32
      %dma_wait3A_143 = arith.constant 0 : i32
      %dma_wait3A_144 = tpu.memref_slice %arg7[%add3A_142, %dma_wait3A_143] : memref<40x128xi32, #tpu.memory_space<vmem>> -> memref<1x128xi32, #tpu.memory_space<vmem>>
      %dma_wait3A_145 = tpu.memref_squeeze %dma_wait3A_144 : memref<1x128xi32, #tpu.memory_space<vmem>> -> memref<128xi32, #tpu.memory_space<vmem>>
      %dma_wait3A_146 = arith.constant 0 : i32
      %dma_wait3A_147 = arith.constant 0 : i32
      %dma_wait3A_148 = tpu.memref_slice %arg2[%dma_wait3A_146, %dma_wait3A_147] : memref<10000x16xf32, #tpu.memory_space<hbm>> -> memref<10000x16xf32, #tpu.memory_space<hbm>>
      tpu.wait_indirect_dma semaphore(%arg17 : memref<!tpu.dma_semaphore, #tpu.memory_space<semaphore_mem>>) src(%dma_wait3A_148 : memref<10000x16xf32, #tpu.memory_space<hbm>>) dst(%arg12 : memref<128x16xf32, #tpu.memory_space<vmem>>)
      %dma_start3A_149 = arith.constant 0 : i32
      %dma_start3A_150 = tpu.memref_slice %arg8[%add3A_142, %dma_start3A_149] : memref<40x128xi32, #tpu.memory_space<vmem>> -> memref<1x128xi32, #tpu.memory_space<vmem>>
      %dma_start3A_151 = tpu.memref_squeeze %dma_start3A_150 : memref<1x128xi32, #tpu.memory_space<vmem>> -> memref<128xi32, #tpu.memory_space<vmem>>
      %dma_start3A_152 = arith.constant 0 : i32
      %dma_start3A_153 = arith.constant 0 : i32
      %dma_start3A_154 = tpu.memref_slice %arg13[%dma_start3A_152, %dma_start3A_153] : memref<10240x16xf32, #tpu.memory_space<vmem_shared>> -> memref<10240x16xf32, #tpu.memory_space<vmem_shared>>
      tpu.enqueue_indirect_dma source(%arg12 : memref<128x16xf32, #tpu.memory_space<vmem>>) target(%dma_start3A_154 : memref<10240x16xf32, #tpu.memory_space<vmem_shared>>) offsets(%dma_start3A_151 : memref<128xi32, #tpu.memory_space<vmem>>) semaphore(%arg21 : memref<!tpu.dma_semaphore, #tpu.memory_space<semaphore_mem>>) {add = true}
      %sub3A_155 = arith.constant 2 : i32
      %sub3A_156 = arith.subi %add3A_142, %sub3A_155 : i32
      %ge3A_157 = arith.constant 0 : i32
      %ge3A_158 = arith.cmpi sge, %sub3A_156, %ge3A_157 : i32
      %add3A_159 = arith.constant 4 : i32
      %add3A_160 = arith.addi %sub3A_156, %add3A_159 : i32
      %lt3A_161 = arith.constant 40 : i32
      %lt3A_162 = arith.cmpi slt, %add3A_160, %lt3A_161 : i32
      %and3A_163 = arith.andi %ge3A_158, %lt3A_162 : i1
      %convert_element_type3A_164 = arith.extui %and3A_163 : i1 to i32
      %cond3A_165 = arith.constant 0 : i32
      %cond3A_166 = arith.cmpi ne, %convert_element_type3A_164, %cond3A_165 : i32
      scf.if %cond3A_166 {
        %dma_wait3A_167 = arith.constant 0 : i32
        %dma_wait3A_168 = tpu.memref_slice %arg8[%sub3A_156, %dma_wait3A_167] : memref<40x128xi32, #tpu.memory_space<vmem>> -> memref<1x128xi32, #tpu.memory_space<vmem>>
        %dma_wait3A_169 = tpu.memref_squeeze %dma_wait3A_168 : memref<1x128xi32, #tpu.memory_space<vmem>> -> memref<128xi32, #tpu.memory_space<vmem>>
        %dma_wait3A_170 = arith.constant 0 : i32
        %dma_wait3A_171 = arith.constant 0 : i32
        %dma_wait3A_172 = tpu.memref_slice %arg13[%dma_wait3A_170, %dma_wait3A_171] : memref<10240x16xf32, #tpu.memory_space<vmem_shared>> -> memref<10240x16xf32, #tpu.memory_space<vmem_shared>>
        tpu.wait_indirect_dma semaphore(%arg19 : memref<!tpu.dma_semaphore, #tpu.memory_space<semaphore_mem>>) src(%arg10 : memref<128x16xf32, #tpu.memory_space<vmem>>) dst(%dma_wait3A_172 : memref<10240x16xf32, #tpu.memory_space<vmem_shared>>)
        %add3A_173 = arith.constant 4 : i32
        %add3A_174 = arith.addi %sub3A_156, %add3A_173 : i32
        %dma_start3A_175 = arith.constant 0 : i32
        %dma_start3A_176 = tpu.memref_slice %arg7[%add3A_174, %dma_start3A_175] : memref<40x128xi32, #tpu.memory_space<vmem>> -> memref<1x128xi32, #tpu.memory_space<vmem>>
        %dma_start3A_177 = tpu.memref_squeeze %dma_start3A_176 : memref<1x128xi32, #tpu.memory_space<vmem>> -> memref<128xi32, #tpu.memory_space<vmem>>
        %dma_start3A_178 = arith.constant 0 : i32
        %dma_start3A_179 = arith.constant 0 : i32
        %dma_start3A_180 = tpu.memref_slice %arg2[%dma_start3A_178, %dma_start3A_179] : memref<10000x16xf32, #tpu.memory_space<hbm>> -> memref<10000x16xf32, #tpu.memory_space<hbm>>
        tpu.enqueue_indirect_dma source(%dma_start3A_180 : memref<10000x16xf32, #tpu.memory_space<hbm>>) target(%arg10 : memref<128x16xf32, #tpu.memory_space<vmem>>) offsets(%dma_start3A_177 : memref<128xi32, #tpu.memory_space<vmem>>) semaphore(%arg15 : memref<!tpu.dma_semaphore, #tpu.memory_space<semaphore_mem>>)
      } else {
      }
    }
    %scan3A_35 = arith.constant 10 : i32
    %dma_wait3A = arith.constant 36 : i32
    %dma_wait3A_36 = arith.constant 0 : i32
    %dma_wait3A_37 = tpu.memref_slice %arg8[%dma_wait3A, %dma_wait3A_36] : memref<40x128xi32, #tpu.memory_space<vmem>> -> memref<1x128xi32, #tpu.memory_space<vmem>>
    %dma_wait3A_38 = tpu.memref_squeeze %dma_wait3A_37 : memref<1x128xi32, #tpu.memory_space<vmem>> -> memref<128xi32, #tpu.memory_space<vmem>>
    %dma_wait3A_39 = arith.constant 0 : i32
    %dma_wait3A_40 = arith.constant 0 : i32
    %dma_wait3A_41 = tpu.memref_slice %arg13[%dma_wait3A_39, %dma_wait3A_40] : memref<10240x16xf32, #tpu.memory_space<vmem_shared>> -> memref<10240x16xf32, #tpu.memory_space<vmem_shared>>
    tpu.wait_indirect_dma semaphore(%arg18 : memref<!tpu.dma_semaphore, #tpu.memory_space<semaphore_mem>>) src(%arg9 : memref<128x16xf32, #tpu.memory_space<vmem>>) dst(%dma_wait3A_41 : memref<10240x16xf32, #tpu.memory_space<vmem_shared>>)
    %dma_wait3A_42 = arith.constant 37 : i32
    %dma_wait3A_43 = arith.constant 0 : i32
    %dma_wait3A_44 = tpu.memref_slice %arg8[%dma_wait3A_42, %dma_wait3A_43] : memref<40x128xi32, #tpu.memory_space<vmem>> -> memref<1x128xi32, #tpu.memory_space<vmem>>
    %dma_wait3A_45 = tpu.memref_squeeze %dma_wait3A_44 : memref<1x128xi32, #tpu.memory_space<vmem>> -> memref<128xi32, #tpu.memory_space<vmem>>
    %dma_wait3A_46 = arith.constant 0 : i32
    %dma_wait3A_47 = arith.constant 0 : i32
    %dma_wait3A_48 = tpu.memref_slice %arg13[%dma_wait3A_46, %dma_wait3A_47] : memref<10240x16xf32, #tpu.memory_space<vmem_shared>> -> memref<10240x16xf32, #tpu.memory_space<vmem_shared>>
    tpu.wait_indirect_dma semaphore(%arg19 : memref<!tpu.dma_semaphore, #tpu.memory_space<semaphore_mem>>) src(%arg10 : memref<128x16xf32, #tpu.memory_space<vmem>>) dst(%dma_wait3A_48 : memref<10240x16xf32, #tpu.memory_space<vmem_shared>>)
    %dma_wait3A_49 = arith.constant 38 : i32
    %dma_wait3A_50 = arith.constant 0 : i32
    %dma_wait3A_51 = tpu.memref_slice %arg8[%dma_wait3A_49, %dma_wait3A_50] : memref<40x128xi32, #tpu.memory_space<vmem>> -> memref<1x128xi32, #tpu.memory_space<vmem>>
    %dma_wait3A_52 = tpu.memref_squeeze %dma_wait3A_51 : memref<1x128xi32, #tpu.memory_space<vmem>> -> memref<128xi32, #tpu.memory_space<vmem>>
    %dma_wait3A_53 = arith.constant 0 : i32
    %dma_wait3A_54 = arith.constant 0 : i32
    %dma_wait3A_55 = tpu.memref_slice %arg13[%dma_wait3A_53, %dma_wait3A_54] : memref<10240x16xf32, #tpu.memory_space<vmem_shared>> -> memref<10240x16xf32, #tpu.memory_space<vmem_shared>>
    tpu.wait_indirect_dma semaphore(%arg20 : memref<!tpu.dma_semaphore, #tpu.memory_space<semaphore_mem>>) src(%arg11 : memref<128x16xf32, #tpu.memory_space<vmem>>) dst(%dma_wait3A_55 : memref<10240x16xf32, #tpu.memory_space<vmem_shared>>)
    %dma_wait3A_56 = arith.constant 39 : i32
    %dma_wait3A_57 = arith.constant 0 : i32
    %dma_wait3A_58 = tpu.memref_slice %arg8[%dma_wait3A_56, %dma_wait3A_57] : memref<40x128xi32, #tpu.memory_space<vmem>> -> memref<1x128xi32, #tpu.memory_space<vmem>>
    %dma_wait3A_59 = tpu.memref_squeeze %dma_wait3A_58 : memref<1x128xi32, #tpu.memory_space<vmem>> -> memref<128xi32, #tpu.memory_space<vmem>>
    %dma_wait3A_60 = arith.constant 0 : i32
    %dma_wait3A_61 = arith.constant 0 : i32
    %dma_wait3A_62 = tpu.memref_slice %arg13[%dma_wait3A_60, %dma_wait3A_61] : memref<10240x16xf32, #tpu.memory_space<vmem_shared>> -> memref<10240x16xf32, #tpu.memory_space<vmem_shared>>
    tpu.wait_indirect_dma semaphore(%arg21 : memref<!tpu.dma_semaphore, #tpu.memory_space<semaphore_mem>>) src(%arg12 : memref<128x16xf32, #tpu.memory_space<vmem>>) dst(%dma_wait3A_62 : memref<10240x16xf32, #tpu.memory_space<vmem_shared>>)
    %barrier3A_63 = arith.constant 0 : index
    tpu.barrier barrier_id(%barrier3A_63)
    "tpu.region"() ({
      %run_scoped3A = tpu.sem_alloc : memref<!tpu.dma_semaphore, #tpu.memory_space<semaphore_mem>>
      %dma_start3A_64 = arith.constant 0 : i32
      %dma_start3A_65 = arith.constant 0 : i32
      %dma_start3A_66 = tpu.memref_slice %arg6[%arg0, %dma_start3A_64, %dma_start3A_65] : memref<2x10240x16xf32, #tpu.memory_space<hbm>> -> memref<1x10240x16xf32, #tpu.memory_space<hbm>>
      %dma_start3A_67 = tpu.memref_squeeze %dma_start3A_66 : memref<1x10240x16xf32, #tpu.memory_space<hbm>> -> memref<10240x16xf32, #tpu.memory_space<hbm>>
      %dma_start3A_68 = arith.constant 0 : i32
      %dma_start3A_69 = tpu.memref_slice %dma_start3A_67[%mul3A_0, %dma_start3A_68] : memref<10240x16xf32, #tpu.memory_space<hbm>> -> memref<640x16xf32, #tpu.memory_space<hbm>>
      %dma_start3A_70 = arith.constant 0 : i32
      %dma_start3A_71 = tpu.memref_slice %arg13[%mul3A_0, %dma_start3A_70] : memref<10240x16xf32, #tpu.memory_space<vmem_shared>> -> memref<640x16xf32, #tpu.memory_space<vmem_shared>>
      tpu.enqueue_dma source(%dma_start3A_71 : memref<640x16xf32, #tpu.memory_space<vmem_shared>>) target(%dma_start3A_69 : memref<640x16xf32, #tpu.memory_space<hbm>>) target_semaphore(%run_scoped3A : memref<!tpu.dma_semaphore, #tpu.memory_space<semaphore_mem>>)
      %dma_wait3A_72 = arith.constant 0 : i32
      %dma_wait3A_73 = arith.constant 0 : i32
      %dma_wait3A_74 = tpu.memref_slice %arg6[%arg0, %dma_wait3A_72, %dma_wait3A_73] : memref<2x10240x16xf32, #tpu.memory_space<hbm>> -> memref<1x10240x16xf32, #tpu.memory_space<hbm>>
      %dma_wait3A_75 = tpu.memref_squeeze %dma_wait3A_74 : memref<1x10240x16xf32, #tpu.memory_space<hbm>> -> memref<10240x16xf32, #tpu.memory_space<hbm>>
      %dma_wait3A_76 = arith.constant 0 : i32
      %dma_wait3A_77 = tpu.memref_slice %dma_wait3A_75[%mul3A_0, %dma_wait3A_76] : memref<10240x16xf32, #tpu.memory_space<hbm>> -> memref<640x16xf32, #tpu.memory_space<hbm>>
      %dma_wait3A_78 = arith.constant 0 : i32
      %dma_wait3A_79 = tpu.memref_slice %arg13[%mul3A_0, %dma_wait3A_78] : memref<10240x16xf32, #tpu.memory_space<vmem_shared>> -> memref<640x16xf32, #tpu.memory_space<vmem_shared>>
      tpu.wait_dma2 semaphore(%run_scoped3A : memref<!tpu.dma_semaphore, #tpu.memory_space<semaphore_mem>>) src(%dma_wait3A_79 : memref<640x16xf32, #tpu.memory_space<vmem_shared>>) dst(%dma_wait3A_77 : memref<640x16xf32, #tpu.memory_space<hbm>>)
      tpu.yield
    }) : () -> ()
    return
  }
}

#map = affine_map<(d0, d1) -> (0, 0)>
#map1 = affine_map<(d0, d1) -> (0, 0, 0)>
module attributes {stable_mosaic.version = 14 : i64} {
  func.func @k(%arg0: i32, %arg1: i32, %arg2: memref<10000x256xbf16, #tpu.memory_space<hbm>>, %arg3: memref<1280x128xi32, #tpu.memory_space<hbm>>, %arg4: memref<1280x128xi32, #tpu.memory_space<hbm>>, %arg5: memref<640x256xbf16, #tpu.memory_space<hbm>>, %arg6: memref<2x10240x256xbf16, #tpu.memory_space<hbm>>, %arg7: memref<40x128xi32, #tpu.memory_space<vmem>>, %arg8: memref<40x128xi32, #tpu.memory_space<vmem>>, %arg9: memref<128x256xbf16, #tpu.memory_space<vmem>>, %arg10: memref<128x256xbf16, #tpu.memory_space<vmem>>, %arg11: memref<10240x256xbf16, #tpu.memory_space<vmem_shared>>, %arg12: memref<!tpu.dma_semaphore, #tpu.memory_space<semaphore_mem>>, %arg13: memref<!tpu.dma_semaphore, #tpu.memory_space<semaphore_mem>>, %arg14: memref<!tpu.dma_semaphore, #tpu.memory_space<semaphore_mem>>, %arg15: memref<!tpu.dma_semaphore, #tpu.memory_space<semaphore_mem>>) attributes {dimension_semantics = [#tpu.dimension_semantics<core_parallel>, #tpu.dimension_semantics<subcore_parallel>], iteration_bounds = array<i64: 2, 16>, scalar_prefetch = 0 : i64, scratch_operands = 9 : i64, tpu.core_type = #tpu.core_type<sc_vector_subcore>, window_params = [{transform_indices = #map}, {transform_indices = #map}, {transform_indices = #map}, {transform_indices = #map}, {transform_indices = #map1}]} {
    %mul3A = arith.constant 640 : i32
    %mul3A_0 = arith.muli %arg1, %mul3A : i32
    "tpu.region"() ({
      %run_scoped3A = tpu.sem_alloc : memref<!tpu.dma_semaphore, #tpu.memory_space<semaphore_mem>>
      %dma_start3A_36 = arith.constant 0 : i32
      %dma_start3A_37 = tpu.memref_slice %arg11[%mul3A_0, %dma_start3A_36] : memref<10240x256xbf16, #tpu.memory_space<vmem_shared>> -> memref<640x256xbf16, #tpu.memory_space<vmem_shared>>
      tpu.enqueue_dma source(%arg5 : memref<640x256xbf16, #tpu.memory_space<hbm>>) target(%dma_start3A_37 : memref<640x256xbf16, #tpu.memory_space<vmem_shared>>) target_semaphore(%run_scoped3A : memref<!tpu.dma_semaphore, #tpu.memory_space<semaphore_mem>>)
      %dma_wait3A_38 = arith.constant 0 : i32
      %dma_wait3A_39 = tpu.memref_slice %arg11[%mul3A_0, %dma_wait3A_38] : memref<10240x256xbf16, #tpu.memory_space<vmem_shared>> -> memref<640x256xbf16, #tpu.memory_space<vmem_shared>>
      tpu.wait_dma2 semaphore(%run_scoped3A : memref<!tpu.dma_semaphore, #tpu.memory_space<semaphore_mem>>) src(%arg5 : memref<640x256xbf16, #tpu.memory_space<hbm>>) dst(%dma_wait3A_39 : memref<640x256xbf16, #tpu.memory_space<vmem_shared>>)
      tpu.yield
    }) : () -> ()
    %mul3A_1 = arith.constant 16 : i32
    %mul3A_2 = arith.muli %arg0, %mul3A_1 : i32
    %add3A = arith.addi %mul3A_2, %arg1 : i32
    %mul3A_3 = arith.constant 40 : i32
    %mul3A_4 = arith.muli %add3A, %mul3A_3 : i32
    "tpu.region"() ({
      %run_scoped3A = tpu.sem_alloc : memref<!tpu.dma_semaphore, #tpu.memory_space<semaphore_mem>>
      %dma_start3A_36 = arith.constant 0 : i32
      %dma_start3A_37 = tpu.memref_slice %arg3[%mul3A_4, %dma_start3A_36] : memref<1280x128xi32, #tpu.memory_space<hbm>> -> memref<40x128xi32, #tpu.memory_space<hbm>>
      %dma_start3A_38 = arith.constant 0 : i32
      %dma_start3A_39 = tpu.memref_slice %arg3[%mul3A_4, %dma_start3A_38] : memref<1280x128xi32, #tpu.memory_space<hbm>> -> memref<40x128xi32, #tpu.memory_space<hbm>>
      tpu.enqueue_dma source(%dma_start3A_39 : memref<40x128xi32, #tpu.memory_space<hbm>>) target(%arg7 : memref<40x128xi32, #tpu.memory_space<vmem>>) target_semaphore(%run_scoped3A : memref<!tpu.dma_semaphore, #tpu.memory_space<semaphore_mem>>)
      %dma_wait3A_40 = arith.constant 0 : i32
      %dma_wait3A_41 = tpu.memref_slice %arg3[%mul3A_4, %dma_wait3A_40] : memref<1280x128xi32, #tpu.memory_space<hbm>> -> memref<40x128xi32, #tpu.memory_space<hbm>>
      %dma_wait3A_42 = arith.constant 0 : i32
      %dma_wait3A_43 = tpu.memref_slice %arg3[%mul3A_4, %dma_wait3A_42] : memref<1280x128xi32, #tpu.memory_space<hbm>> -> memref<40x128xi32, #tpu.memory_space<hbm>>
      tpu.wait_dma2 semaphore(%run_scoped3A : memref<!tpu.dma_semaphore, #tpu.memory_space<semaphore_mem>>) src(%dma_wait3A_43 : memref<40x128xi32, #tpu.memory_space<hbm>>) dst(%arg7 : memref<40x128xi32, #tpu.memory_space<vmem>>)
      tpu.yield
    }) : () -> ()
    "tpu.region"() ({
      %run_scoped3A = tpu.sem_alloc : memref<!tpu.dma_semaphore, #tpu.memory_space<semaphore_mem>>
      %dma_start3A_36 = arith.constant 0 : i32
      %dma_start3A_37 = tpu.memref_slice %arg4[%mul3A_4, %dma_start3A_36] : memref<1280x128xi32, #tpu.memory_space<hbm>> -> memref<40x128xi32, #tpu.memory_space<hbm>>
      %dma_start3A_38 = arith.constant 0 : i32
      %dma_start3A_39 = tpu.memref_slice %arg4[%mul3A_4, %dma_start3A_38] : memref<1280x128xi32, #tpu.memory_space<hbm>> -> memref<40x128xi32, #tpu.memory_space<hbm>>
      tpu.enqueue_dma source(%dma_start3A_39 : memref<40x128xi32, #tpu.memory_space<hbm>>) target(%arg8 : memref<40x128xi32, #tpu.memory_space<vmem>>) target_semaphore(%run_scoped3A : memref<!tpu.dma_semaphore, #tpu.memory_space<semaphore_mem>>)
      %dma_wait3A_40 = arith.constant 0 : i32
      %dma_wait3A_41 = tpu.memref_slice %arg4[%mul3A_4, %dma_wait3A_40] : memref<1280x128xi32, #tpu.memory_space<hbm>> -> memref<40x128xi32, #tpu.memory_space<hbm>>
      %dma_wait3A_42 = arith.constant 0 : i32
      %dma_wait3A_43 = tpu.memref_slice %arg4[%mul3A_4, %dma_wait3A_42] : memref<1280x128xi32, #tpu.memory_space<hbm>> -> memref<40x128xi32, #tpu.memory_space<hbm>>
      tpu.wait_dma2 semaphore(%run_scoped3A : memref<!tpu.dma_semaphore, #tpu.memory_space<semaphore_mem>>) src(%dma_wait3A_43 : memref<40x128xi32, #tpu.memory_space<hbm>>) dst(%arg8 : memref<40x128xi32, #tpu.memory_space<vmem>>)
      tpu.yield
    }) : () -> ()
    %dma_start3A = arith.constant 0 : i32
    %dma_start3A_5 = arith.constant 0 : i32
    %dma_start3A_6 = tpu.memref_slice %arg7[%dma_start3A, %dma_start3A_5] : memref<40x128xi32, #tpu.memory_space<vmem>> -> memref<1x128xi32, #tpu.memory_space<vmem>>
    %dma_start3A_7 = tpu.memref_squeeze %dma_start3A_6 : memref<1x128xi32, #tpu.memory_space<vmem>> -> memref<128xi32, #tpu.memory_space<vmem>>
    %dma_start3A_8 = arith.constant 0 : i32
    %dma_start3A_9 = arith.constant 0 : i32
    %dma_start3A_10 = tpu.memref_slice %arg2[%dma_start3A_8, %dma_start3A_9] : memref<10000x256xbf16, #tpu.memory_space<hbm>> -> memref<10000x256xbf16, #tpu.memory_space<hbm>>
    tpu.enqueue_indirect_dma source(%dma_start3A_10 : memref<10000x256xbf16, #tpu.memory_space<hbm>>) target(%arg9 : memref<128x256xbf16, #tpu.memory_space<vmem>>) offsets(%dma_start3A_7 : memref<128xi32, #tpu.memory_space<vmem>>) semaphore(%arg12 : memref<!tpu.dma_semaphore, #tpu.memory_space<semaphore_mem>>)
    %dma_start3A_11 = arith.constant 1 : i32
    %dma_start3A_12 = arith.constant 0 : i32
    %dma_start3A_13 = tpu.memref_slice %arg7[%dma_start3A_11, %dma_start3A_12] : memref<40x128xi32, #tpu.memory_space<vmem>> -> memref<1x128xi32, #tpu.memory_space<vmem>>
    %dma_start3A_14 = tpu.memref_squeeze %dma_start3A_13 : memref<1x128xi32, #tpu.memory_space<vmem>> -> memref<128xi32, #tpu.memory_space<vmem>>
    %dma_start3A_15 = arith.constant 0 : i32
    %dma_start3A_16 = arith.constant 0 : i32
    %dma_start3A_17 = tpu.memref_slice %arg2[%dma_start3A_15, %dma_start3A_16] : memref<10000x256xbf16, #tpu.memory_space<hbm>> -> memref<10000x256xbf16, #tpu.memory_space<hbm>>
    tpu.enqueue_indirect_dma source(%dma_start3A_17 : memref<10000x256xbf16, #tpu.memory_space<hbm>>) target(%arg10 : memref<128x256xbf16, #tpu.memory_space<vmem>>) offsets(%dma_start3A_14 : memref<128xi32, #tpu.memory_space<vmem>>) semaphore(%arg13 : memref<!tpu.dma_semaphore, #tpu.memory_space<semaphore_mem>>)
    %barrier3A = arith.constant 0 : index
    tpu.barrier barrier_id(%barrier3A)
    %scan3A = arith.constant 0 : i32
    %scan3A_18 = arith.constant 20 : i32
    %scan3A_19 = arith.addi %scan3A, %scan3A_18 : i32
    %scan3A_20 = arith.constant 1 : i32
    scf.for %scan3A_36 = %scan3A to %scan3A_19 step %scan3A_20  : i32 {
      %mul3A_37 = arith.constant 2 : i32
      %mul3A_38 = arith.muli %scan3A_36, %mul3A_37 : i32
      %add3A_39 = arith.constant 0 : i32
      %add3A_40 = arith.addi %add3A_39, %mul3A_38 : i32
      %add3A_41 = arith.constant 0 : i32
      %add3A_42 = arith.addi %add3A_40, %add3A_41 : i32
      %dma_wait3A_43 = arith.constant 0 : i32
      %dma_wait3A_44 = tpu.memref_slice %arg7[%add3A_42, %dma_wait3A_43] : memref<40x128xi32, #tpu.memory_space<vmem>> -> memref<1x128xi32, #tpu.memory_space<vmem>>
      %dma_wait3A_45 = tpu.memref_squeeze %dma_wait3A_44 : memref<1x128xi32, #tpu.memory_space<vmem>> -> memref<128xi32, #tpu.memory_space<vmem>>
      %dma_wait3A_46 = arith.constant 0 : i32
      %dma_wait3A_47 = arith.constant 0 : i32
      %dma_wait3A_48 = tpu.memref_slice %arg2[%dma_wait3A_46, %dma_wait3A_47] : memref<10000x256xbf16, #tpu.memory_space<hbm>> -> memref<10000x256xbf16, #tpu.memory_space<hbm>>
      tpu.wait_indirect_dma semaphore(%arg12 : memref<!tpu.dma_semaphore, #tpu.memory_space<semaphore_mem>>) src(%dma_wait3A_48 : memref<10000x256xbf16, #tpu.memory_space<hbm>>) dst(%arg9 : memref<128x256xbf16, #tpu.memory_space<vmem>>)
      %dma_start3A_49 = arith.constant 0 : i32
      %dma_start3A_50 = tpu.memref_slice %arg8[%add3A_42, %dma_start3A_49] : memref<40x128xi32, #tpu.memory_space<vmem>> -> memref<1x128xi32, #tpu.memory_space<vmem>>
      %dma_start3A_51 = tpu.memref_squeeze %dma_start3A_50 : memref<1x128xi32, #tpu.memory_space<vmem>> -> memref<128xi32, #tpu.memory_space<vmem>>
      %dma_start3A_52 = arith.constant 0 : i32
      %dma_start3A_53 = arith.constant 0 : i32
      %dma_start3A_54 = tpu.memref_slice %arg11[%dma_start3A_52, %dma_start3A_53] : memref<10240x256xbf16, #tpu.memory_space<vmem_shared>> -> memref<10240x256xbf16, #tpu.memory_space<vmem_shared>>
      tpu.enqueue_indirect_dma source(%arg9 : memref<128x256xbf16, #tpu.memory_space<vmem>>) target(%dma_start3A_54 : memref<10240x256xbf16, #tpu.memory_space<vmem_shared>>) offsets(%dma_start3A_51 : memref<128xi32, #tpu.memory_space<vmem>>) semaphore(%arg14 : memref<!tpu.dma_semaphore, #tpu.memory_space<semaphore_mem>>) {add = true}
      %sub3A = arith.constant 0 : i32
      %sub3A_55 = arith.subi %add3A_42, %sub3A : i32
      %ge3A = arith.constant 0 : i32
      %ge3A_56 = arith.cmpi sge, %sub3A_55, %ge3A : i32
      %add3A_57 = arith.constant 2 : i32
      %add3A_58 = arith.addi %sub3A_55, %add3A_57 : i32
      %lt3A = arith.constant 40 : i32
      %lt3A_59 = arith.cmpi slt, %add3A_58, %lt3A : i32
      %and3A = arith.andi %ge3A_56, %lt3A_59 : i1
      %convert_element_type3A = arith.extui %and3A : i1 to i32
      %cond3A = arith.constant 0 : i32
      %cond3A_60 = arith.cmpi ne, %convert_element_type3A, %cond3A : i32
      scf.if %cond3A_60 {
        %dma_wait3A_87 = arith.constant 0 : i32
        %dma_wait3A_88 = tpu.memref_slice %arg8[%sub3A_55, %dma_wait3A_87] : memref<40x128xi32, #tpu.memory_space<vmem>> -> memref<1x128xi32, #tpu.memory_space<vmem>>
        %dma_wait3A_89 = tpu.memref_squeeze %dma_wait3A_88 : memref<1x128xi32, #tpu.memory_space<vmem>> -> memref<128xi32, #tpu.memory_space<vmem>>
        %dma_wait3A_90 = arith.constant 0 : i32
        %dma_wait3A_91 = arith.constant 0 : i32
        %dma_wait3A_92 = tpu.memref_slice %arg11[%dma_wait3A_90, %dma_wait3A_91] : memref<10240x256xbf16, #tpu.memory_space<vmem_shared>> -> memref<10240x256xbf16, #tpu.memory_space<vmem_shared>>
        tpu.wait_indirect_dma semaphore(%arg14 : memref<!tpu.dma_semaphore, #tpu.memory_space<semaphore_mem>>) src(%arg9 : memref<128x256xbf16, #tpu.memory_space<vmem>>) dst(%dma_wait3A_92 : memref<10240x256xbf16, #tpu.memory_space<vmem_shared>>)
        %add3A_93 = arith.constant 2 : i32
        %add3A_94 = arith.addi %sub3A_55, %add3A_93 : i32
        %dma_start3A_95 = arith.constant 0 : i32
        %dma_start3A_96 = tpu.memref_slice %arg7[%add3A_94, %dma_start3A_95] : memref<40x128xi32, #tpu.memory_space<vmem>> -> memref<1x128xi32, #tpu.memory_space<vmem>>
        %dma_start3A_97 = tpu.memref_squeeze %dma_start3A_96 : memref<1x128xi32, #tpu.memory_space<vmem>> -> memref<128xi32, #tpu.memory_space<vmem>>
        %dma_start3A_98 = arith.constant 0 : i32
        %dma_start3A_99 = arith.constant 0 : i32
        %dma_start3A_100 = tpu.memref_slice %arg2[%dma_start3A_98, %dma_start3A_99] : memref<10000x256xbf16, #tpu.memory_space<hbm>> -> memref<10000x256xbf16, #tpu.memory_space<hbm>>
        tpu.enqueue_indirect_dma source(%dma_start3A_100 : memref<10000x256xbf16, #tpu.memory_space<hbm>>) target(%arg9 : memref<128x256xbf16, #tpu.memory_space<vmem>>) offsets(%dma_start3A_97 : memref<128xi32, #tpu.memory_space<vmem>>) semaphore(%arg12 : memref<!tpu.dma_semaphore, #tpu.memory_space<semaphore_mem>>)
      } else {
      }
      %add3A_61 = arith.constant 1 : i32
      %add3A_62 = arith.addi %add3A_40, %add3A_61 : i32
      %dma_wait3A_63 = arith.constant 0 : i32
      %dma_wait3A_64 = tpu.memref_slice %arg7[%add3A_62, %dma_wait3A_63] : memref<40x128xi32, #tpu.memory_space<vmem>> -> memref<1x128xi32, #tpu.memory_space<vmem>>
      %dma_wait3A_65 = tpu.memref_squeeze %dma_wait3A_64 : memref<1x128xi32, #tpu.memory_space<vmem>> -> memref<128xi32, #tpu.memory_space<vmem>>
      %dma_wait3A_66 = arith.constant 0 : i32
      %dma_wait3A_67 = arith.constant 0 : i32
      %dma_wait3A_68 = tpu.memref_slice %arg2[%dma_wait3A_66, %dma_wait3A_67] : memref<10000x256xbf16, #tpu.memory_space<hbm>> -> memref<10000x256xbf16, #tpu.memory_space<hbm>>
      tpu.wait_indirect_dma semaphore(%arg13 : memref<!tpu.dma_semaphore, #tpu.memory_space<semaphore_mem>>) src(%dma_wait3A_68 : memref<10000x256xbf16, #tpu.memory_space<hbm>>) dst(%arg10 : memref<128x256xbf16, #tpu.memory_space<vmem>>)
      %dma_start3A_69 = arith.constant 0 : i32
      %dma_start3A_70 = tpu.memref_slice %arg8[%add3A_62, %dma_start3A_69] : memref<40x128xi32, #tpu.memory_space<vmem>> -> memref<1x128xi32, #tpu.memory_space<vmem>>
      %dma_start3A_71 = tpu.memref_squeeze %dma_start3A_70 : memref<1x128xi32, #tpu.memory_space<vmem>> -> memref<128xi32, #tpu.memory_space<vmem>>
      %dma_start3A_72 = arith.constant 0 : i32
      %dma_start3A_73 = arith.constant 0 : i32
      %dma_start3A_74 = tpu.memref_slice %arg11[%dma_start3A_72, %dma_start3A_73] : memref<10240x256xbf16, #tpu.memory_space<vmem_shared>> -> memref<10240x256xbf16, #tpu.memory_space<vmem_shared>>
      tpu.enqueue_indirect_dma source(%arg10 : memref<128x256xbf16, #tpu.memory_space<vmem>>) target(%dma_start3A_74 : memref<10240x256xbf16, #tpu.memory_space<vmem_shared>>) offsets(%dma_start3A_71 : memref<128xi32, #tpu.memory_space<vmem>>) semaphore(%arg15 : memref<!tpu.dma_semaphore, #tpu.memory_space<semaphore_mem>>) {add = true}
      %sub3A_75 = arith.constant 0 : i32
      %sub3A_76 = arith.subi %add3A_62, %sub3A_75 : i32
      %ge3A_77 = arith.constant 0 : i32
      %ge3A_78 = arith.cmpi sge, %sub3A_76, %ge3A_77 : i32
      %add3A_79 = arith.constant 2 : i32
      %add3A_80 = arith.addi %sub3A_76, %add3A_79 : i32
      %lt3A_81 = arith.constant 40 : i32
      %lt3A_82 = arith.cmpi slt, %add3A_80, %lt3A_81 : i32
      %and3A_83 = arith.andi %ge3A_78, %lt3A_82 : i1
      %convert_element_type3A_84 = arith.extui %and3A_83 : i1 to i32
      %cond3A_85 = arith.constant 0 : i32
      %cond3A_86 = arith.cmpi ne, %convert_element_type3A_84, %cond3A_85 : i32
      scf.if %cond3A_86 {
        %dma_wait3A_87 = arith.constant 0 : i32
        %dma_wait3A_88 = tpu.memref_slice %arg8[%sub3A_76, %dma_wait3A_87] : memref<40x128xi32, #tpu.memory_space<vmem>> -> memref<1x128xi32, #tpu.memory_space<vmem>>
        %dma_wait3A_89 = tpu.memref_squeeze %dma_wait3A_88 : memref<1x128xi32, #tpu.memory_space<vmem>> -> memref<128xi32, #tpu.memory_space<vmem>>
        %dma_wait3A_90 = arith.constant 0 : i32
        %dma_wait3A_91 = arith.constant 0 : i32
        %dma_wait3A_92 = tpu.memref_slice %arg11[%dma_wait3A_90, %dma_wait3A_91] : memref<10240x256xbf16, #tpu.memory_space<vmem_shared>> -> memref<10240x256xbf16, #tpu.memory_space<vmem_shared>>
        tpu.wait_indirect_dma semaphore(%arg15 : memref<!tpu.dma_semaphore, #tpu.memory_space<semaphore_mem>>) src(%arg10 : memref<128x256xbf16, #tpu.memory_space<vmem>>) dst(%dma_wait3A_92 : memref<10240x256xbf16, #tpu.memory_space<vmem_shared>>)
        %add3A_93 = arith.constant 2 : i32
        %add3A_94 = arith.addi %sub3A_76, %add3A_93 : i32
        %dma_start3A_95 = arith.constant 0 : i32
        %dma_start3A_96 = tpu.memref_slice %arg7[%add3A_94, %dma_start3A_95] : memref<40x128xi32, #tpu.memory_space<vmem>> -> memref<1x128xi32, #tpu.memory_space<vmem>>
        %dma_start3A_97 = tpu.memref_squeeze %dma_start3A_96 : memref<1x128xi32, #tpu.memory_space<vmem>> -> memref<128xi32, #tpu.memory_space<vmem>>
        %dma_start3A_98 = arith.constant 0 : i32
        %dma_start3A_99 = arith.constant 0 : i32
        %dma_start3A_100 = tpu.memref_slice %arg2[%dma_start3A_98, %dma_start3A_99] : memref<10000x256xbf16, #tpu.memory_space<hbm>> -> memref<10000x256xbf16, #tpu.memory_space<hbm>>
        tpu.enqueue_indirect_dma source(%dma_start3A_100 : memref<10000x256xbf16, #tpu.memory_space<hbm>>) target(%arg10 : memref<128x256xbf16, #tpu.memory_space<vmem>>) offsets(%dma_start3A_97 : memref<128xi32, #tpu.memory_space<vmem>>) semaphore(%arg13 : memref<!tpu.dma_semaphore, #tpu.memory_space<semaphore_mem>>)
      } else {
      }
    }
    %scan3A_21 = arith.constant 20 : i32
    %dma_wait3A = arith.constant 38 : i32
    %dma_wait3A_22 = arith.constant 0 : i32
    %dma_wait3A_23 = tpu.memref_slice %arg8[%dma_wait3A, %dma_wait3A_22] : memref<40x128xi32, #tpu.memory_space<vmem>> -> memref<1x128xi32, #tpu.memory_space<vmem>>
    %dma_wait3A_24 = tpu.memref_squeeze %dma_wait3A_23 : memref<1x128xi32, #tpu.memory_space<vmem>> -> memref<128xi32, #tpu.memory_space<vmem>>
    %dma_wait3A_25 = arith.constant 0 : i32
    %dma_wait3A_26 = arith.constant 0 : i32
    %dma_wait3A_27 = tpu.memref_slice %arg11[%dma_wait3A_25, %dma_wait3A_26] : memref<10240x256xbf16, #tpu.memory_space<vmem_shared>> -> memref<10240x256xbf16, #tpu.memory_space<vmem_shared>>
    tpu.wait_indirect_dma semaphore(%arg14 : memref<!tpu.dma_semaphore, #tpu.memory_space<semaphore_mem>>) src(%arg9 : memref<128x256xbf16, #tpu.memory_space<vmem>>) dst(%dma_wait3A_27 : memref<10240x256xbf16, #tpu.memory_space<vmem_shared>>)
    %dma_wait3A_28 = arith.constant 39 : i32
    %dma_wait3A_29 = arith.constant 0 : i32
    %dma_wait3A_30 = tpu.memref_slice %arg8[%dma_wait3A_28, %dma_wait3A_29] : memref<40x128xi32, #tpu.memory_space<vmem>> -> memref<1x128xi32, #tpu.memory_space<vmem>>
    %dma_wait3A_31 = tpu.memref_squeeze %dma_wait3A_30 : memref<1x128xi32, #tpu.memory_space<vmem>> -> memref<128xi32, #tpu.memory_space<vmem>>
    %dma_wait3A_32 = arith.constant 0 : i32
    %dma_wait3A_33 = arith.constant 0 : i32
    %dma_wait3A_34 = tpu.memref_slice %arg11[%dma_wait3A_32, %dma_wait3A_33] : memref<10240x256xbf16, #tpu.memory_space<vmem_shared>> -> memref<10240x256xbf16, #tpu.memory_space<vmem_shared>>
    tpu.wait_indirect_dma semaphore(%arg15 : memref<!tpu.dma_semaphore, #tpu.memory_space<semaphore_mem>>) src(%arg10 : memref<128x256xbf16, #tpu.memory_space<vmem>>) dst(%dma_wait3A_34 : memref<10240x256xbf16, #tpu.memory_space<vmem_shared>>)
    %barrier3A_35 = arith.constant 0 : index
    tpu.barrier barrier_id(%barrier3A_35)
    "tpu.region"() ({
      %run_scoped3A = tpu.sem_alloc : memref<!tpu.dma_semaphore, #tpu.memory_space<semaphore_mem>>
      %dma_start3A_36 = arith.constant 0 : i32
      %dma_start3A_37 = arith.constant 0 : i32
      %dma_start3A_38 = tpu.memref_slice %arg6[%arg0, %dma_start3A_36, %dma_start3A_37] : memref<2x10240x256xbf16, #tpu.memory_space<hbm>> -> memref<1x10240x256xbf16, #tpu.memory_space<hbm>>
      %dma_start3A_39 = tpu.memref_squeeze %dma_start3A_38 : memref<1x10240x256xbf16, #tpu.memory_space<hbm>> -> memref<10240x256xbf16, #tpu.memory_space<hbm>>
      %dma_start3A_40 = arith.constant 0 : i32
      %dma_start3A_41 = tpu.memref_slice %dma_start3A_39[%mul3A_0, %dma_start3A_40] : memref<10240x256xbf16, #tpu.memory_space<hbm>> -> memref<640x256xbf16, #tpu.memory_space<hbm>>
      %dma_start3A_42 = arith.constant 0 : i32
      %dma_start3A_43 = tpu.memref_slice %arg11[%mul3A_0, %dma_start3A_42] : memref<10240x256xbf16, #tpu.memory_space<vmem_shared>> -> memref<640x256xbf16, #tpu.memory_space<vmem_shared>>
      tpu.enqueue_dma source(%dma_start3A_43 : memref<640x256xbf16, #tpu.memory_space<vmem_shared>>) target(%dma_start3A_41 : memref<640x256xbf16, #tpu.memory_space<hbm>>) target_semaphore(%run_scoped3A : memref<!tpu.dma_semaphore, #tpu.memory_space<semaphore_mem>>)
      %dma_wait3A_44 = arith.constant 0 : i32
      %dma_wait3A_45 = arith.constant 0 : i32
      %dma_wait3A_46 = tpu.memref_slice %arg6[%arg0, %dma_wait3A_44, %dma_wait3A_45] : memref<2x10240x256xbf16, #tpu.memory_space<hbm>> -> memref<1x10240x256xbf16, #tpu.memory_space<hbm>>
      %dma_wait3A_47 = tpu.memref_squeeze %dma_wait3A_46 : memref<1x10240x256xbf16, #tpu.memory_space<hbm>> -> memref<10240x256xbf16, #tpu.memory_space<hbm>>
      %dma_wait3A_48 = arith.constant 0 : i32
      %dma_wait3A_49 = tpu.memref_slice %dma_wait3A_47[%mul3A_0, %dma_wait3A_48] : memref<10240x256xbf16, #tpu.memory_space<hbm>> -> memref<640x256xbf16, #tpu.memory_space<hbm>>
      %dma_wait3A_50 = arith.constant 0 : i32
      %dma_wait3A_51 = tpu.memref_slice %arg11[%mul3A_0, %dma_wait3A_50] : memref<10240x256xbf16, #tpu.memory_space<vmem_shared>> -> memref<640x256xbf16, #tpu.memory_space<vmem_shared>>
      tpu.wait_dma2 semaphore(%run_scoped3A : memref<!tpu.dma_semaphore, #tpu.memory_space<semaphore_mem>>) src(%dma_wait3A_51 : memref<640x256xbf16, #tpu.memory_space<vmem_shared>>) dst(%dma_wait3A_49 : memref<640x256xbf16, #tpu.memory_space<hbm>>)
      tpu.yield
    }) : () -> ()
    return
  }
}

module attributes {stable_mosaic.version = 14 : i64} {
  func.func @body(%arg0: i32, %arg1: memref<1000x256xf32, #tpu.memory_space<vmem>>, %arg2: memref<256x256xf32, #tpu.memory_space<vmem>>, %arg3: memref<1000x256xf32, #tpu.memory_space<vmem>>) attributes {dimension_semantics = [#tpu.dimension_semantics<arbitrary>], iteration_bounds = array<i64: 10>, scalar_prefetch = 0 : i64, scratch_operands = 0 : i64, tpu.core_type = #tpu.core_type<tc>, window_params = [{transform_indices = @transform_0, window_bounds = array<i64: 1000, 256>}, {pipeline_mode = #tpu.pipeline_mode<synchronous>, transform_indices = @transform_1, window_bounds = array<i64: 256, 256>}, {transform_indices = @transform_2, window_bounds = array<i64: 1000, 256>}]} {
    %get3A = arith.constant 0 : index
    %get3A_0 = arith.constant 0 : index
    %get3A_1 = vector.load %arg1[%get3A, %get3A_0] : memref<1000x256xf32, #tpu.memory_space<vmem>>, vector<1000x256xf32>
    %get3A_2 = arith.constant 0 : index
    %get3A_3 = arith.constant 0 : index
    %get3A_4 = vector.load %arg2[%get3A_2, %get3A_3] : memref<256x256xf32, #tpu.memory_space<vmem>>, vector<256x256xf32>
    %dot_general3A = arith.constant dense<0.000000e+00> : vector<1000x256xf32>
    %dot_general3A_5 = tpu.matmul %get3A_1, %get3A_4, %dot_general3A {dimension_numbers = #tpu.dot_dimension_numbers<[1], [0], [0], [1], [0, 0, 1, 1], [], []>, precision = #tpu.contract_precision<fp32>, transpose_lhs_hint = false} : vector<1000x256xf32>, vector<256x256xf32>, vector<1000x256xf32> -> vector<1000x256xf32>
    %swap3A = arith.constant 0 : index
    %swap3A_6 = arith.constant 0 : index
    %swap3A_7 = vector.load %arg3[%swap3A, %swap3A_6] : memref<1000x256xf32, #tpu.memory_space<vmem>>, vector<1000x256xf32>
    tpu.vector_store %arg3[%swap3A, %swap3A_6], %dot_general3A_5 {strides = array<i32>} : memref<1000x256xf32, #tpu.memory_space<vmem>>, vector<1000x256xf32>,
    return
  }
  func.func @transform_0(%arg0: i32) -> (i32, i32) {
    %c0_i32 = arith.constant 0 : i32
    %c0_i32_0 = arith.constant 0 : i32
    return %arg0, %c0_i32 : i32, i32
  }
  func.func @transform_1(%arg0: i32) -> (i32, i32) {
    %c0_i32 = arith.constant 0 : i32
    %c0_i32_0 = arith.constant 0 : i32
    %c0_i32_1 = arith.constant 0 : i32
    return %c0_i32, %c0_i32_0 : i32, i32
  }
  func.func @transform_2(%arg0: i32) -> (i32, i32) {
    %c0_i32 = arith.constant 0 : i32
    %c0_i32_0 = arith.constant 0 : i32
    return %arg0, %c0_i32 : i32, i32
  }
}

module attributes {stable_mosaic.version = 14 : i64} {
  func.func @body(%arg0: i32, %arg1: memref<1000x256xf32, #tpu.memory_space<vmem>>, %arg2: memref<2x1000x16xf32, #tpu.memory_space<vmem>>, %arg3: memref<1000x256xbf16, #tpu.memory_space<vmem>>) attributes {dimension_semantics = [#tpu.dimension_semantics<arbitrary>], iteration_bounds = array<i64: 10>, scalar_prefetch = 0 : i64, scratch_operands = 0 : i64, tpu.core_type = #tpu.core_type<tc>, window_params = [{transform_indices = @transform_0, window_bounds = array<i64: 1000, 256>}, {transform_indices = @transform_1, window_bounds = array<i64: 2, 1000, 16>}, {transform_indices = @transform_2, window_bounds = array<i64: 1000, 256>}]} {
    %get3A = arith.constant 0 : index
    %get3A_0 = arith.constant 0 : index
    %get3A_1 = arith.constant 0 : index
    %get3A_2 = vector.load %arg2[%get3A, %get3A_0, %get3A_1] : memref<2x1000x16xf32, #tpu.memory_space<vmem>>, vector<1x1000x1xf32>
    %get3A_3 = vector.shape_cast %get3A_2 : vector<1x1000x1xf32> to vector<1000x1xf32>
    %get3A_4 = arith.constant 1 : index
    %get3A_5 = arith.constant 0 : index
    %get3A_6 = arith.constant 0 : index
    %get3A_7 = vector.load %arg2[%get3A_4, %get3A_5, %get3A_6] : memref<2x1000x16xf32, #tpu.memory_space<vmem>>, vector<1x1000x1xf32>
    %get3A_8 = vector.shape_cast %get3A_7 : vector<1x1000x1xf32> to vector<1000x1xf32>
    %add3A = arith.addf %get3A_3, %get3A_8 : vector<1000x1xf32>
    %add3A_9 = arith.constant 1.000000e+00 : f32
    %add3A_10 = vector.broadcast %add3A_9 : f32 to vector<1000x1xf32>
    %add3A_11 = arith.addf %add3A, %add3A_10 : vector<1000x1xf32>
    %rsqrt3A = math.rsqrt %add3A_11 : vector<1000x1xf32>
    %get3A_12 = arith.constant 0 : index
    %get3A_13 = arith.constant 0 : index
    %get3A_14 = vector.load %arg1[%get3A_12, %get3A_13] : memref<1000x256xf32, #tpu.memory_space<vmem>>, vector<1000x256xf32>
    %mul3A = vector.broadcast %rsqrt3A : vector<1000x1xf32> to vector<1000x256xf32>
    %mul3A_15 = arith.mulf %get3A_14, %mul3A : vector<1000x256xf32>
    %convert_element_type3A = arith.truncf %mul3A_15 : vector<1000x256xf32> to vector<1000x256xbf16>
    %swap3A = arith.constant 0 : index
    %swap3A_16 = arith.constant 0 : index
    %swap3A_17 = vector.load %arg3[%swap3A, %swap3A_16] : memref<1000x256xbf16, #tpu.memory_space<vmem>>, vector<1000x256xbf16>
    tpu.vector_store %arg3[%swap3A, %swap3A_16], %convert_element_type3A {strides = array<i32>} : memref<1000x256xbf16, #tpu.memory_space<vmem>>, vector<1000x256xbf16>,
    return
  }
  func.func @transform_0(%arg0: i32) -> (i32, i32) {
    %c0_i32 = arith.constant 0 : i32
    %c0_i32_0 = arith.constant 0 : i32
    return %arg0, %c0_i32 : i32, i32
  }
  func.func @transform_1(%arg0: i32) -> (i32, i32, i32) {
    %c0_i32 = arith.constant 0 : i32
    %c0_i32_0 = arith.constant 0 : i32
    %c0_i32_1 = arith.constant 0 : i32
    return %c0_i32, %arg0, %c0_i32_0 : i32, i32, i32
  }
  func.func @transform_2(%arg0: i32) -> (i32, i32) {
    %c0_i32 = arith.constant 0 : i32
    %c0_i32_0 = arith.constant 0 : i32
    return %arg0, %c0_i32 : i32, i32
  }
}

module attributes {stable_mosaic.version = 14 : i64} {
  func.func @body(%arg0: i32, %arg1: memref<2x1000x256xbf16, #tpu.memory_space<vmem>>, %arg2: memref<1000x256xbf16, #tpu.memory_space<vmem>>, %arg3: memref<2x1000x16xf32, #tpu.memory_space<vmem>>, %arg4: memref<1x256xf32, #tpu.memory_space<vmem>>, %arg5: memref<256x16xf32, #tpu.memory_space<vmem>>, %arg6: memref<1000x16xf32, #tpu.memory_space<vmem>>) attributes {dimension_semantics = [#tpu.dimension_semantics<arbitrary>], iteration_bounds = array<i64: 10>, scalar_prefetch = 0 : i64, scratch_operands = 0 : i64, tpu.core_type = #tpu.core_type<tc>, window_params = [{transform_indices = @transform_0, window_bounds = array<i64: 2, 1000, 256>}, {transform_indices = @transform_1, window_bounds = array<i64: 1000, 256>}, {transform_indices = @transform_2, window_bounds = array<i64: 2, 1000, 16>}, {pipeline_mode = #tpu.pipeline_mode<synchronous>, transform_indices = @transform_3, window_bounds = array<i64: 1, 256>}, {pipeline_mode = #tpu.pipeline_mode<synchronous>, transform_indices = @transform_4, window_bounds = array<i64: 256, 16>}, {transform_indices = @transform_5, window_bounds = array<i64: 1000, 16>}]} {
    %get3A = arith.constant 0 : index
    %get3A_0 = arith.constant 0 : index
    %get3A_1 = arith.constant 0 : index
    %get3A_2 = vector.load %arg3[%get3A, %get3A_0, %get3A_1] : memref<2x1000x16xf32, #tpu.memory_space<vmem>>, vector<1x1000x1xf32>
    %get3A_3 = vector.shape_cast %get3A_2 : vector<1x1000x1xf32> to vector<1000x1xf32>
    %get3A_4 = arith.constant 1 : index
    %get3A_5 = arith.constant 0 : index
    %get3A_6 = arith.constant 0 : index
    %get3A_7 = vector.load %arg3[%get3A_4, %get3A_5, %get3A_6] : memref<2x1000x16xf32, #tpu.memory_space<vmem>>, vector<1x1000x1xf32>
    %get3A_8 = vector.shape_cast %get3A_7 : vector<1x1000x1xf32> to vector<1000x1xf32>
    %add3A = arith.addf %get3A_3, %get3A_8 : vector<1000x1xf32>
    %add3A_9 = arith.constant 1.000000e+00 : f32
    %add3A_10 = vector.broadcast %add3A_9 : f32 to vector<1000x1xf32>
    %add3A_11 = arith.addf %add3A, %add3A_10 : vector<1000x1xf32>
    %rsqrt3A = math.rsqrt %add3A_11 : vector<1000x1xf32>
    %get3A_12 = arith.constant 0 : index
    %get3A_13 = arith.constant 0 : index
    %get3A_14 = arith.constant 0 : index
    %get3A_15 = vector.load %arg1[%get3A_12, %get3A_13, %get3A_14] : memref<2x1000x256xbf16, #tpu.memory_space<vmem>>, vector<1x1000x256xbf16>
    %get3A_16 = vector.shape_cast %get3A_15 : vector<1x1000x256xbf16> to vector<1000x256xbf16>
    %convert_element_type3A = arith.extf %get3A_16 : vector<1000x256xbf16> to vector<1000x256xf32>
    %get3A_17 = arith.constant 1 : index
    %get3A_18 = arith.constant 0 : index
    %get3A_19 = arith.constant 0 : index
    %get3A_20 = vector.load %arg1[%get3A_17, %get3A_18, %get3A_19] : memref<2x1000x256xbf16, #tpu.memory_space<vmem>>, vector<1x1000x256xbf16>
    %get3A_21 = vector.shape_cast %get3A_20 : vector<1x1000x256xbf16> to vector<1000x256xbf16>
    %convert_element_type3A_22 = arith.extf %get3A_21 : vector<1000x256xbf16> to vector<1000x256xf32>
    %add3A_23 = arith.addf %convert_element_type3A, %convert_element_type3A_22 : vector<1000x256xf32>
    %get3A_24 = arith.constant 0 : index
    %get3A_25 = arith.constant 0 : index
    %get3A_26 = vector.load %arg2[%get3A_24, %get3A_25] : memref<1000x256xbf16, #tpu.memory_space<vmem>>, vector<1000x256xbf16>
    %convert_element_type3A_27 = arith.extf %get3A_26 : vector<1000x256xbf16> to vector<1000x256xf32>
    %add3A_28 = arith.addf %add3A_23, %convert_element_type3A_27 : vector<1000x256xf32>
    %mul3A = vector.broadcast %rsqrt3A : vector<1000x1xf32> to vector<1000x256xf32>
    %mul3A_29 = arith.mulf %mul3A, %add3A_28 : vector<1000x256xf32>
    %get3A_30 = arith.constant 0 : index
    %get3A_31 = arith.constant 0 : index
    %get3A_32 = vector.load %arg4[%get3A_30, %get3A_31] : memref<1x256xf32, #tpu.memory_space<vmem>>, vector<1x256xf32>
    %add3A_33 = vector.broadcast %get3A_32 : vector<1x256xf32> to vector<1000x256xf32>
    %add3A_34 = arith.addf %mul3A_29, %add3A_33 : vector<1000x256xf32>
    %max3A = arith.constant 0.000000e+00 : f32
    %max3A_35 = vector.broadcast %max3A : f32 to vector<1000x256xf32>
    %max3A_36 = arith.maximumf %add3A_34, %max3A_35 : vector<1000x256xf32>
    %get3A_37 = arith.constant 0 : index
    %get3A_38 = arith.constant 0 : index
    %get3A_39 = vector.load %arg5[%get3A_37, %get3A_38] : memref<256x16xf32, #tpu.memory_space<vmem>>, vector<256x16xf32>
    %dot_general3A = arith.constant dense<0.000000e+00> : vector<1000x16xf32>
    %dot_general3A_40 = tpu.matmul %max3A_36, %get3A_39, %dot_general3A {dimension_numbers = #tpu.dot_dimension_numbers<[1], [0], [0], [1], [0, 0, 1, 1], [], []>, precision = #tpu.contract_precision<fp32>, transpose_lhs_hint = false} : vector<1000x256xf32>, vector<256x16xf32>, vector<1000x16xf32> -> vector<1000x16xf32>
    %mul3A_41 = vector.broadcast %rsqrt3A : vector<1000x1xf32> to vector<1000x16xf32>
    %mul3A_42 = arith.mulf %mul3A_41, %dot_general3A_40 : vector<1000x16xf32>
    %swap3A = arith.constant 0 : index
    %swap3A_43 = arith.constant 0 : index
    %swap3A_44 = vector.load %arg6[%swap3A, %swap3A_43] : memref<1000x16xf32, #tpu.memory_space<vmem>>, vector<1000x16xf32>
    tpu.vector_store %arg6[%swap3A, %swap3A_43], %mul3A_42 {strides = array<i32>} : memref<1000x16xf32, #tpu.memory_space<vmem>>, vector<1000x16xf32>,
    return
  }
  func.func @transform_0(%arg0: i32) -> (i32, i32, i32) {
    %c0_i32 = arith.constant 0 : i32
    %c0_i32_0 = arith.constant 0 : i32
    %c0_i32_1 = arith.constant 0 : i32
    return %c0_i32, %arg0, %c0_i32_0 : i32, i32, i32
  }
  func.func @transform_1(%arg0: i32) -> (i32, i32) {
    %c0_i32 = arith.constant 0 : i32
    %c0_i32_0 = arith.constant 0 : i32
    return %arg0, %c0_i32 : i32, i32
  }
  func.func @transform_2(%arg0: i32) -> (i32, i32, i32) {
    %c0_i32 = arith.constant 0 : i32
    %c0_i32_0 = arith.constant 0 : i32
    %c0_i32_1 = arith.constant 0 : i32
    return %c0_i32, %arg0, %c0_i32_0 : i32, i32, i32
  }
  func.func @transform_3(%arg0: i32) -> (i32, i32) {
    %c0_i32 = arith.constant 0 : i32
    %c0_i32_0 = arith.constant 0 : i32
    %c0_i32_1 = arith.constant 0 : i32
    return %c0_i32, %c0_i32_0 : i32, i32
  }
  func.func @transform_4(%arg0: i32) -> (i32, i32) {
    %c0_i32 = arith.constant 0 : i32
    %c0_i32_0 = arith.constant 0 : i32
    %c0_i32_1 = arith.constant 0 : i32
    return %c0_i32, %c0_i32_0 : i32, i32
  }
  func.func @transform_5(%arg0: i32) -> (i32, i32) {
    %c0_i32 = arith.constant 0 : i32
    %c0_i32_0 = arith.constant 0 : i32
    return %arg0, %c0_i32 : i32, i32
  }
}

module attributes {stable_mosaic.version = 14 : i64} {
  func.func @body(%arg0: i32, %arg1: memref<2x1000x16xf32, #tpu.memory_space<vmem>>, %arg2: memref<1000x16xf32, #tpu.memory_space<vmem>>, %arg3: memref<2x1000x16xf32, #tpu.memory_space<vmem>>, %arg4: memref<1x16xf32, #tpu.memory_space<vmem>>, %arg5: memref<1000x4xf32, #tpu.memory_space<vmem>>) attributes {dimension_semantics = [#tpu.dimension_semantics<arbitrary>], iteration_bounds = array<i64: 10>, scalar_prefetch = 0 : i64, scratch_operands = 0 : i64, tpu.core_type = #tpu.core_type<tc>, window_params = [{transform_indices = @transform_0, window_bounds = array<i64: 2, 1000, 16>}, {transform_indices = @transform_1, window_bounds = array<i64: 1000, 16>}, {transform_indices = @transform_2, window_bounds = array<i64: 2, 1000, 16>}, {pipeline_mode = #tpu.pipeline_mode<synchronous>, transform_indices = @transform_3, window_bounds = array<i64: 1, 16>}, {transform_indices = @transform_4, window_bounds = array<i64: 1000, 4>}]} {
    %get3A = arith.constant 0 : index
    %get3A_0 = arith.constant 0 : index
    %get3A_1 = arith.constant 0 : index
    %get3A_2 = vector.load %arg3[%get3A, %get3A_0, %get3A_1] : memref<2x1000x16xf32, #tpu.memory_space<vmem>>, vector<1x1000x1xf32>
    %get3A_3 = vector.shape_cast %get3A_2 : vector<1x1000x1xf32> to vector<1000x1xf32>
    %get3A_4 = arith.constant 1 : index
    %get3A_5 = arith.constant 0 : index
    %get3A_6 = arith.constant 0 : index
    %get3A_7 = vector.load %arg3[%get3A_4, %get3A_5, %get3A_6] : memref<2x1000x16xf32, #tpu.memory_space<vmem>>, vector<1x1000x1xf32>
    %get3A_8 = vector.shape_cast %get3A_7 : vector<1x1000x1xf32> to vector<1000x1xf32>
    %add3A = arith.addf %get3A_3, %get3A_8 : vector<1000x1xf32>
    %add3A_9 = arith.constant 1.000000e+00 : f32
    %add3A_10 = vector.broadcast %add3A_9 : f32 to vector<1000x1xf32>
    %add3A_11 = arith.addf %add3A, %add3A_10 : vector<1000x1xf32>
    %rsqrt3A = math.rsqrt %add3A_11 : vector<1000x1xf32>
    %get3A_12 = arith.constant 0 : index
    %get3A_13 = arith.constant 0 : index
    %get3A_14 = arith.constant 0 : index
    %get3A_15 = vector.load %arg1[%get3A_12, %get3A_13, %get3A_14] : memref<2x1000x16xf32, #tpu.memory_space<vmem>>, vector<1x1000x16xf32>
    %get3A_16 = vector.shape_cast %get3A_15 : vector<1x1000x16xf32> to vector<1000x16xf32>
    %get3A_17 = arith.constant 1 : index
    %get3A_18 = arith.constant 0 : index
    %get3A_19 = arith.constant 0 : index
    %get3A_20 = vector.load %arg1[%get3A_17, %get3A_18, %get3A_19] : memref<2x1000x16xf32, #tpu.memory_space<vmem>>, vector<1x1000x16xf32>
    %get3A_21 = vector.shape_cast %get3A_20 : vector<1x1000x16xf32> to vector<1000x16xf32>
    %add3A_22 = arith.addf %get3A_16, %get3A_21 : vector<1000x16xf32>
    %get3A_23 = arith.constant 0 : index
    %get3A_24 = arith.constant 0 : index
    %get3A_25 = vector.load %arg2[%get3A_23, %get3A_24] : memref<1000x16xf32, #tpu.memory_space<vmem>>, vector<1000x16xf32>
    %add3A_26 = arith.addf %add3A_22, %get3A_25 : vector<1000x16xf32>
    %mul3A = vector.broadcast %rsqrt3A : vector<1000x1xf32> to vector<1000x16xf32>
    %mul3A_27 = arith.mulf %mul3A, %add3A_26 : vector<1000x16xf32>
    %get3A_28 = arith.constant 0 : index
    %get3A_29 = arith.constant 0 : index
    %get3A_30 = vector.load %arg4[%get3A_28, %get3A_29] : memref<1x16xf32, #tpu.memory_space<vmem>>, vector<1x16xf32>
    %add3A_31 = vector.broadcast %get3A_30 : vector<1x16xf32> to vector<1000x16xf32>
    %add3A_32 = arith.addf %mul3A_27, %add3A_31 : vector<1000x16xf32>
    %iota3A = tpu.iota {dimensions = array<i32: 1>} : vector<1000x16xi32>
    %lt3A = arith.constant 4 : i32
    %lt3A_33 = vector.broadcast %lt3A : i32 to vector<1000x16xi32>
    %lt3A_34 = arith.cmpi slt, %iota3A, %lt3A_33 : vector<1000x16xi32>
    %jit3A = arith.constant 0xFF800000 : f32
    %broadcast_in_dim3A = vector.broadcast %jit3A : f32 to vector<1000x16xf32>
    %select_n3A = arith.select %lt3A_34, %add3A_32, %broadcast_in_dim3A : vector<1000x16xi1>, vector<1000x16xf32>
    %reduce_max3A = arith.constant dense<0xFF800000> : vector<1000xf32>
    %reduce_max3A_35 = vector.multi_reduction <maximumf>, %select_n3A, %reduce_max3A [1] : vector<1000x16xf32> to vector<1000xf32>
    %broadcast_in_dim3A_36 = vector.shape_cast %reduce_max3A_35 : vector<1000xf32> to vector<1000x1xf32>
    %sub3A = vector.broadcast %broadcast_in_dim3A_36 : vector<1000x1xf32> to vector<1000x16xf32>
    %sub3A_37 = arith.subf %add3A_32, %sub3A : vector<1000x16xf32>
    %exp3A = math.exp %sub3A_37 : vector<1000x16xf32>
    %jit3A_38 = arith.constant 0.000000e+00 : f32
    %broadcast_in_dim3A_39 = vector.broadcast %jit3A_38 : f32 to vector<1000x16xf32>
    %select_n3A_40 = arith.select %lt3A_34, %exp3A, %broadcast_in_dim3A_39 : vector<1000x16xi1>, vector<1000x16xf32>
    %reduce_sum3A = arith.constant dense<0.000000e+00> : vector<1000xf32>
    %reduce_sum3A_41 = vector.multi_reduction <add>, %select_n3A_40, %reduce_sum3A [1] : vector<1000x16xf32> to vector<1000xf32>
    %broadcast_in_dim3A_42 = vector.shape_cast %reduce_sum3A_41 : vector<1000xf32> to vector<1000x1xf32>
    %div3A = vector.broadcast %broadcast_in_dim3A_42 : vector<1000x1xf32> to vector<1000x16xf32>
    %div3A_43 = arith.divf %select_n3A_40, %div3A : vector<1000x16xf32>
    %slice3A = vector.extract_strided_slice %div3A_43 {offsets = [0, 0], sizes = [1000, 4], strides = [1, 1]} : vector<1000x16xf32> to vector<1000x4xf32>
    %swap3A = arith.constant 0 : index
    %swap3A_44 = arith.constant 0 : index
    %swap3A_45 = vector.load %arg5[%swap3A, %swap3A_44] : memref<1000x4xf32, #tpu.memory_space<vmem>>, vector<1000x4xf32>
    tpu.vector_store %arg5[%swap3A, %swap3A_44], %slice3A {strides = array<i32>} : memref<1000x4xf32, #tpu.memory_space<vmem>>, vector<1000x4xf32>,
    return
  }
  func.func @transform_0(%arg0: i32) -> (i32, i32, i32) {
    %c0_i32 = arith.constant 0 : i32
    %c0_i32_0 = arith.constant 0 : i32
    %c0_i32_1 = arith.constant 0 : i32
    return %c0_i32, %arg0, %c0_i32_0 : i32, i32, i32
  }
  func.func @transform_1(%arg0: i32) -> (i32, i32) {
    %c0_i32 = arith.constant 0 : i32
    %c0_i32_0 = arith.constant 0 : i32
    return %arg0, %c0_i32 : i32, i32
  }
  func.func @transform_2(%arg0: i32) -> (i32, i32, i32) {
    %c0_i32 = arith.constant 0 : i32
    %c0_i32_0 = arith.constant 0 : i32
    %c0_i32_1 = arith.constant 0 : i32
    return %c0_i32, %arg0, %c0_i32_0 : i32, i32, i32
  }
  func.func @transform_3(%arg0: i32) -> (i32, i32) {
    %c0_i32 = arith.constant 0 : i32
    %c0_i32_0 = arith.constant 0 : i32
    %c0_i32_1 = arith.constant 0 : i32
    return %c0_i32, %c0_i32_0 : i32, i32
  }
  func.func @transform_4(%arg0: i32) -> (i32, i32) {
    %c0_i32 = arith.constant 0 : i32
    %c0_i32_0 = arith.constant 0 : i32
    return %arg0, %c0_i32 : i32, i32
  }
}

</mosaic_0001>

<sc_bundles>
// kernel: kernel.12.cloned.1.call-start
scs
__scs_entry_jumppad:
0x0: {  	(pc) =	sbr.rel $0x88, $3  }
0x1: {  	(tag) =	ssettag $0x0;
	lr =	simm.s32 $0x1  }
0x2: {  	[smem:$0x3F9B] =	sst lr;
	_ =	strace $0xD0000000  }
0x3: {  	_ = 	snop  }
0x4: {  	_ = 	snop  }
0x5: {  	_ = 	snop  }
0x6: {  	_ = 	snop  }
0x7: {  	_ = 	snop  }
__scs_overlays_trampoline_lowered:
0x8: {  	[smem:$0x3FAA] =	sst s0  }
0x9: {  	[smem:$0x3FAB] =	sst s1  }
0xa: {  	[smem:$0x3FAC] =	sst s2  }
0xb: {  	[smem:$0x3FAD] =	sst s3  }
0xc: {  	[smem:$0x3FAE] =	sst s4  }
0xd: {  	[smem:$0x3FAF] =	sst s5  }
0xe: {  	[smem:$0x3FB0] =	sst s6  }
0xf: {  	[smem:$0x3FB1] =	sst s7  }
0x10: {  	[smem:$0x3FB2] =	sst s8  }
0x11: {  	[smem:$0x3FB3] =	sst s9;
	s0 =	simm.s32 @!p0 $0x0  }
0x12: {  	s1 =	sld [smem:$0x3F99];
	s0 =	simm.s32 @p0 $0x1  }
0x13: {  	[smem:$0x3FB4] =	sst s0;
	s0 =	simm.s32 @!p1 $0x0  }
0x14: {  	s2 =	sld [smem:$0x3F98];
	s0 =	simm.s32 @p1 $0x1  }
0x15: {  	[smem:$0x3FB5] =	sst s0;
	s0 =	simm.s32 @!p2 $0x0  }
0x16: {  	s3 =	sld [smem:$0x3FDB];
	s0 =	simm.s32 @p2 $0x1  }
0x17: {  	s4 =	simm.s32 $0x1BF5;
	[smem:$0x3FB7] =	sst s0  }
0x18: {  	s0 =	sld [smem:$0x3F9A];
	_ =	swait.ge [sflag:s4], $0x0  }
0x19: {  	s7 =	sld [smem:$0x3F9B]  }
0x1a: {  	s8 =	sadd.s32 $0xFFFFE003, lr  }
0x1b: {  	s9 =	sadd.s32 $0xFFFFFEF7, lr;
	s5 =	simm.s32 $0xFFFFFFFF;
	p2 =	slt.u32 s8, $0xFFFFF086  }
0x1c: {  	p1 =	slt.u32 s9, $0xF7A;
	s5 =	simm.s32 @!p2 $0x0  }
0x1d: {  	s5 =	simm.s32 @p1 $0x1;
	p0 =	seq.s32 s7, s2  }
0x1e: {  	s7 =	smul.u32 @!p0 $0xF7A, s2;
	p2 =	seq.s32 @!p0 s5, $0x0  }
0x1f: {  	s9 =	smul.u32 $0xF7A, s1;
	s8 =	simm.s32 @!p0 $0x1BF5;
	p2 =	por !p2, p0  }
0x20: {  	[sflag:s8] =	ssyncset.s32 @!p0 $0xFFFFF086;
	s6 =	sadd.s32 @!p0 s3, s7;
	s7 =	simm.s32 @!p0 $0x108  }
0x21: {  	s3 =	sadd.s32 s3, s9;
	s6 =	sadd.s32 @!p0 $0x88, s6;
	s7 =	simm.s32 @p2 $0x1082  }
0x22: {  	[simem:s7], [sflag:s8] =	dma.local @!p0 [hbm:s6], $0xF7A  }
0x23: {  	s9 =	sor.u32 $0xD0000000, s2;
	s6 =	simm.s32 $0x108;
	_ =	swait.ge @!p0 [sflag:s8], $0x0  }
0x24: {  	s3 =	sadd.s32 $0x88, s3;
	s6 =	simm.s32 @!p1 $0x1082;
	[sflag:s4] =	ssyncset.s32 $0xFFFFF086  }
0x25: {  	[simem:s6], [sflag:s4] =	dma.local [hbm:s3], $0xF7A  }
0x26: {  	[smem:$0x3F9B] =	sst s1;
	(tag) =	ssettag s2;
	_ =	strace s9  }
0x27: {  	s1 =	sld [smem:$0x3FAB]  }
0x28: {  	s2 =	sld [smem:$0x3FAC]  }
0x29: {  	s4 =	sld [smem:$0x3FAE]  }
0x2a: {  	p0 =	seq.s32 s5, $0x0;
	s5 =	sld [smem:$0x3FAF]  }
0x2b: {  	s6 =	sld [smem:$0x3FB0]  }
0x2c: {  	s7 =	sld [smem:$0x3FB1]  }
0x2d: {  	s3 =	simm.s32 $0x108;
	s8 =	sld [smem:$0x3FB2]  }
0x2e: {  	s3 =	simm.s32 @!p0 $0x1082;
	s9 =	sld [smem:$0x3FB3]  }
0x2f: {  	lr =	sadd.s32 s0, s3;
	s0 =	sld [smem:$0x3FAA]  }
0x30: {  	s3 =	sld [smem:$0x3FAD]  }
0x31: {  	[smem:$0x3FB6] =	sst s10  }
0x32: {  	s10 =	sld [smem:$0x3FB4];
	_ =	sdelay $0x3  }
0x33: {  	p0 =	seq.s32 s10, $0x1;
	s10 =	sld [smem:$0x3FB6];
	_ =	sdelay $0x3  }
0x34: {  	[smem:$0x3FB6] =	sst s10  }
0x35: {  	s10 =	sld [smem:$0x3FB5];
	_ =	sdelay $0x3  }
0x36: {  	p1 =	seq.s32 s10, $0x1;
	s10 =	sld [smem:$0x3FB6];
	_ =	sdelay $0x3  }
0x37: {  	[smem:$0x3FB6] =	sst s10  }
0x38: {  	s10 =	sld [smem:$0x3FB7]  }
0x39: {  	_ = 	snop;
	(pc) =	sbr.ind lr, $3  }
0x3a: {  	_ = 	snop  }
0x3b: {  	_ = 	snop  }
0x3c: {  	p2 =	seq.s32 s10, $0x1;
	s10 =	sld [smem:$0x3FB6]  }
0x3d: {  	_ =	shalt  }
0x3e: {  	_ =	shalt  }
0x3f: {  	_ =	shalt  }
0x40: {  	_ =	shalt  }
0x41: {  	_ =	shalt  }
0x42: {  	_ =	shalt  }
0x43: {  	_ =	shalt  }
0x44: {  	_ =	shalt  }
0x45: {  	_ =	shalt  }
0x46: {  	_ =	shalt  }
0x47: {  	_ =	shalt  }
0x48: {  	_ =	shalt  }
0x49: {  	_ =	shalt  }
0x4a: {  	_ =	shalt  }
0x4b: {  	_ =	shalt  }
0x4c: {  	_ =	shalt  }
0x4d: {  	_ =	shalt  }
0x4e: {  	_ =	shalt  }
0x4f: {  	_ =	shalt  }
0x50: {  	_ =	shalt  }
0x51: {  	_ =	shalt  }
0x52: {  	_ =	shalt  }
0x53: {  	_ =	shalt  }
0x54: {  	_ =	shalt  }
0x55: {  	_ =	shalt  }
0x56: {  	_ =	shalt  }
0x57: {  	_ =	shalt  }
0x58: {  	_ =	shalt  }
0x59: {  	_ =	shalt  }
0x5a: {  	_ =	shalt  }
0x5b: {  	_ =	shalt  }
0x5c: {  	_ =	shalt  }
0x5d: {  	_ =	shalt  }
0x5e: {  	_ =	shalt  }
0x5f: {  	_ =	shalt  }
0x60: {  	_ =	shalt  }
0x61: {  	_ =	shalt  }
0x62: {  	_ =	shalt  }
0x63: {  	_ =	shalt  }
0x64: {  	_ =	shalt  }
0x65: {  	_ =	shalt  }
0x66: {  	_ =	shalt  }
0x67: {  	_ =	shalt  }
0x68: {  	_ =	shalt  }
0x69: {  	_ =	shalt  }
0x6a: {  	_ =	shalt  }
0x6b: {  	_ =	shalt  }
0x6c: {  	_ =	shalt  }
0x6d: {  	_ =	shalt  }
0x6e: {  	_ =	shalt  }
0x6f: {  	_ =	shalt  }
0x70: {  	_ =	shalt  }
0x71: {  	_ =	shalt  }
0x72: {  	_ =	shalt  }
0x73: {  	_ =	shalt  }
0x74: {  	_ =	shalt  }
0x75: {  	_ =	shalt  }
0x76: {  	_ =	shalt  }
0x77: {  	_ =	shalt  }
0x78: {  	_ =	shalt  }
0x79: {  	_ =	shalt  }
0x7a: {  	_ =	shalt  }
0x7b: {  	_ =	shalt  }
0x7c: {  	_ =	shalt  }
0x7d: {  	_ =	shalt  }
0x7e: {  	_ =	shalt  }
0x7f: {  	_ =	shalt  }
0x80: {  	_ =	shalt  }
0x81: {  	_ =	shalt  }
0x82: {  	_ =	shalt  }
0x83: {  	_ =	shalt  }
0x84: {  	_ =	shalt  }
0x85: {  	_ =	shalt  }
0x86: {  	_ =	shalt  }
0x87: {  	_ =	shalt  }
.Lfunc_end0:
.L_simem_size_0:
called_computation.1_lowered:
.L_overlay_start_0:
0x88: {  	s2 =	sld [smem:$0x3FD9]  }
0x89: {  	s3 =	sld [smem:$0x3FFE];
	_ =	sdelay $0x1  }
0x8a: {  	s1 =	srdreg.scid  }
0x8b: {  	s0 =	sand.u32 $0x1, s1  }
0x8c: {  	s16 =	sshll.u32 s0, $0xA;
	s2 =	sadd.s32 s3, s2  }
0x8d: {  	s2 =	sadd.s32 s2, s16  }
0x8e: {  	[smem:$0x3FC2] =	sst s2  }
0x8f: {  	_ = 	snop  }
0x90: {  	(tm) =	ssettm $0x1  }
0x91: {  	s17 =	sld [smem:$0x3FFB];
	_ =	sdelay $0x3  }
0x92: {  	_ =	strace s17  }
0x93: {  	s2 =	sld [smem:$0x3FFC];
	_ =	sdelay $0x3  }
0x94: {  	_ =	strace s2  }
0x95: {  	s2 =	sld [smem:$0x3FFD];
	_ =	sdelay $0x3  }
0x96: {  	_ =	strace s2  }
0x97: {  	_ =	strace $0x8FFFFFFF  }
0x98: {  	s18 =	sld [smem:$0x3FDB];
	_ =	sdelay $0x1  }
0x99: {  	s19 =	simm.s32 $_scs_section_size  }
0x9a: {  	s4 =	simm.s32 $_size__tile_overlayer_lowered;
	s5 =	simm.s32 $_tile_overlayer_lowered  }
0x9b: {  	s22 =	simm.s32 $0x1BFF;
	s21 =	sshll.u32 s5, $0x1;
	s2 =	sadd.s32 s19, s18  }
0x9c: {  	s6 =	simm.s32 $0x0;
	s20 =	sshll.u32 s4, $0x1;
	s4 =	sadd.s32 s21, s2  }
0x9d: {  	[timem:s6], [sflag:s22] =	dma.local [hbm:s4], s20  }
0x9e: {  	_ =	swait.ge [sflag:s22], s20  }
0x9f: {  	s3 =	ssub.s32 $0x0, s20;
	[sflag:s22] =	ssyncset.done $0x0  }
0xa0: {  	[sflag:s22] =	ssyncadd.s32 s3;
	_ =	sdelay $0x1  }
0xa1: {  	s23 =	simm.s32 $0x1B8B  }
0xa2: {  	_ =	swait.ge [sflag:s23], $0x1  }
0xa3: {  	[sflag:s23] =	ssyncset.done $0x0  }
0xa4: {  	s25 =	simm.s32 $0x1B8E;
	s24 =	sld [smem:$0x3FFE];
	[sflag:s23] =	ssyncadd.s32 $0xFFFFFFFF  }
0xa5: {  	s26 =	simm.s32 $execute0_lowered;
	[smem:$0x3FD2] =	sst s25  }
0xa6: {  	s4 =	sshll.u32 s26, $0x1;
	_ =	strace $0x80000049;
	[dreg:$0x1] =	wrdreg $0xFFFFFFFF  }
0xa7: {  	s28 =	simm.s32 $_size_execute0_lowered;
	s2 =	sadd.s32 s2, s4;
	[dreg:$0x0] =	wrdreg $0x0  }
0xa8: {  	s4 =	sshll.u32 s28, $0x1;
	[dreg:$0x2] =	wrdreg s2  }
0xa9: {  	[dreg:$0x3] =	wrdreg s4  }
0xaa: {  	[dreg:$0x4] =	wrdreg $0xC0  }
0xab: {  	_ =	task [dreg:s6], $0x5FFFF  }
0xac: {  	[dreg:$0x1] =	wrdreg $0xFFFFFFFF  }
0xad: {  	[dreg:$0x0] =	wrdreg $0x60  }
0xae: {  	[dreg:$0x2] =	wrdreg s24  }
0xaf: {  	[dreg:$0x3] =	wrdreg $0xA8000  }
0xb0: {  	[dreg:$0x4] =	wrdreg $0x9  }
0xb1: {  	_ =	task.clear_ibuf [dreg:s6], $0x5FFFF;
	_ =	strace $0x90000049  }
0xb2: {  	s29 =	simm.s32 $0x9;
	_ =	strace $0x8000004B  }
0xb3: {  	_ =	swait.ge [sflag:s29], $0x1  }
0xb4: {  	[sflag:s29] =	ssyncadd.s32 $0xFFFFFFFF  }
0xb5: {  	_ =	strace $0x9000004B  }
0xb6: {  	_ =	sfence  }
0xb7: {  	s30 =	sld [smem:$0x0];
	_ =	sdelay $0x2  }
0xb8: {  	s31 =	sshll.u32 s1, $0xD;
	s1 =	sshrl.u32 s1, $0x2  }
0xb9: {  	s3 =	sand.u32 $0x4000, s31;
	s1 =	sadd.s32 s1, s30  }
0xba: {  	s0 =	sor.u32 s3, s0;
	s1 =	sshll.u32 s1, $0x11  }
0xbb: {  	s0 =	sor.u32 s1, s0  }
0xbc: {  	s0 =	sadd.s32 $0x8F2B, s0  }
0xbd: {  	[sflag:s0] =	ssyncadd.remote.s32 $0x1  }
0xbe: {  	_ =	sfence.sel $0xFFFF  }
0xbf: {  	[dreg:$0x0] =	wrdreg $0xFFFFFFFF;
	(pc) =	sbr.abs _section_cstart, $3  }
0xc0: {  	[dreg:$0x1] =	wrdreg $0xFFFFFFFF  }
0xc1: {  	_ =	task.clear_ibuf [dreg:s6], $0x2FFFF;
	_ =	strace $0x9FFFFFFF  }
0xc2: {  	(tm) =	ssettm $0x7FFFFFFF  }
0xc3: {  	_ =	shalt  }
tec
execute0_lowered:
.L_overlay_start_1:
0x0: {  	(tag) =	ssettag $0x1  }
0x1: {  	s0 =	srdreg.scid;
	s6 =	rddreg [dreg:$0x0]  }
0x2: {  	s2 =	rddreg [dreg:$0x1];
	s1 =	stileid.u32;
	s3 =	simm.s32 $0x0  }
0x3: {  	s14 =	simm.s32 $0x2800;
	s15 =	simm.s32 $0x6800;
	s16 =	simm.s32 $0x1  }
0x4: {  	s17 =	simm.s32 $0x3;
	s18 =	simm.s32 $0x2;
	s19 =	simm.s32 $0x4  }
0x5: {  	s20 =	simm.s32 $0x2700;
	s5 =	sand.u32 $0x1, s0;
	s0 =	rddreg [dreg:$0x2]  }
0x6: {  	s21 =	simm.s32 $0x2780;
	[smem:$0x7FF] =	sst s3;
	s10 =	smul.u32 $0x28000, s1  }
0x7: {  	s31 =	sshll.u32 s1, $0x6;
	s4 =	sshll.u32 s5, $0x4;
	_ =	strace $0x8000004A  }
0x8: {  	s8 =	smul.u32 $0x28000, s5;
	s28 =	ssub.s32 $0x2, s5;
	s5 =	sadd.s32 $0x15200, s6  }
0x9: {  	s4 =	sor.u32 s1, s4;
	s29 =	sshrl.u32 s28, $0x1;
	s30 =	sshrl.u32 s10, $0x1  }
0xa: {  	s23 =	sshrl.u32 s10, $0x4;
	s7 =	smul.u32 $0x280, s4;
	s4 =	sadd.s32 $0x67A00, s6  }
0xb: {  	s11 =	sadd.s32 s8, s6;
	s12 =	ssub.s32 s28, s29;
	s13 =	sadd.s32 s30, s2  }
0xc: {  	s22 =	sadd.s32 $0x8EC00, s11;
	s10 =	sshrl.u32 s13, $0x3;
	s11 =	simm.s32 $0x5  }
0xd: {  	s13 =	simm.s32 $0x80;
	s9 =	sadd.s32 s7, s6;
	s6 =	sor.u32 $0x1C05, s31  }
0xe: {  	s22 =	sadd.s32 s23, s22;
	s23 =	simm.s32 $0x0;
	s7 =	sadd.s32 $0x6000, s9  }
0xf: {  	s8 =	sadd.s32 $0x1000, s9;
	s9 =	smax.u32 s12, $0x1;
	s12 =	simm.s32 $0x1400  }
.LBB2_1:
0x10: {  	[spmem:s10], [sflag:s6] =	dma.local [hbm:s5], $0x2800  }
0x11: {  	_ =	swait.ge [sflag:s11], $0x2800  }
0x12: {  	[sflag:s11] =	ssyncset.done $0x0  }
0x13: {  	[sflag:s11] =	ssyncadd.s32 $0xFFFFD800  }
0x14: {  	[tilespmem:s3], [sflag:$0x5] =	stream.linear.gather [hbm4b:s7+s3], $0x1400, $0x38;
	[tilespmem:$0x1E800] =	vst v63  }
0x15: {  	_ =	swait.ge [sflag:s11], $0x1400  }
0x16: {  	[sflag:s11] =	ssyncset.done $0x0  }
0x17: {  	[sflag:s11] =	ssyncadd.s32 $0xFFFFEC00  }
0x18: {  	[tilespmem:s12], [sflag:$0x5] =	stream.linear.gather [hbm4b:s8+s3], $0x1400, $0x38;
	[tilespmem:$0x1E800] =	vst v63  }
0x19: {  	_ =	swait.ge [sflag:s11], $0x1400  }
0x1a: {  	[sflag:s11] =	ssyncset.done $0x0  }
0x1b: {  	[sflag:s11] =	ssyncadd.s32 $0xFFFFEC00  }
0x1c: {  	[tilespmem:s14], [sflag:$0x1] =	stream.indirect.gather [hbm4b:s4+s13], $0x80, s3, s13, $0xb8;
	[tilespmem:$0x1E800] =	vst v63  }
0x1d: {  	_ = 	snop  }
0x1e: {  	[tilespmem:s15], [sflag:$0x2] =	stream.indirect.gather [hbm4b:s4+s13], $0x80, s13, s13, $0xb8;
	[tilespmem:$0x1E800] =	vst v63  }
0x1f: {  	[bflag:$0x0] =	sbarrier.arrive $0xFFFF  }
0x20: {  	_ =	swait.ge [sflag:s16], $0x4000  }
0x21: {  	[sflag:s16] =	ssyncset.done $0x0  }
0x22: {  	s24 =	simm.s32 $0x1400;
	[sflag:s16] =	ssyncadd.s32 $0xFFFFC000  }
0x23: {  	[spmem:s2] =	stream.indirect.scatter.add.bf16 [tilespmem:s14], [sflag:$0x3], $0x80, s24, s13, $0xb8;
	[tilespmem:$0x1E800] =	vst v63  }
0x24: {  	_ =	swait.ge [sflag:s17], $0x4000  }
0x25: {  	[sflag:s17] =	ssyncset.done $0x0  }
0x26: {  	s30 =	simm.s32 $0x100;
	[sflag:s17] =	ssyncadd.s32 $0xFFFFC000  }
0x27: {  	[tilespmem:s14], [sflag:$0x1] =	stream.indirect.gather [hbm4b:s4+s13], $0x80, s30, s13, $0xb8;
	[tilespmem:$0x1E800] =	vst v63  }
0x28: {  	_ =	swait.ge [sflag:s18], $0x4000  }
0x29: {  	[sflag:s18] =	ssyncset.done $0x0  }
0x2a: {  	s31 =	simm.s32 $0x1480;
	[sflag:s18] =	ssyncadd.s32 $0xFFFFC000  }
0x2b: {  	[spmem:s2] =	stream.indirect.scatter.add.bf16 [tilespmem:s15], [sflag:$0x4], $0x80, s31, s13, $0xb8;
	[tilespmem:$0x1E800] =	vst v63  }
0x2c: {  	_ =	swait.ge [sflag:s19], $0x4000  }
0x2d: {  	[sflag:s19] =	ssyncset.done $0x0  }
0x2e: {  	s25 =	simm.s32 $0x180;
	s24 =	simm.s32 $0x400;
	[sflag:s19] =	ssyncadd.s32 $0xFFFFC000  }
.LBB2_2:
0x2f: {  	[tilespmem:s15], [sflag:$0x2] =	stream.indirect.gather [hbm4b:s4+s13], $0x80, s25, s13, $0xb8;
	[tilespmem:$0x1E800] =	vst v63  }
0x30: {  	s25 =	smov.u32 s24  }
0x31: {  	p0 =	sne.s32 s24, $0x4800;
	s24 =	sadd.s32 $0x400, s24;
	_ =	swait.ge [sflag:s16], $0x4000  }
0x32: {  	s25 =	sshra.s32 s25, $0x2;
	[sflag:s16] =	ssyncset.done $0x0  }
0x33: {  	s26 =	sadd.s32 $0x1400, s25;
	[sflag:s16] =	ssyncadd.s32 $0xFFFFC000  }
0x34: {  	[spmem:s2] =	stream.indirect.scatter.add.bf16 [tilespmem:s14], [sflag:$0x3], $0x80, s26, s13, $0xb8;
	[tilespmem:$0x1E800] =	vst v63  }
0x35: {  	_ =	swait.ge [sflag:s17], $0x4000  }
0x36: {  	[sflag:s17] =	ssyncset.done $0x0  }
0x37: {  	s26 =	sadd.s32 $0x100, s25;
	[sflag:s17] =	ssyncadd.s32 $0xFFFFC000  }
0x38: {  	[tilespmem:s14], [sflag:$0x1] =	stream.indirect.gather [hbm4b:s4+s13], $0x80, s26, s13, $0xb8;
	[tilespmem:$0x1E800] =	vst v63  }
0x39: {  	_ =	swait.ge [sflag:s18], $0x4000  }
0x3a: {  	[sflag:s18] =	ssyncset.done $0x0  }
.Ltmp0:
0x3b: {  	s26 =	sadd.s32 $0x1480, s25;
	[sflag:s18] =	ssyncadd.s32 $0xFFFFC000;
	(pc) =	sbr.rel @p0 .LBB2_2-.Ltmp0, $4  }
0x3c: {  	[spmem:s2] =	stream.indirect.scatter.add.bf16 [tilespmem:s15], [sflag:$0x4], $0x80, s26, s13, $0xb8;
	[tilespmem:$0x1E800] =	vst v63  }
0x3d: {  	_ =	swait.ge [sflag:s19], $0x4000  }
0x3e: {  	[sflag:s19] =	ssyncset.done $0x0  }
0x3f: {  	s25 =	sadd.s32 $0x180, s25;
	[sflag:s19] =	ssyncadd.s32 $0xFFFFC000  }
0x40: {  	[tilespmem:s15], [sflag:$0x2] =	stream.indirect.gather [hbm4b:s4+s13], $0x80, s25, s13, $0xb8;
	[tilespmem:$0x1E800] =	vst v63  }
0x41: {  	_ =	swait.ge [sflag:s16], $0x4000  }
0x42: {  	[sflag:s16] =	ssyncset.done $0x0  }
0x43: {  	[sflag:s16] =	ssyncadd.s32 $0xFFFFC000  }
0x44: {  	[spmem:s2] =	stream.indirect.scatter.add.bf16 [tilespmem:s14], [sflag:$0x3], $0x80, s20, s13, $0xb8;
	[tilespmem:$0x1E800] =	vst v63  }
0x45: {  	_ =	swait.ge [sflag:s18], $0x4000  }
0x46: {  	[sflag:s18] =	ssyncset.done $0x0  }
0x47: {  	[sflag:s18] =	ssyncadd.s32 $0xFFFFC000  }
0x48: {  	[spmem:s2] =	stream.indirect.scatter.add.bf16 [tilespmem:s15], [sflag:$0x4], $0x80, s21, s13, $0xb8;
	[tilespmem:$0x1E800] =	vst v63  }
0x49: {  	_ =	swait.ge [sflag:s17], $0x4000  }
0x4a: {  	[sflag:s17] =	ssyncset.done $0x0  }
0x4b: {  	[sflag:s17] =	ssyncadd.s32 $0xFFFFC000  }
0x4c: {  	_ =	swait.ge [sflag:s19], $0x4000  }
0x4d: {  	s23 =	sadd.s32 $0x1, s23;
	[sflag:s19] =	ssyncset.done $0x0  }
0x4e: {  	p0 =	sne.s32 s23, s9;
	[sflag:s19] =	ssyncadd.s32 $0xFFFFC000  }
.Ltmp1:
0x4f: {  	[bflag:$0x0] =	sbarrier.arrive $0xFFFF;
	(pc) =	sbr.rel @p0 .LBB2_1-.Ltmp1, $4  }
0x50: {  	[hbm:s22], [sflag:s6] =	dma.local [spmem:s10], $0x2800  }
0x51: {  	_ =	swait.ge [sflag:s11], $0x2800  }
0x52: {  	[sflag:s11] =	ssyncset.done $0x0  }
0x53: {  	[sflag:s11] =	ssyncadd.s32 $0xFFFFD800  }
0x54: {  	_ =	sfence.sel $0x180000  }
0x55: {  	[bflag:$0x0] =	sbarrier.arrive $0xFFFF  }
0x56: {  	p0 =	sne.s32 s1, $0x0;
	_ =	strace $0x9000004A  }
0x57: {  	s0 =	sadd.s32 @!p0 $0x100000, s0;
	[bflag:$0x2] =	sbarrier.arrive $0xFFFF  }
0x58: {  	[sflag:s0] =	ssyncadd.tile.s32 @!p0 $0x1;
	_ =	shalt  }
.Lfunc_end2:
_tile_overlayer_lowered:
.L_overlay_start_2:
0x59: {  	(tag) =	ssettag $0x2  }
0x5a: {  	s0 =	rddreg [dreg:$0x0];
	s2 =	stileid.u32  }
0x5b: {  	s1 =	rddreg [dreg:$0x1];
	p0 =	sne.s32 s2, $0x0  }
0x5c: {  	s3 =	rddreg [dreg:$0x2];
	[bflag:$0x3] =	sbarrier.arrive $0xFFFF;
	s2 =	simm.s32 @!p0 $0x1C05  }
0x5d: {  	[timem:s3], [sflag:s2] =	dma.local @!p0 [hbm:s0], s1  }
0x5e: {  	s0 =	simm.s32 @!p0 $0x5  }
0x5f: {  	_ =	swait.ge @!p0 [sflag:s0], s1  }
0x60: {  	s1 =	ssub.s32 @!p0 $0x0, s1;
	[sflag:s0] =	ssyncset.done @!p0 $0x0  }
0x61: {  	[sflag:s0] =	ssyncadd.s32 @!p0 s1  }
0x62: {  	[bflag:$0x3] =	sbarrier.arrive $0xFFFF  }
0x63: {  	_ =	shalt  }

// kernel: kernel.15.cloned.1.call-start
scs
__scs_entry_jumppad:
0x0: {  	(pc) =	sbr.rel $0x88, $3  }
0x1: {  	(tag) =	ssettag $0x0;
	lr =	simm.s32 $0x1  }
0x2: {  	[smem:$0x3F9B] =	sst lr;
	_ =	strace $0xD0000000  }
0x3: {  	_ = 	snop  }
0x4: {  	_ = 	snop  }
0x5: {  	_ = 	snop  }
0x6: {  	_ = 	snop  }
0x7: {  	_ = 	snop  }
__scs_overlays_trampoline_lowered:
0x8: {  	[smem:$0x3FAA] =	sst s0  }
0x9: {  	[smem:$0x3FAB] =	sst s1  }
0xa: {  	[smem:$0x3FAC] =	sst s2  }
0xb: {  	[smem:$0x3FAD] =	sst s3  }
0xc: {  	[smem:$0x3FAE] =	sst s4  }
0xd: {  	[smem:$0x3FAF] =	sst s5  }
0xe: {  	[smem:$0x3FB0] =	sst s6  }
0xf: {  	[smem:$0x3FB1] =	sst s7  }
0x10: {  	[smem:$0x3FB2] =	sst s8  }
0x11: {  	[smem:$0x3FB3] =	sst s9;
	s0 =	simm.s32 @!p0 $0x0  }
0x12: {  	s1 =	sld [smem:$0x3F99];
	s0 =	simm.s32 @p0 $0x1  }
0x13: {  	[smem:$0x3FB4] =	sst s0;
	s0 =	simm.s32 @!p1 $0x0  }
0x14: {  	s2 =	sld [smem:$0x3F98];
	s0 =	simm.s32 @p1 $0x1  }
0x15: {  	[smem:$0x3FB5] =	sst s0;
	s0 =	simm.s32 @!p2 $0x0  }
0x16: {  	s3 =	sld [smem:$0x3FDB];
	s0 =	simm.s32 @p2 $0x1  }
0x17: {  	s4 =	simm.s32 $0x1BF5;
	[smem:$0x3FB7] =	sst s0  }
0x18: {  	s0 =	sld [smem:$0x3F9A];
	_ =	swait.ge [sflag:s4], $0x0  }
0x19: {  	s7 =	sld [smem:$0x3F9B]  }
0x1a: {  	s8 =	sadd.s32 $0xFFFFE003, lr  }
0x1b: {  	s9 =	sadd.s32 $0xFFFFFEF7, lr;
	s5 =	simm.s32 $0xFFFFFFFF;
	p2 =	slt.u32 s8, $0xFFFFF086  }
0x1c: {  	p1 =	slt.u32 s9, $0xF7A;
	s5 =	simm.s32 @!p2 $0x0  }
0x1d: {  	s5 =	simm.s32 @p1 $0x1;
	p0 =	seq.s32 s7, s2  }
0x1e: {  	s7 =	smul.u32 @!p0 $0xF7A, s2;
	p2 =	seq.s32 @!p0 s5, $0x0  }
0x1f: {  	s9 =	smul.u32 $0xF7A, s1;
	s8 =	simm.s32 @!p0 $0x1BF5;
	p2 =	por !p2, p0  }
0x20: {  	[sflag:s8] =	ssyncset.s32 @!p0 $0xFFFFF086;
	s6 =	sadd.s32 @!p0 s3, s7;
	s7 =	simm.s32 @!p0 $0x108  }
0x21: {  	s3 =	sadd.s32 s3, s9;
	s6 =	sadd.s32 @!p0 $0x88, s6;
	s7 =	simm.s32 @p2 $0x1082  }
0x22: {  	[simem:s7], [sflag:s8] =	dma.local @!p0 [hbm:s6], $0xF7A  }
0x23: {  	s9 =	sor.u32 $0xD0000000, s2;
	s6 =	simm.s32 $0x108;
	_ =	swait.ge @!p0 [sflag:s8], $0x0  }
0x24: {  	s3 =	sadd.s32 $0x88, s3;
	s6 =	simm.s32 @!p1 $0x1082;
	[sflag:s4] =	ssyncset.s32 $0xFFFFF086  }
0x25: {  	[simem:s6], [sflag:s4] =	dma.local [hbm:s3], $0xF7A  }
0x26: {  	[smem:$0x3F9B] =	sst s1;
	(tag) =	ssettag s2;
	_ =	strace s9  }
0x27: {  	s1 =	sld [smem:$0x3FAB]  }
0x28: {  	s2 =	sld [smem:$0x3FAC]  }
0x29: {  	s4 =	sld [smem:$0x3FAE]  }
0x2a: {  	p0 =	seq.s32 s5, $0x0;
	s5 =	sld [smem:$0x3FAF]  }
0x2b: {  	s6 =	sld [smem:$0x3FB0]  }
0x2c: {  	s7 =	sld [smem:$0x3FB1]  }
0x2d: {  	s3 =	simm.s32 $0x108;
	s8 =	sld [smem:$0x3FB2]  }
0x2e: {  	s3 =	simm.s32 @!p0 $0x1082;
	s9 =	sld [smem:$0x3FB3]  }
0x2f: {  	lr =	sadd.s32 s0, s3;
	s0 =	sld [smem:$0x3FAA]  }
0x30: {  	s3 =	sld [smem:$0x3FAD]  }
0x31: {  	[smem:$0x3FB6] =	sst s10  }
0x32: {  	s10 =	sld [smem:$0x3FB4];
	_ =	sdelay $0x3  }
0x33: {  	p0 =	seq.s32 s10, $0x1;
	s10 =	sld [smem:$0x3FB6];
	_ =	sdelay $0x3  }
0x34: {  	[smem:$0x3FB6] =	sst s10  }
0x35: {  	s10 =	sld [smem:$0x3FB5];
	_ =	sdelay $0x3  }
0x36: {  	p1 =	seq.s32 s10, $0x1;
	s10 =	sld [smem:$0x3FB6];
	_ =	sdelay $0x3  }
0x37: {  	[smem:$0x3FB6] =	sst s10  }
0x38: {  	s10 =	sld [smem:$0x3FB7]  }
0x39: {  	_ = 	snop;
	(pc) =	sbr.ind lr, $3  }
0x3a: {  	_ = 	snop  }
0x3b: {  	_ = 	snop  }
0x3c: {  	p2 =	seq.s32 s10, $0x1;
	s10 =	sld [smem:$0x3FB6]  }
0x3d: {  	_ =	shalt  }
0x3e: {  	_ =	shalt  }
0x3f: {  	_ =	shalt  }
0x40: {  	_ =	shalt  }
0x41: {  	_ =	shalt  }
0x42: {  	_ =	shalt  }
0x43: {  	_ =	shalt  }
0x44: {  	_ =	shalt  }
0x45: {  	_ =	shalt  }
0x46: {  	_ =	shalt  }
0x47: {  	_ =	shalt  }
0x48: {  	_ =	shalt  }
0x49: {  	_ =	shalt  }
0x4a: {  	_ =	shalt  }
0x4b: {  	_ =	shalt  }
0x4c: {  	_ =	shalt  }
0x4d: {  	_ =	shalt  }
0x4e: {  	_ =	shalt  }
0x4f: {  	_ =	shalt  }
0x50: {  	_ =	shalt  }
0x51: {  	_ =	shalt  }
0x52: {  	_ =	shalt  }
0x53: {  	_ =	shalt  }
0x54: {  	_ =	shalt  }
0x55: {  	_ =	shalt  }
0x56: {  	_ =	shalt  }
0x57: {  	_ =	shalt  }
0x58: {  	_ =	shalt  }
0x59: {  	_ =	shalt  }
0x5a: {  	_ =	shalt  }
0x5b: {  	_ =	shalt  }
0x5c: {  	_ =	shalt  }
0x5d: {  	_ =	shalt  }
0x5e: {  	_ =	shalt  }
0x5f: {  	_ =	shalt  }
0x60: {  	_ =	shalt  }
0x61: {  	_ =	shalt  }
0x62: {  	_ =	shalt  }
0x63: {  	_ =	shalt  }
0x64: {  	_ =	shalt  }
0x65: {  	_ =	shalt  }
0x66: {  	_ =	shalt  }
0x67: {  	_ =	shalt  }
0x68: {  	_ =	shalt  }
0x69: {  	_ =	shalt  }
0x6a: {  	_ =	shalt  }
0x6b: {  	_ =	shalt  }
0x6c: {  	_ =	shalt  }
0x6d: {  	_ =	shalt  }
0x6e: {  	_ =	shalt  }
0x6f: {  	_ =	shalt  }
0x70: {  	_ =	shalt  }
0x71: {  	_ =	shalt  }
0x72: {  	_ =	shalt  }
0x73: {  	_ =	shalt  }
0x74: {  	_ =	shalt  }
0x75: {  	_ =	shalt  }
0x76: {  	_ =	shalt  }
0x77: {  	_ =	shalt  }
0x78: {  	_ =	shalt  }
0x79: {  	_ =	shalt  }
0x7a: {  	_ =	shalt  }
0x7b: {  	_ =	shalt  }
0x7c: {  	_ =	shalt  }
0x7d: {  	_ =	shalt  }
0x7e: {  	_ =	shalt  }
0x7f: {  	_ =	shalt  }
0x80: {  	_ =	shalt  }
0x81: {  	_ =	shalt  }
0x82: {  	_ =	shalt  }
0x83: {  	_ =	shalt  }
0x84: {  	_ =	shalt  }
0x85: {  	_ =	shalt  }
0x86: {  	_ =	shalt  }
0x87: {  	_ =	shalt  }
.Lfunc_end0:
.L_simem_size_0:
called_computation.2_lowered:
.L_overlay_start_0:
0x88: {  	s2 =	sld [smem:$0x3FD9]  }
0x89: {  	s3 =	sld [smem:$0x3FFE];
	_ =	sdelay $0x1  }
0x8a: {  	s1 =	srdreg.scid  }
0x8b: {  	s0 =	sand.u32 $0x1, s1  }
0x8c: {  	s17 =	sshll.u32 s0, $0xA;
	s2 =	sadd.s32 s3, s2  }
0x8d: {  	s2 =	sadd.s32 s2, s17  }
0x8e: {  	[smem:$0x3FC2] =	sst s2  }
0x8f: {  	_ = 	snop  }
0x90: {  	s2 =	sld [smem:$0x3FD0];
	(tm) =	ssettm $0x1  }
0x91: {  	s18 =	sld [smem:$0x3FFB];
	_ =	sdelay $0x3  }
0x92: {  	_ =	strace s18  }
0x93: {  	s3 =	sld [smem:$0x3FFC];
	_ =	sdelay $0x3  }
0x94: {  	_ =	strace s3  }
0x95: {  	s3 =	sld [smem:$0x3FFD];
	_ =	sdelay $0x3  }
0x96: {  	_ =	strace s3  }
0x97: {  	_ =	strace $0x8FFFFFFF  }
0x98: {  	s19 =	sld [smem:$0x3FDB];
	_ =	sdelay $0x1  }
0x99: {  	s4 =	simm.s32 $_scs_section_size  }
0x9a: {  	s5 =	simm.s32 $_size__tile_overlayer_lowered;
	s6 =	simm.s32 $_tile_overlayer_lowered  }
0x9b: {  	s22 =	simm.s32 $0x1BFF;
	s21 =	sshll.u32 s6, $0x1;
	s3 =	sadd.s32 s4, s19  }
0x9c: {  	s7 =	simm.s32 $0x0;
	s20 =	sshll.u32 s5, $0x1;
	s5 =	sadd.s32 s21, s3  }
0x9d: {  	[timem:s7], [sflag:s22] =	dma.local [hbm:s5], s20  }
0x9e: {  	_ =	swait.ge [sflag:s22], s20  }
0x9f: {  	s4 =	ssub.s32 $0x0, s20;
	[sflag:s22] =	ssyncset.done $0x0  }
0xa0: {  	[sflag:s22] =	ssyncadd.s32 s4;
	_ =	sdelay $0x1  }
0xa1: {  	s23 =	simm.s32 $0x1B8B  }
0xa2: {  	_ =	swait.ge [sflag:s23], $0x1  }
0xa3: {  	[sflag:s23] =	ssyncset.done $0x0  }
0xa4: {  	s25 =	simm.s32 $0x1B8E;
	s24 =	sld [smem:$0x3FFE];
	[sflag:s23] =	ssyncadd.s32 $0xFFFFFFFF  }
0xa5: {  	s26 =	simm.s32 $execute0_lowered;
	[smem:$0x3FD2] =	sst s25  }
0xa6: {  	s5 =	sshll.u32 s26, $0x1;
	_ =	strace $0x8000004C;
	[dreg:$0x1] =	wrdreg $0xFFFFFFFF  }
0xa7: {  	s28 =	simm.s32 $_size_execute0_lowered;
	s3 =	sadd.s32 s3, s5;
	[dreg:$0x0] =	wrdreg $0x0  }
0xa8: {  	s5 =	sshll.u32 s28, $0x1;
	[dreg:$0x2] =	wrdreg s3  }
0xa9: {  	[dreg:$0x3] =	wrdreg s5  }
0xaa: {  	[dreg:$0x4] =	wrdreg $0xC0  }
0xab: {  	_ =	task [dreg:s7], $0x5FFFF  }
0xac: {  	[dreg:$0x1] =	wrdreg $0xFFFFFFFF  }
0xad: {  	[dreg:$0x0] =	wrdreg $0x60  }
0xae: {  	[dreg:$0x2] =	wrdreg s24  }
0xaf: {  	[dreg:$0x3] =	wrdreg s2  }
0xb0: {  	[dreg:$0x4] =	wrdreg $0x48000  }
0xb1: {  	[dreg:$0x5] =	wrdreg $0x9  }
0xb2: {  	_ =	task.clear_ibuf [dreg:s7], $0x6FFFF;
	_ =	strace $0x9000004C  }
0xb3: {  	s29 =	simm.s32 $0x9;
	_ =	strace $0x8000004E  }
0xb4: {  	_ =	swait.ge [sflag:s29], $0x1  }
0xb5: {  	[sflag:s29] =	ssyncadd.s32 $0xFFFFFFFF  }
0xb6: {  	_ =	strace $0x9000004E  }
0xb7: {  	_ =	sfence  }
0xb8: {  	s30 =	sld [smem:$0x0];
	_ =	sdelay $0x2  }
0xb9: {  	s31 =	sshll.u32 s1, $0xD;
	s1 =	sshrl.u32 s1, $0x2  }
0xba: {  	s3 =	sand.u32 $0x4000, s31;
	s1 =	sadd.s32 s1, s30  }
0xbb: {  	s0 =	sor.u32 s3, s0;
	s1 =	sshll.u32 s1, $0x11  }
0xbc: {  	s0 =	sor.u32 s1, s0  }
0xbd: {  	s0 =	sadd.s32 $0x8F2B, s0  }
0xbe: {  	[sflag:s0] =	ssyncadd.remote.s32 $0x1  }
0xbf: {  	_ =	sfence.sel $0xFFFF  }
0xc0: {  	[dreg:$0x0] =	wrdreg $0xFFFFFFFF;
	(pc) =	sbr.abs _section_cstart, $3  }
0xc1: {  	[dreg:$0x1] =	wrdreg $0xFFFFFFFF  }
0xc2: {  	_ =	task.clear_ibuf [dreg:s7], $0x2FFFF;
	_ =	strace $0x9FFFFFFF  }
0xc3: {  	(tm) =	ssettm $0x7FFFFFFF  }
tec
execute0_lowered:
.L_overlay_start_1:
0x0: {  	(tag) =	ssettag $0x1  }
0x1: {  	s0 =	rddreg [dreg:$0x0]  }
0x2: {  	s2 =	rddreg [dreg:$0x2];
	s1 =	srdreg.scid;
	s4 =	simm.s32 $0x0  }
0x3: {  	s8 =	stileid.u32;
	s11 =	simm.s32 $0x9;
	s12 =	simm.s32 $0x1400  }
0x4: {  	s13 =	simm.s32 $0x80;
	s14 =	simm.s32 $0x2800;
	s15 =	simm.s32 $0x3000  }
0x5: {  	s17 =	simm.s32 $0x3800;
	s19 =	simm.s32 $0x4000;
	s20 =	simm.s32 $0x1  }
0x6: {  	s21 =	simm.s32 $0x2;
	s23 =	simm.s32 $0x3;
	s29 =	simm.s32 $0x4  }
0x7: {  	s30 =	simm.s32 $0x1580;
	s31 =	simm.s32 $0x6;
	s16 =	simm.s32 $0x2780  }
0x8: {  	s18 =	simm.s32 $0x0;
	s1 =	sand.u32 $0x1, s1;
	[smem:$0x7FF] =	sst s4  }
0x9: {  	s5 =	sadd.s32 $0xB000, s0;
	s9 =	smul.u32 $0x2800, s8;
	s26 =	sshll.u32 s8, $0x6  }
0xa: {  	s3 =	sshll.u32 s1, $0x4;
	s6 =	smul.u32 $0x5000, s1;
	s1 =	ssub.s32 $0x2, s1  }
0xb: {  	_ =	strace $0x8000004D;
	s3 =	sor.u32 s8, s3;
	s7 =	sshrl.u32 s1, $0x1  }
0xc: {  	s10 =	sadd.s32 s9, s2;
	s28 =	sshrl.u32 s9, $0x3;
	s3 =	smul.u32 $0x280, s3  }
.Ltmp0:
0xd: {  	s1 =	ssub.s32 s1, s7;
	s10 =	sshrl.u32 s10, $0x3;
	(pc) =	sbr.rel .LBB2_1-.Ltmp0, $4  }
0xe: {  	s9 =	smax.u32 s1, $0x1;
	s1 =	simm.s32 $0x8;
	s3 =	sadd.s32 s3, s0  }
0xf: {  	s0 =	sadd.s32 s6, s0;
	s6 =	sor.u32 $0x1C09, s26;
	s26 =	simm.s32 $0x5  }
0x10: {  	s7 =	sadd.s32 $0x6000, s3;
	s8 =	sadd.s32 $0x1000, s3;
	s0 =	sadd.s32 $0x67A00, s0  }
0x11: {  	s3 =	simm.s32 $0x7;
	s24 =	sadd.s32 s28, s0;
	s0 =	simm.s32 $0x280  }
.LBB2_4:
0x12: {  	_ =	swait.ge [sflag:s29], $0x800  }
0x13: {  	[sflag:s29] =	ssyncset.done $0x0  }
0x14: {  	[sflag:s29] =	ssyncadd.s32 $0xFFFFF800  }
0x15: {  	[spmem:s2] =	stream.indirect.scatter.add.f32 [tilespmem:s19], [sflag:$0x8], $0x10, s16, s13, $0xb8;
	[tilespmem:$0x7000] =	vst v63  }
0x16: {  	_ =	swait.ge [sflag:s26], $0x800  }
0x17: {  	[sflag:s26] =	ssyncset.done $0x0  }
0x18: {  	[sflag:s26] =	ssyncadd.s32 $0xFFFFF800  }
0x19: {  	_ =	swait.ge [sflag:s31], $0x800  }
0x1a: {  	[sflag:s31] =	ssyncset.done $0x0  }
0x1b: {  	[sflag:s31] =	ssyncadd.s32 $0xFFFFF800  }
0x1c: {  	_ =	swait.ge [sflag:s3], $0x800  }
0x1d: {  	[sflag:s3] =	ssyncset.done $0x0  }
0x1e: {  	[sflag:s3] =	ssyncadd.s32 $0xFFFFF800  }
0x1f: {  	_ =	swait.ge [sflag:s1], $0x800  }
0x20: {  	s18 =	sadd.s32 $0x1, s18;
	[sflag:s1] =	ssyncset.done $0x0  }
0x21: {  	p0 =	sne.s32 s18, s9;
	[sflag:s1] =	ssyncadd.s32 $0xFFFFF800  }
.Ltmp1:
0x22: {  	[bflag:$0x0] =	sbarrier.arrive $0xFFFF;
	(pc) =	sbr.rel @!p0 .LBB2_5-.Ltmp1, $4  }
0x23: {  	[hbm:s24], [sflag:s6] =	dma.local [spmem:s10], $0x500  }
0x24: {  	_ =	swait.ge [sflag:s11], $0x500  }
0x25: {  	[sflag:s11] =	ssyncset.done $0x0  }
0x26: {  	[sflag:s11] =	ssyncadd.s32 $0xFFFFFB00  }
.LBB2_1:
0x27: {  	s22 =	rddreg [dreg:$0x1]  }
0x28: {  	[spmem:s10], [sflag:s6] =	dma.local [hbm:s22], $0x500  }
0x29: {  	_ =	swait.ge [sflag:s11], $0x500  }
0x2a: {  	[sflag:s11] =	ssyncset.done $0x0  }
0x2b: {  	[sflag:s11] =	ssyncadd.s32 $0xFFFFFB00  }
0x2c: {  	[tilespmem:s4], [sflag:$0x9] =	stream.linear.gather [hbm4b:s7+s4], $0x1400, $0x38;
	[tilespmem:$0x7000] =	vst v63  }
0x2d: {  	_ =	swait.ge [sflag:s11], $0x1400  }
0x2e: {  	[sflag:s11] =	ssyncset.done $0x0  }
0x2f: {  	[sflag:s11] =	ssyncadd.s32 $0xFFFFEC00  }
0x30: {  	[tilespmem:s12], [sflag:$0x9] =	stream.linear.gather [hbm4b:s8+s4], $0x1400, $0x38;
	[tilespmem:$0x7000] =	vst v63  }
0x31: {  	_ =	swait.ge [sflag:s11], $0x1400  }
0x32: {  	[sflag:s11] =	ssyncset.done $0x0  }
0x33: {  	[sflag:s11] =	ssyncadd.s32 $0xFFFFEC00  }
0x34: {  	[tilespmem:s14], [sflag:$0x1] =	stream.indirect.gather [hbm4b:s5+s13], $0x10, s4, s13, $0xb8;
	[tilespmem:$0x7000] =	vst v63  }
0x35: {  	_ = 	snop  }
0x36: {  	[tilespmem:s15], [sflag:$0x2] =	stream.indirect.gather [hbm4b:s5+s13], $0x10, s13, s13, $0xb8;
	[tilespmem:$0x7000] =	vst v63  }
0x37: {  	s28 =	simm.s32 $0x100  }
0x38: {  	[tilespmem:s17], [sflag:$0x3] =	stream.indirect.gather [hbm4b:s5+s13], $0x10, s28, s13, $0xb8;
	[tilespmem:$0x7000] =	vst v63  }
0x39: {  	s25 =	simm.s32 $0x180  }
0x3a: {  	[tilespmem:s19], [sflag:$0x4] =	stream.indirect.gather [hbm4b:s5+s13], $0x10, s25, s13, $0xb8;
	[tilespmem:$0x7000] =	vst v63  }
0x3b: {  	[bflag:$0x0] =	sbarrier.arrive $0xFFFF  }
0x3c: {  	_ =	swait.ge [sflag:s20], $0x800  }
0x3d: {  	[sflag:s20] =	ssyncset.done $0x0  }
0x3e: {  	[sflag:s20] =	ssyncadd.s32 $0xFFFFF800  }
0x3f: {  	[spmem:s2] =	stream.indirect.scatter.add.f32 [tilespmem:s14], [sflag:$0x5], $0x10, s12, s13, $0xb8;
	[tilespmem:$0x7000] =	vst v63  }
0x40: {  	_ =	swait.ge [sflag:s21], $0x800  }
0x41: {  	[sflag:s21] =	ssyncset.done $0x0  }
0x42: {  	s28 =	simm.s32 $0x1480;
	[sflag:s21] =	ssyncadd.s32 $0xFFFFF800  }
0x43: {  	[spmem:s2] =	stream.indirect.scatter.add.f32 [tilespmem:s15], [sflag:$0x6], $0x10, s28, s13, $0xb8;
	[tilespmem:$0x7000] =	vst v63  }
0x44: {  	_ =	swait.ge [sflag:s23], $0x800  }
0x45: {  	[sflag:s23] =	ssyncset.done $0x0  }
0x46: {  	s25 =	simm.s32 $0x1500;
	[sflag:s23] =	ssyncadd.s32 $0xFFFFF800  }
0x47: {  	[spmem:s2] =	stream.indirect.scatter.add.f32 [tilespmem:s17], [sflag:$0x7], $0x10, s25, s13, $0xb8;
	[tilespmem:$0x7000] =	vst v63  }
0x48: {  	_ =	swait.ge [sflag:s26], $0x800  }
0x49: {  	[sflag:s26] =	ssyncset.done $0x0  }
0x4a: {  	s28 =	simm.s32 $0x200;
	[sflag:s26] =	ssyncadd.s32 $0xFFFFF800  }
0x4b: {  	[tilespmem:s14], [sflag:$0x1] =	stream.indirect.gather [hbm4b:s5+s13], $0x10, s28, s13, $0xb8;
	[tilespmem:$0x7000] =	vst v63  }
0x4c: {  	_ =	swait.ge [sflag:s29], $0x800  }
0x4d: {  	[sflag:s29] =	ssyncset.done $0x0  }
0x4e: {  	[sflag:s29] =	ssyncadd.s32 $0xFFFFF800  }
0x4f: {  	[spmem:s2] =	stream.indirect.scatter.add.f32 [tilespmem:s19], [sflag:$0x8], $0x10, s30, s13, $0xb8;
	[tilespmem:$0x7000] =	vst v63  }
0x50: {  	_ =	swait.ge [sflag:s31], $0x800  }
0x51: {  	[sflag:s31] =	ssyncset.done $0x0  }
0x52: {  	s22 =	simm.s32 $0x0;
	[sflag:s31] =	ssyncadd.s32 $0xFFFFF800  }
0x53: {  	[tilespmem:s15], [sflag:$0x2] =	stream.indirect.gather [hbm4b:s5+s13], $0x10, s0, s13, $0xb8;
	[tilespmem:$0x7000] =	vst v63  }
.LBB2_2:
0x54: {  	_ =	swait.ge [sflag:s20], $0x800  }
0x55: {  	s25 =	sshra.s32 s22, $0x2;
	[sflag:s20] =	ssyncset.done $0x0  }
0x56: {  	s28 =	sadd.s32 $0x1600, s25;
	[sflag:s20] =	ssyncadd.s32 $0xFFFFF800  }
0x57: {  	[spmem:s2] =	stream.indirect.scatter.add.f32 [tilespmem:s14], [sflag:$0x5], $0x10, s28, s13, $0xb8;
	[tilespmem:$0x7000] =	vst v63  }
0x58: {  	_ =	swait.ge [sflag:s3], $0x800  }
0x59: {  	[sflag:s3] =	ssyncset.done $0x0  }
0x5a: {  	s28 =	sadd.s32 $0x300, s25;
	[sflag:s3] =	ssyncadd.s32 $0xFFFFF800  }
0x5b: {  	[tilespmem:s17], [sflag:$0x3] =	stream.indirect.gather [hbm4b:s5+s13], $0x10, s28, s13, $0xb8;
	[tilespmem:$0x7000] =	vst v63  }
0x5c: {  	_ =	swait.ge [sflag:s21], $0x800  }
0x5d: {  	[sflag:s21] =	ssyncset.done $0x0  }
0x5e: {  	s28 =	sadd.s32 $0x1680, s25;
	[sflag:s21] =	ssyncadd.s32 $0xFFFFF800  }
0x5f: {  	[spmem:s2] =	stream.indirect.scatter.add.f32 [tilespmem:s15], [sflag:$0x6], $0x10, s28, s13, $0xb8;
	[tilespmem:$0x7000] =	vst v63  }
0x60: {  	_ =	swait.ge [sflag:s1], $0x800  }
0x61: {  	[sflag:s1] =	ssyncset.done $0x0  }
0x62: {  	p0 =	seq.s32 s22, $0x4000;
	s28 =	sadd.s32 $0x380, s25;
	[sflag:s1] =	ssyncadd.s32 $0xFFFFF800  }
0x63: {  	[tilespmem:s19], [sflag:$0x4] =	stream.indirect.gather [hbm4b:s5+s13], $0x10, s28, s13, $0xb8;
	[tilespmem:$0x7000] =	vst v63  }
.Ltmp2:
0x64: {  	_ = 	snop;
	(pc) =	sbr.rel @p0 .LBB2_4-.Ltmp2, $4  }
0x65: {  	_ =	swait.ge [sflag:s23], $0x800  }
0x66: {  	[sflag:s23] =	ssyncset.done $0x0  }
0x67: {  	s28 =	sadd.s32 $0x1700, s25;
	[sflag:s23] =	ssyncadd.s32 $0xFFFFF800  }
0x68: {  	[spmem:s2] =	stream.indirect.scatter.add.f32 [tilespmem:s17], [sflag:$0x7], $0x10, s28, s13, $0xb8;
	[tilespmem:$0x7000] =	vst v63  }
0x69: {  	_ =	swait.ge [sflag:s26], $0x800  }
0x6a: {  	[sflag:s26] =	ssyncset.done $0x0  }
0x6b: {  	s28 =	sadd.s32 $0x400, s25;
	[sflag:s26] =	ssyncadd.s32 $0xFFFFF800  }
0x6c: {  	[tilespmem:s14], [sflag:$0x1] =	stream.indirect.gather [hbm4b:s5+s13], $0x10, s28, s13, $0xb8;
	[tilespmem:$0x7000] =	vst v63  }
0x6d: {  	_ =	swait.ge [sflag:s29], $0x800  }
0x6e: {  	[sflag:s29] =	ssyncset.done $0x0  }
0x6f: {  	s28 =	sadd.s32 $0x1780, s25;
	[sflag:s29] =	ssyncadd.s32 $0xFFFFF800  }
0x70: {  	[spmem:s2] =	stream.indirect.scatter.add.f32 [tilespmem:s19], [sflag:$0x8], $0x10, s28, s13, $0xb8;
	[tilespmem:$0x7000] =	vst v63  }
.Ltmp3:
0x71: {  	_ = 	snop;
	(pc) =	sbr.rel .LBB2_2-.Ltmp3, $4  }
0x72: {  	_ =	swait.ge [sflag:s31], $0x800  }
0x73: {  	[sflag:s31] =	ssyncset.done $0x0  }
0x74: {  	s22 =	sadd.s32 $0x800, s22;
	s28 =	sadd.s32 $0x480, s25;
	[sflag:s31] =	ssyncadd.s32 $0xFFFFF800  }
0x75: {  	[tilespmem:s15], [sflag:$0x2] =	stream.indirect.gather [hbm4b:s5+s13], $0x10, s28, s13, $0xb8;
	[tilespmem:$0x7000] =	vst v63  }
.LBB2_5:
0x76: {  	_ =	sfence.sel $0x180000  }
0x77: {  	[bflag:$0x0] =	sbarrier.arrive $0xFFFF  }
0x78: {  	_ =	strace $0x9000004D  }
0x79: {  	s0 =	stileid.u32;
	[bflag:$0x2] =	sbarrier.arrive $0xFFFF  }
0x7a: {  	p0 =	sne.s32 s0, $0x0;
	s0 =	rddreg [dreg:$0x3]  }
0x7b: {  	s0 =	sadd.s32 @!p0 $0x100000, s0  }
0x7c: {  	[sflag:s0] =	ssyncadd.tile.s32 @!p0 $0x1;
	_ =	shalt  }
.Lfunc_end2:
_tile_overlayer_lowered:
.L_overlay_start_2:
0x7d: {  	(tag) =	ssettag $0x2  }
0x7e: {  	s0 =	rddreg [dreg:$0x0];
	s2 =	stileid.u32  }
0x7f: {  	s1 =	rddreg [dreg:$0x1];
	p0 =	sne.s32 s2, $0x0  }
0x80: {  	s3 =	rddreg [dreg:$0x2];
	[bflag:$0x3] =	sbarrier.arrive $0xFFFF;
	s2 =	simm.s32 @!p0 $0x1C09  }
0x81: {  	[timem:s3], [sflag:s2] =	dma.local @!p0 [hbm:s0], s1  }
0x82: {  	s0 =	simm.s32 @!p0 $0x9  }
0x83: {  	_ =	swait.ge @!p0 [sflag:s0], s1  }
0x84: {  	s1 =	ssub.s32 @!p0 $0x0, s1;
	[sflag:s0] =	ssyncset.done @!p0 $0x0  }
0x85: {  	[sflag:s0] =	ssyncadd.s32 @!p0 s1  }
0x86: {  	[bflag:$0x3] =	sbarrier.arrive $0xFFFF  }
0x87: {  	_ =	shalt  }

// kernel: kernel.9.cloned.1.call-start
scs
__scs_entry_jumppad:
0x0: {  	(pc) =	sbr.rel $0x88, $3  }
0x1: {  	(tag) =	ssettag $0x0;
	lr =	simm.s32 $0x1  }
0x2: {  	[smem:$0x3F9B] =	sst lr;
	_ =	strace $0xD0000000  }
0x3: {  	_ = 	snop  }
0x4: {  	_ = 	snop  }
0x5: {  	_ = 	snop  }
0x6: {  	_ = 	snop  }
0x7: {  	_ = 	snop  }
__scs_overlays_trampoline_lowered:
0x8: {  	[smem:$0x3FAA] =	sst s0  }
0x9: {  	[smem:$0x3FAB] =	sst s1  }
0xa: {  	[smem:$0x3FAC] =	sst s2  }
0xb: {  	[smem:$0x3FAD] =	sst s3  }
0xc: {  	[smem:$0x3FAE] =	sst s4  }
0xd: {  	[smem:$0x3FAF] =	sst s5  }
0xe: {  	[smem:$0x3FB0] =	sst s6  }
0xf: {  	[smem:$0x3FB1] =	sst s7  }
0x10: {  	[smem:$0x3FB2] =	sst s8  }
0x11: {  	[smem:$0x3FB3] =	sst s9;
	s0 =	simm.s32 @!p0 $0x0  }
0x12: {  	s1 =	sld [smem:$0x3F99];
	s0 =	simm.s32 @p0 $0x1  }
0x13: {  	[smem:$0x3FB4] =	sst s0;
	s0 =	simm.s32 @!p1 $0x0  }
0x14: {  	s2 =	sld [smem:$0x3F98];
	s0 =	simm.s32 @p1 $0x1  }
0x15: {  	[smem:$0x3FB5] =	sst s0;
	s0 =	simm.s32 @!p2 $0x0  }
0x16: {  	s3 =	sld [smem:$0x3FDB];
	s0 =	simm.s32 @p2 $0x1  }
0x17: {  	s4 =	simm.s32 $0x1BF5;
	[smem:$0x3FB7] =	sst s0  }
0x18: {  	s0 =	sld [smem:$0x3F9A];
	_ =	swait.ge [sflag:s4], $0x0  }
0x19: {  	s7 =	sld [smem:$0x3F9B]  }
0x1a: {  	s8 =	sadd.s32 $0xFFFFE003, lr  }
0x1b: {  	s9 =	sadd.s32 $0xFFFFFEF7, lr;
	s5 =	simm.s32 $0xFFFFFFFF;
	p2 =	slt.u32 s8, $0xFFFFF086  }
0x1c: {  	p1 =	slt.u32 s9, $0xF7A;
	s5 =	simm.s32 @!p2 $0x0  }
0x1d: {  	s5 =	simm.s32 @p1 $0x1;
	p0 =	seq.s32 s7, s2  }
0x1e: {  	s7 =	smul.u32 @!p0 $0xF7A, s2;
	p2 =	seq.s32 @!p0 s5, $0x0  }
0x1f: {  	s9 =	smul.u32 $0xF7A, s1;
	s8 =	simm.s32 @!p0 $0x1BF5;
	p2 =	por !p2, p0  }
0x20: {  	[sflag:s8] =	ssyncset.s32 @!p0 $0xFFFFF086;
	s6 =	sadd.s32 @!p0 s3, s7;
	s7 =	simm.s32 @!p0 $0x108  }
0x21: {  	s3 =	sadd.s32 s3, s9;
	s6 =	sadd.s32 @!p0 $0x88, s6;
	s7 =	simm.s32 @p2 $0x1082  }
0x22: {  	[simem:s7], [sflag:s8] =	dma.local @!p0 [hbm:s6], $0xF7A  }
0x23: {  	s9 =	sor.u32 $0xD0000000, s2;
	s6 =	simm.s32 $0x108;
	_ =	swait.ge @!p0 [sflag:s8], $0x0  }
0x24: {  	s3 =	sadd.s32 $0x88, s3;
	s6 =	simm.s32 @!p1 $0x1082;
	[sflag:s4] =	ssyncset.s32 $0xFFFFF086  }
0x25: {  	[simem:s6], [sflag:s4] =	dma.local [hbm:s3], $0xF7A  }
0x26: {  	[smem:$0x3F9B] =	sst s1;
	(tag) =	ssettag s2;
	_ =	strace s9  }
0x27: {  	s1 =	sld [smem:$0x3FAB]  }
0x28: {  	s2 =	sld [smem:$0x3FAC]  }
0x29: {  	s4 =	sld [smem:$0x3FAE]  }
0x2a: {  	p0 =	seq.s32 s5, $0x0;
	s5 =	sld [smem:$0x3FAF]  }
0x2b: {  	s6 =	sld [smem:$0x3FB0]  }
0x2c: {  	s7 =	sld [smem:$0x3FB1]  }
0x2d: {  	s3 =	simm.s32 $0x108;
	s8 =	sld [smem:$0x3FB2]  }
0x2e: {  	s3 =	simm.s32 @!p0 $0x1082;
	s9 =	sld [smem:$0x3FB3]  }
0x2f: {  	lr =	sadd.s32 s0, s3;
	s0 =	sld [smem:$0x3FAA]  }
0x30: {  	s3 =	sld [smem:$0x3FAD]  }
0x31: {  	[smem:$0x3FB6] =	sst s10  }
0x32: {  	s10 =	sld [smem:$0x3FB4];
	_ =	sdelay $0x3  }
0x33: {  	p0 =	seq.s32 s10, $0x1;
	s10 =	sld [smem:$0x3FB6];
	_ =	sdelay $0x3  }
0x34: {  	[smem:$0x3FB6] =	sst s10  }
0x35: {  	s10 =	sld [smem:$0x3FB5];
	_ =	sdelay $0x3  }
0x36: {  	p1 =	seq.s32 s10, $0x1;
	s10 =	sld [smem:$0x3FB6];
	_ =	sdelay $0x3  }
0x37: {  	[smem:$0x3FB6] =	sst s10  }
0x38: {  	s10 =	sld [smem:$0x3FB7]  }
0x39: {  	_ = 	snop;
	(pc) =	sbr.ind lr, $3  }
0x3a: {  	_ = 	snop  }
0x3b: {  	_ = 	snop  }
0x3c: {  	p2 =	seq.s32 s10, $0x1;
	s10 =	sld [smem:$0x3FB6]  }
0x3d: {  	_ =	shalt  }
0x3e: {  	_ =	shalt  }
0x3f: {  	_ =	shalt  }
0x40: {  	_ =	shalt  }
0x41: {  	_ =	shalt  }
0x42: {  	_ =	shalt  }
0x43: {  	_ =	shalt  }
0x44: {  	_ =	shalt  }
0x45: {  	_ =	shalt  }
0x46: {  	_ =	shalt  }
0x47: {  	_ =	shalt  }
0x48: {  	_ =	shalt  }
0x49: {  	_ =	shalt  }
0x4a: {  	_ =	shalt  }
0x4b: {  	_ =	shalt  }
0x4c: {  	_ =	shalt  }
0x4d: {  	_ =	shalt  }
0x4e: {  	_ =	shalt  }
0x4f: {  	_ =	shalt  }
0x50: {  	_ =	shalt  }
0x51: {  	_ =	shalt  }
0x52: {  	_ =	shalt  }
0x53: {  	_ =	shalt  }
0x54: {  	_ =	shalt  }
0x55: {  	_ =	shalt  }
0x56: {  	_ =	shalt  }
0x57: {  	_ =	shalt  }
0x58: {  	_ =	shalt  }
0x59: {  	_ =	shalt  }
0x5a: {  	_ =	shalt  }
0x5b: {  	_ =	shalt  }
0x5c: {  	_ =	shalt  }
0x5d: {  	_ =	shalt  }
0x5e: {  	_ =	shalt  }
0x5f: {  	_ =	shalt  }
0x60: {  	_ =	shalt  }
0x61: {  	_ =	shalt  }
0x62: {  	_ =	shalt  }
0x63: {  	_ =	shalt  }
0x64: {  	_ =	shalt  }
0x65: {  	_ =	shalt  }
0x66: {  	_ =	shalt  }
0x67: {  	_ =	shalt  }
0x68: {  	_ =	shalt  }
0x69: {  	_ =	shalt  }
0x6a: {  	_ =	shalt  }
0x6b: {  	_ =	shalt  }
0x6c: {  	_ =	shalt  }
0x6d: {  	_ =	shalt  }
0x6e: {  	_ =	shalt  }
0x6f: {  	_ =	shalt  }
0x70: {  	_ =	shalt  }
0x71: {  	_ =	shalt  }
0x72: {  	_ =	shalt  }
0x73: {  	_ =	shalt  }
0x74: {  	_ =	shalt  }
0x75: {  	_ =	shalt  }
0x76: {  	_ =	shalt  }
0x77: {  	_ =	shalt  }
0x78: {  	_ =	shalt  }
0x79: {  	_ =	shalt  }
0x7a: {  	_ =	shalt  }
0x7b: {  	_ =	shalt  }
0x7c: {  	_ =	shalt  }
0x7d: {  	_ =	shalt  }
0x7e: {  	_ =	shalt  }
0x7f: {  	_ =	shalt  }
0x80: {  	_ =	shalt  }
0x81: {  	_ =	shalt  }
0x82: {  	_ =	shalt  }
0x83: {  	_ =	shalt  }
0x84: {  	_ =	shalt  }
0x85: {  	_ =	shalt  }
0x86: {  	_ =	shalt  }
0x87: {  	_ =	shalt  }
.Lfunc_end0:
.L_simem_size_0:
called_computation_lowered:
.L_overlay_start_0:
0x88: {  	s2 =	sld [smem:$0x3FD9]  }
0x89: {  	s3 =	sld [smem:$0x3FFE];
	_ =	sdelay $0x1  }
0x8a: {  	s1 =	srdreg.scid  }
0x8b: {  	s0 =	sand.u32 $0x1, s1  }
0x8c: {  	s17 =	sshll.u32 s0, $0xA;
	s2 =	sadd.s32 s3, s2  }
0x8d: {  	s2 =	sadd.s32 s2, s17  }
0x8e: {  	[smem:$0x3FC2] =	sst s2  }
0x8f: {  	_ = 	snop  }
0x90: {  	s2 =	sld [smem:$0x3FD0];
	(tm) =	ssettm $0x1  }
0x91: {  	s18 =	sld [smem:$0x3FFB];
	_ =	sdelay $0x3  }
0x92: {  	_ =	strace s18  }
0x93: {  	s3 =	sld [smem:$0x3FFC];
	_ =	sdelay $0x3  }
0x94: {  	_ =	strace s3  }
0x95: {  	s3 =	sld [smem:$0x3FFD];
	_ =	sdelay $0x3  }
0x96: {  	_ =	strace s3  }
0x97: {  	_ =	strace $0x8FFFFFFF  }
0x98: {  	s19 =	sld [smem:$0x3FDB];
	_ =	sdelay $0x1  }
0x99: {  	s4 =	simm.s32 $_scs_section_size  }
0x9a: {  	s5 =	simm.s32 $_size__tile_overlayer_lowered;
	s6 =	simm.s32 $_tile_overlayer_lowered  }
0x9b: {  	s22 =	simm.s32 $0x1BFF;
	s21 =	sshll.u32 s6, $0x1;
	s3 =	sadd.s32 s4, s19  }
0x9c: {  	s7 =	simm.s32 $0x0;
	s20 =	sshll.u32 s5, $0x1;
	s5 =	sadd.s32 s21, s3  }
0x9d: {  	[timem:s7], [sflag:s22] =	dma.local [hbm:s5], s20  }
0x9e: {  	_ =	swait.ge [sflag:s22], s20  }
0x9f: {  	s4 =	ssub.s32 $0x0, s20;
	[sflag:s22] =	ssyncset.done $0x0  }
0xa0: {  	[sflag:s22] =	ssyncadd.s32 s4;
	_ =	sdelay $0x1  }
0xa1: {  	s23 =	simm.s32 $0x1B8B  }
0xa2: {  	_ =	swait.ge [sflag:s23], $0x1  }
0xa3: {  	[sflag:s23] =	ssyncset.done $0x0  }
0xa4: {  	s25 =	simm.s32 $0x1B8E;
	s24 =	sld [smem:$0x3FFE];
	[sflag:s23] =	ssyncadd.s32 $0xFFFFFFFF  }
0xa5: {  	s26 =	simm.s32 $execute0_lowered;
	[smem:$0x3FD2] =	sst s25  }
0xa6: {  	s5 =	sshll.u32 s26, $0x1;
	_ =	strace $0x80000046;
	[dreg:$0x1] =	wrdreg $0xFFFFFFFF  }
0xa7: {  	s28 =	simm.s32 $_size_execute0_lowered;
	s3 =	sadd.s32 s3, s5;
	[dreg:$0x0] =	wrdreg $0x0  }
0xa8: {  	s5 =	sshll.u32 s28, $0x1;
	[dreg:$0x2] =	wrdreg s3  }
0xa9: {  	[dreg:$0x3] =	wrdreg s5  }
0xaa: {  	[dreg:$0x4] =	wrdreg $0xC0  }
0xab: {  	_ =	task [dreg:s7], $0x5FFFF  }
0xac: {  	[dreg:$0x1] =	wrdreg $0xFFFFFFFF  }
0xad: {  	[dreg:$0x0] =	wrdreg $0x60  }
0xae: {  	[dreg:$0x2] =	wrdreg s24  }
0xaf: {  	[dreg:$0x3] =	wrdreg s2  }
0xb0: {  	[dreg:$0x4] =	wrdreg $0x1C000  }
0xb1: {  	[dreg:$0x5] =	wrdreg $0x9  }
0xb2: {  	_ =	task.clear_ibuf [dreg:s7], $0x6FFFF;
	_ =	strace $0x90000046  }
0xb3: {  	s29 =	simm.s32 $0x9;
	_ =	strace $0x80000048  }
0xb4: {  	_ =	swait.ge [sflag:s29], $0x1  }
0xb5: {  	[sflag:s29] =	ssyncadd.s32 $0xFFFFFFFF  }
0xb6: {  	_ =	strace $0x90000048  }
0xb7: {  	_ =	sfence  }
0xb8: {  	s30 =	sld [smem:$0x0];
	_ =	sdelay $0x2  }
0xb9: {  	s31 =	sshll.u32 s1, $0xD;
	s1 =	sshrl.u32 s1, $0x2  }
0xba: {  	s3 =	sand.u32 $0x4000, s31;
	s1 =	sadd.s32 s1, s30  }
0xbb: {  	s0 =	sor.u32 s3, s0;
	s1 =	sshll.u32 s1, $0x11  }
0xbc: {  	s0 =	sor.u32 s1, s0  }
0xbd: {  	s0 =	sadd.s32 $0x8F2B, s0  }
0xbe: {  	[sflag:s0] =	ssyncadd.remote.s32 $0x1  }
0xbf: {  	_ =	sfence.sel $0xFFFF  }
0xc0: {  	[dreg:$0x0] =	wrdreg $0xFFFFFFFF;
	(pc) =	sbr.abs _section_cstart, $3  }
0xc1: {  	[dreg:$0x1] =	wrdreg $0xFFFFFFFF  }
0xc2: {  	_ =	task.clear_ibuf [dreg:s7], $0x2FFFF;
	_ =	strace $0x9FFFFFFF  }
0xc3: {  	(tm) =	ssettm $0x7FFFFFFF  }
tec
execute0_lowered:
.L_overlay_start_1:
0x0: {  	(tag) =	ssettag $0x1  }
0x1: {  	s0 =	rddreg [dreg:$0x0]  }
0x2: {  	s2 =	rddreg [dreg:$0x1]  }
0x3: {  	s1 =	srdreg.scid;
	[dreg:$0x5] =	wrdreg s2  }
0x4: {  	s6 =	stileid.u32;
	s31 =	simm.s32 $0x0;
	s2 =	rddreg [dreg:$0x2]  }
0x5: {  	s24 =	simm.s32 $0x100;
	[smem:$0x7FF] =	sst s31;
	s4 =	sadd.s32 $0xB000, s0  }
0x6: {  	s26 =	simm.s32 $0x180;
	_ =	strace $0x80000047;
	[dreg:$0x4] =	wrdreg s4  }
0x7: {  	s5 =	simm.s32 $0x200;
	s7 =	simm.s32 $0x280;
	[dreg:$0x7] =	wrdreg s24  }
0x8: {  	s8 =	simm.s32 $0x300;
	s10 =	simm.s32 $0x380;
	[dreg:$0x8] =	wrdreg s26  }
0x9: {  	s11 =	simm.s32 $0x400;
	s12 =	simm.s32 $0x480;
	[dreg:$0x9] =	wrdreg s5  }
0xa: {  	s14 =	simm.s32 $0x500;
	s15 =	simm.s32 $0x600;
	[dreg:$0xa] =	wrdreg s7  }
0xb: {  	s16 =	simm.s32 $0x680;
	s22 =	simm.s32 $0x700;
	[dreg:$0xb] =	wrdreg s8  }
0xc: {  	s23 =	simm.s32 $0x780;
	s28 =	simm.s32 $0xA80;
	[dreg:$0xc] =	wrdreg s10  }
0xd: {  	s29 =	simm.s32 $0xB00;
	s30 =	simm.s32 $0xB80;
	[dreg:$0xd] =	wrdreg s11  }
0xe: {  	s18 =	simm.s32 $0xC00;
	s19 =	simm.s32 $0xC80;
	[dreg:$0xe] =	wrdreg s12  }
0xf: {  	s20 =	simm.s32 $0xD00;
	s21 =	simm.s32 $0xD80;
	[dreg:$0xf] =	wrdreg s14  }
0x10: {  	p0 =	por $0x0, $0x0;
	s1 =	sand.u32 $0x1, s1;
	[dreg:$0x11] =	wrdreg s15  }
0x11: {  	s3 =	sshll.u32 s1, $0x4;
	s25 =	smul.u32 $0x5000, s1;
	[dreg:$0x12] =	wrdreg s16  }
0x12: {  	s1 =	ssub.s32 $0x2, s1;
	s5 =	smul.u32 $0x2800, s6;
	[dreg:$0x13] =	wrdreg s22  }
0x13: {  	s7 =	simm.s32 $0x580;
	[dreg:$0x14] =	wrdreg s23;
	s24 =	simm.s32 $0x800  }
0x14: {  	s8 =	simm.s32 $0x1400;
	s26 =	simm.s32 $0x900;
	s10 =	simm.s32 $0x980  }
0x15: {  	s22 =	simm.s32 $0xE00;
	s23 =	simm.s32 $0xE80;
	s11 =	simm.s32 $0x1080  }
0x16: {  	s12 =	simm.s32 $0x1100;
	s14 =	simm.s32 $0x1200;
	[dreg:$0x10] =	wrdreg s7  }
0x17: {  	s15 =	simm.s32 $0x1280;
	s16 =	simm.s32 $0x1300;
	[dreg:$0x15] =	wrdreg s24  }
0x18: {  	s3 =	sor.u32 s6, s3;
	s9 =	sshrl.u32 s1, $0x1;
	[dreg:$0x17] =	wrdreg s26  }
0x19: {  	s6 =	sshll.u32 s6, $0x6;
	[dreg:$0x18] =	wrdreg s10;
	s26 =	simm.s32 $0xA00  }
0x1a: {  	s24 =	simm.s32 $0xF00;
	s10 =	simm.s32 $0x1000;
	s3 =	smul.u32 $0x280, s3  }
0x1b: {  	s1 =	ssub.s32 s1, s9;
	s13 =	sadd.s32 s5, s2;
	s17 =	sshrl.u32 s5, $0x3  }
0x1c: {  	s5 =	simm.s32 $0x2;
	s9 =	simm.s32 $0x80;
	s1 =	smax.u32 s1, $0x1  }
0x1d: {  	s4 =	sshrl.u32 s13, $0x3;
	s13 =	simm.s32 $0x1180;
	p1 =	sne.s32 s1, $0x1  }
.Ltmp0:
0x1e: {  	s3 =	sadd.s32 s3, s0;
	s0 =	sadd.s32 s25, s0;
	(pc) =	sbr.rel @!p1 .LBB2_3-.Ltmp0, $4  }
0x1f: {  	s25 =	simm.s32 $0x880;
	s1 =	sadd.s32 $0xFFFFFFFF, s1;
	s3 =	sadd.s32 $0x1000, s3  }
0x20: {  	s0 =	sadd.s32 $0xB200, s0;
	[dreg:$0x16] =	wrdreg s25;
	s25 =	simm.s32 $0xF80  }
0x21: {  	[dreg:$0x6] =	wrdreg s3;
	s3 =	sor.u32 $0x1C02, s6;
	s6 =	simm.s32 $0x1  }
0x22: {  	s7 =	sadd.s32 s17, s0;
	s17 =	simm.s32 $0x1380;
	s0 =	rddreg [dreg:$0x5]  }
0x23: {  	[spmem:s4], [sflag:s3] =	dma.local [hbm:s0], $0x500  }
0x24: {  	_ =	swait.ge [sflag:s5], $0x500  }
0x25: {  	[sflag:s5] =	ssyncset.done $0x0  }
0x26: {  	s0 =	rddreg [dreg:$0x4];
	[sflag:s5] =	ssyncadd.s32 $0xFFFFFB00  }
0x27: {  	[tilespmem:s8], [sflag:$0x2] =	stream.linear.gather [hbm4b:s0+s31], $0x800, $0x38;
	[tilespmem:$0x4400] =	vst v63  }
0x28: {  	_ =	swait.ge [sflag:s5], $0x800  }
0x29: {  	[sflag:s5] =	ssyncset.done $0x0  }
0x2a: {  	s0 =	rddreg [dreg:$0x6];
	[sflag:s5] =	ssyncadd.s32 $0xFFFFF800  }
0x2b: {  	[tilespmem:s31], [sflag:$0x2] =	stream.linear.gather [hbm4b:s0+s31], $0x1400, $0x38;
	[tilespmem:$0x4400] =	vst v63  }
0x2c: {  	_ =	swait.ge [sflag:s5], $0x1400  }
0x2d: {  	[sflag:s5] =	ssyncset.done $0x0  }
0x2e: {  	[sflag:s5] =	ssyncadd.s32 $0xFFFFEC00  }
0x2f: {  	[bflag:$0x0] =	sbarrier.arrive $0xFFFF  }
0x30: {  	[spmem:s2] =	stream.indirect.scatter.add.f32 [tilespmem:s8], [sflag:$0x1], $0x10, s31, s9, $0xb8;
	[tilespmem:$0x4400] =	vst v63  }
0x31: {  	s0 =	rddreg [dreg:$0x7]  }
0x32: {  	[spmem:s2] =	stream.indirect.scatter.add.f32 [tilespmem:s8], [sflag:$0x1], $0x10, s9, s9, $0xb8;
	[tilespmem:$0x4400] =	vst v63  }
0x33: {  	[dreg:$0x19] =	wrdreg s1  }
0x34: {  	[spmem:s2] =	stream.indirect.scatter.add.f32 [tilespmem:s8], [sflag:$0x1], $0x10, s0, s9, $0xb8;
	[tilespmem:$0x4400] =	vst v63  }
0x35: {  	s1 =	rddreg [dreg:$0x8]  }
0x36: {  	[spmem:s2] =	stream.indirect.scatter.add.f32 [tilespmem:s8], [sflag:$0x1], $0x10, s1, s9, $0xb8;
	[tilespmem:$0x4400] =	vst v63  }
0x37: {  	s0 =	rddreg [dreg:$0x9]  }
0x38: {  	[spmem:s2] =	stream.indirect.scatter.add.f32 [tilespmem:s8], [sflag:$0x1], $0x10, s0, s9, $0xb8;
	[tilespmem:$0x4400] =	vst v63  }
0x39: {  	s1 =	rddreg [dreg:$0xa]  }
0x3a: {  	[spmem:s2] =	stream.indirect.scatter.add.f32 [tilespmem:s8], [sflag:$0x1], $0x10, s1, s9, $0xb8;
	[tilespmem:$0x4400] =	vst v63  }
0x3b: {  	s0 =	rddreg [dreg:$0xb]  }
0x3c: {  	[spmem:s2] =	stream.indirect.scatter.add.f32 [tilespmem:s8], [sflag:$0x1], $0x10, s0, s9, $0xb8;
	[tilespmem:$0x4400] =	vst v63  }
0x3d: {  	s1 =	rddreg [dreg:$0xc]  }
0x3e: {  	[spmem:s2] =	stream.indirect.scatter.add.f32 [tilespmem:s8], [sflag:$0x1], $0x10, s1, s9, $0xb8;
	[tilespmem:$0x4400] =	vst v63  }
0x3f: {  	_ =	swait.ge [sflag:s6], $0x800  }
0x40: {  	[sflag:s6] =	ssyncset.done $0x0  }
0x41: {  	[sflag:s6] =	ssyncadd.s32 $0xFFFFF800  }
0x42: {  	_ =	swait.ge [sflag:s6], $0x800  }
0x43: {  	[sflag:s6] =	ssyncset.done $0x0  }
0x44: {  	[sflag:s6] =	ssyncadd.s32 $0xFFFFF800  }
0x45: {  	_ =	swait.ge [sflag:s6], $0x800  }
0x46: {  	[sflag:s6] =	ssyncset.done $0x0  }
0x47: {  	[sflag:s6] =	ssyncadd.s32 $0xFFFFF800  }
0x48: {  	_ =	swait.ge [sflag:s6], $0x800  }
0x49: {  	[sflag:s6] =	ssyncset.done $0x0  }
0x4a: {  	[sflag:s6] =	ssyncadd.s32 $0xFFFFF800  }
0x4b: {  	_ =	swait.ge [sflag:s6], $0x800  }
0x4c: {  	[sflag:s6] =	ssyncset.done $0x0  }
0x4d: {  	[sflag:s6] =	ssyncadd.s32 $0xFFFFF800  }
0x4e: {  	_ =	swait.ge [sflag:s6], $0x800  }
0x4f: {  	[sflag:s6] =	ssyncset.done $0x0  }
0x50: {  	[sflag:s6] =	ssyncadd.s32 $0xFFFFF800  }
0x51: {  	_ =	swait.ge [sflag:s6], $0x800  }
0x52: {  	[sflag:s6] =	ssyncset.done $0x0  }
0x53: {  	[sflag:s6] =	ssyncadd.s32 $0xFFFFF800  }
0x54: {  	_ =	swait.ge [sflag:s6], $0x800  }
0x55: {  	[sflag:s6] =	ssyncset.done $0x0  }
0x56: {  	s0 =	rddreg [dreg:$0xd];
	[sflag:s6] =	ssyncadd.s32 $0xFFFFF800  }
0x57: {  	[spmem:s2] =	stream.indirect.scatter.add.f32 [tilespmem:s8], [sflag:$0x1], $0x10, s0, s9, $0xb8;
	[tilespmem:$0x4400] =	vst v63  }
0x58: {  	s1 =	rddreg [dreg:$0xe]  }
0x59: {  	[spmem:s2] =	stream.indirect.scatter.add.f32 [tilespmem:s8], [sflag:$0x1], $0x10, s1, s9, $0xb8;
	[tilespmem:$0x4400] =	vst v63  }
0x5a: {  	s0 =	rddreg [dreg:$0xf]  }
0x5b: {  	[spmem:s2] =	stream.indirect.scatter.add.f32 [tilespmem:s8], [sflag:$0x1], $0x10, s0, s9, $0xb8;
	[tilespmem:$0x4400] =	vst v63  }
0x5c: {  	s1 =	rddreg [dreg:$0x10]  }
0x5d: {  	[spmem:s2] =	stream.indirect.scatter.add.f32 [tilespmem:s8], [sflag:$0x1], $0x10, s1, s9, $0xb8;
	[tilespmem:$0x4400] =	vst v63  }
0x5e: {  	s0 =	rddreg [dreg:$0x11]  }
0x5f: {  	[spmem:s2] =	stream.indirect.scatter.add.f32 [tilespmem:s8], [sflag:$0x1], $0x10, s0, s9, $0xb8;
	[tilespmem:$0x4400] =	vst v63  }
0x60: {  	s1 =	rddreg [dreg:$0x12]  }
0x61: {  	[spmem:s2] =	stream.indirect.scatter.add.f32 [tilespmem:s8], [sflag:$0x1], $0x10, s1, s9, $0xb8;
	[tilespmem:$0x4400] =	vst v63  }
0x62: {  	s0 =	rddreg [dreg:$0x13]  }
0x63: {  	[spmem:s2] =	stream.indirect.scatter.add.f32 [tilespmem:s8], [sflag:$0x1], $0x10, s0, s9, $0xb8;
	[tilespmem:$0x4400] =	vst v63  }
0x64: {  	s1 =	rddreg [dreg:$0x14]  }
0x65: {  	[spmem:s2] =	stream.indirect.scatter.add.f32 [tilespmem:s8], [sflag:$0x1], $0x10, s1, s9, $0xb8;
	[tilespmem:$0x4400] =	vst v63  }
0x66: {  	_ =	swait.ge [sflag:s6], $0x800  }
0x67: {  	[sflag:s6] =	ssyncset.done $0x0  }
0x68: {  	[sflag:s6] =	ssyncadd.s32 $0xFFFFF800  }
0x69: {  	_ =	swait.ge [sflag:s6], $0x800  }
0x6a: {  	[sflag:s6] =	ssyncset.done $0x0  }
0x6b: {  	[sflag:s6] =	ssyncadd.s32 $0xFFFFF800  }
0x6c: {  	_ =	swait.ge [sflag:s6], $0x800  }
0x6d: {  	[sflag:s6] =	ssyncset.done $0x0  }
0x6e: {  	[sflag:s6] =	ssyncadd.s32 $0xFFFFF800  }
0x6f: {  	_ =	swait.ge [sflag:s6], $0x800  }
0x70: {  	[sflag:s6] =	ssyncset.done $0x0  }
0x71: {  	[sflag:s6] =	ssyncadd.s32 $0xFFFFF800  }
0x72: {  	_ =	swait.ge [sflag:s6], $0x800  }
0x73: {  	[sflag:s6] =	ssyncset.done $0x0  }
0x74: {  	[sflag:s6] =	ssyncadd.s32 $0xFFFFF800  }
0x75: {  	_ =	swait.ge [sflag:s6], $0x800  }
0x76: {  	[sflag:s6] =	ssyncset.done $0x0  }
0x77: {  	[sflag:s6] =	ssyncadd.s32 $0xFFFFF800  }
0x78: {  	_ =	swait.ge [sflag:s6], $0x800  }
0x79: {  	[sflag:s6] =	ssyncset.done $0x0  }
0x7a: {  	[sflag:s6] =	ssyncadd.s32 $0xFFFFF800  }
0x7b: {  	_ =	swait.ge [sflag:s6], $0x800  }
0x7c: {  	[sflag:s6] =	ssyncset.done $0x0  }
0x7d: {  	s0 =	rddreg [dreg:$0x15];
	[sflag:s6] =	ssyncadd.s32 $0xFFFFF800  }
0x7e: {  	[spmem:s2] =	stream.indirect.scatter.add.f32 [tilespmem:s8], [sflag:$0x1], $0x10, s0, s9, $0xb8;
	[tilespmem:$0x4400] =	vst v63  }
0x7f: {  	s1 =	rddreg [dreg:$0x16]  }
0x80: {  	[spmem:s2] =	stream.indirect.scatter.add.f32 [tilespmem:s8], [sflag:$0x1], $0x10, s1, s9, $0xb8;
	[tilespmem:$0x4400] =	vst v63  }
0x81: {  	s0 =	rddreg [dreg:$0x17]  }
0x82: {  	[spmem:s2] =	stream.indirect.scatter.add.f32 [tilespmem:s8], [sflag:$0x1], $0x10, s0, s9, $0xb8;
	[tilespmem:$0x4400] =	vst v63  }
0x83: {  	s1 =	rddreg [dreg:$0x18]  }
0x84: {  	[spmem:s2] =	stream.indirect.scatter.add.f32 [tilespmem:s8], [sflag:$0x1], $0x10, s1, s9, $0xb8;
	[tilespmem:$0x4400] =	vst v63  }
0x85: {  	_ = 	snop  }
0x86: {  	[spmem:s2] =	stream.indirect.scatter.add.f32 [tilespmem:s8], [sflag:$0x1], $0x10, s26, s9, $0xb8;
	[tilespmem:$0x4400] =	vst v63  }
0x87: {  	_ = 	snop  }
0x88: {  	[spmem:s2] =	stream.indirect.scatter.add.f32 [tilespmem:s8], [sflag:$0x1], $0x10, s28, s9, $0xb8;
	[tilespmem:$0x4400] =	vst v63  }
0x89: {  	_ = 	snop  }
0x8a: {  	[spmem:s2] =	stream.indirect.scatter.add.f32 [tilespmem:s8], [sflag:$0x1], $0x10, s29, s9, $0xb8;
	[tilespmem:$0x4400] =	vst v63  }
0x8b: {  	_ = 	snop  }
0x8c: {  	[spmem:s2] =	stream.indirect.scatter.add.f32 [tilespmem:s8], [sflag:$0x1], $0x10, s30, s9, $0xb8;
	[tilespmem:$0x4400] =	vst v63  }
0x8d: {  	_ =	swait.ge [sflag:s6], $0x800  }
0x8e: {  	[sflag:s6] =	ssyncset.done $0x0  }
0x8f: {  	[sflag:s6] =	ssyncadd.s32 $0xFFFFF800  }
0x90: {  	_ =	swait.ge [sflag:s6], $0x800  }
0x91: {  	[sflag:s6] =	ssyncset.done $0x0  }
0x92: {  	[sflag:s6] =	ssyncadd.s32 $0xFFFFF800  }
0x93: {  	_ =	swait.ge [sflag:s6], $0x800  }
0x94: {  	[sflag:s6] =	ssyncset.done $0x0  }
0x95: {  	[sflag:s6] =	ssyncadd.s32 $0xFFFFF800  }
0x96: {  	_ =	swait.ge [sflag:s6], $0x800  }
0x97: {  	[sflag:s6] =	ssyncset.done $0x0  }
0x98: {  	[sflag:s6] =	ssyncadd.s32 $0xFFFFF800  }
0x99: {  	_ =	swait.ge [sflag:s6], $0x800  }
0x9a: {  	[sflag:s6] =	ssyncset.done $0x0  }
0x9b: {  	[sflag:s6] =	ssyncadd.s32 $0xFFFFF800  }
0x9c: {  	_ =	swait.ge [sflag:s6], $0x800  }
0x9d: {  	[sflag:s6] =	ssyncset.done $0x0  }
0x9e: {  	[sflag:s6] =	ssyncadd.s32 $0xFFFFF800  }
0x9f: {  	_ =	swait.ge [sflag:s6], $0x800  }
0xa0: {  	[sflag:s6] =	ssyncset.done $0x0  }
0xa1: {  	[sflag:s6] =	ssyncadd.s32 $0xFFFFF800  }
0xa2: {  	_ =	swait.ge [sflag:s6], $0x800  }
0xa3: {  	[sflag:s6] =	ssyncset.done $0x0  }
0xa4: {  	[sflag:s6] =	ssyncadd.s32 $0xFFFFF800  }
0xa5: {  	[spmem:s2] =	stream.indirect.scatter.add.f32 [tilespmem:s8], [sflag:$0x1], $0x10, s18, s9, $0xb8;
	[tilespmem:$0x4400] =	vst v63  }
0xa6: {  	_ = 	snop  }
0xa7: {  	[spmem:s2] =	stream.indirect.scatter.add.f32 [tilespmem:s8], [sflag:$0x1], $0x10, s19, s9, $0xb8;
	[tilespmem:$0x4400] =	vst v63  }
0xa8: {  	_ = 	snop  }
0xa9: {  	[spmem:s2] =	stream.indirect.scatter.add.f32 [tilespmem:s8], [sflag:$0x1], $0x10, s20, s9, $0xb8;
	[tilespmem:$0x4400] =	vst v63  }
0xaa: {  	_ = 	snop  }
0xab: {  	[spmem:s2] =	stream.indirect.scatter.add.f32 [tilespmem:s8], [sflag:$0x1], $0x10, s21, s9, $0xb8;
	[tilespmem:$0x4400] =	vst v63  }
0xac: {  	_ = 	snop  }
0xad: {  	[spmem:s2] =	stream.indirect.scatter.add.f32 [tilespmem:s8], [sflag:$0x1], $0x10, s22, s9, $0xb8;
	[tilespmem:$0x4400] =	vst v63  }
0xae: {  	_ = 	snop  }
0xaf: {  	[spmem:s2] =	stream.indirect.scatter.add.f32 [tilespmem:s8], [sflag:$0x1], $0x10, s23, s9, $0xb8;
	[tilespmem:$0x4400] =	vst v63  }
0xb0: {  	_ = 	snop  }
0xb1: {  	[spmem:s2] =	stream.indirect.scatter.add.f32 [tilespmem:s8], [sflag:$0x1], $0x10, s24, s9, $0xb8;
	[tilespmem:$0x4400] =	vst v63  }
0xb2: {  	_ = 	snop  }
0xb3: {  	[spmem:s2] =	stream.indirect.scatter.add.f32 [tilespmem:s8], [sflag:$0x1], $0x10, s25, s9, $0xb8;
	[tilespmem:$0x4400] =	vst v63  }
0xb4: {  	_ =	swait.ge [sflag:s6], $0x800  }
0xb5: {  	[sflag:s6] =	ssyncset.done $0x0  }
0xb6: {  	[sflag:s6] =	ssyncadd.s32 $0xFFFFF800  }
0xb7: {  	_ =	swait.ge [sflag:s6], $0x800  }
0xb8: {  	[sflag:s6] =	ssyncset.done $0x0  }
0xb9: {  	[sflag:s6] =	ssyncadd.s32 $0xFFFFF800  }
0xba: {  	_ =	swait.ge [sflag:s6], $0x800  }
0xbb: {  	[sflag:s6] =	ssyncset.done $0x0  }
0xbc: {  	[sflag:s6] =	ssyncadd.s32 $0xFFFFF800  }
0xbd: {  	_ =	swait.ge [sflag:s6], $0x800  }
0xbe: {  	[sflag:s6] =	ssyncset.done $0x0  }
0xbf: {  	[sflag:s6] =	ssyncadd.s32 $0xFFFFF800  }
0xc0: {  	_ =	swait.ge [sflag:s6], $0x800  }
0xc1: {  	[sflag:s6] =	ssyncset.done $0x0  }
0xc2: {  	[sflag:s6] =	ssyncadd.s32 $0xFFFFF800  }
0xc3: {  	_ =	swait.ge [sflag:s6], $0x800  }
0xc4: {  	[sflag:s6] =	ssyncset.done $0x0  }
0xc5: {  	[sflag:s6] =	ssyncadd.s32 $0xFFFFF800  }
0xc6: {  	_ =	swait.ge [sflag:s6], $0x800  }
0xc7: {  	[sflag:s6] =	ssyncset.done $0x0  }
0xc8: {  	[sflag:s6] =	ssyncadd.s32 $0xFFFFF800  }
0xc9: {  	_ =	swait.ge [sflag:s6], $0x800  }
0xca: {  	[sflag:s6] =	ssyncset.done $0x0  }
0xcb: {  	[sflag:s6] =	ssyncadd.s32 $0xFFFFF800  }
0xcc: {  	[spmem:s2] =	stream.indirect.scatter.add.f32 [tilespmem:s8], [sflag:$0x1], $0x10, s10, s9, $0xb8;
	[tilespmem:$0x4400] =	vst v63  }
0xcd: {  	_ = 	snop  }
0xce: {  	[spmem:s2] =	stream.indirect.scatter.add.f32 [tilespmem:s8], [sflag:$0x1], $0x10, s11, s9, $0xb8;
	[tilespmem:$0x4400] =	vst v63  }
0xcf: {  	_ = 	snop  }
0xd0: {  	[spmem:s2] =	stream.indirect.scatter.add.f32 [tilespmem:s8], [sflag:$0x1], $0x10, s12, s9, $0xb8;
	[tilespmem:$0x4400] =	vst v63  }
0xd1: {  	_ = 	snop  }
0xd2: {  	[spmem:s2] =	stream.indirect.scatter.add.f32 [tilespmem:s8], [sflag:$0x1], $0x10, s13, s9, $0xb8;
	[tilespmem:$0x4400] =	vst v63  }
0xd3: {  	_ = 	snop  }
0xd4: {  	[spmem:s2] =	stream.indirect.scatter.add.f32 [tilespmem:s8], [sflag:$0x1], $0x10, s14, s9, $0xb8;
	[tilespmem:$0x4400] =	vst v63  }
0xd5: {  	_ = 	snop  }
0xd6: {  	[spmem:s2] =	stream.indirect.scatter.add.f32 [tilespmem:s8], [sflag:$0x1], $0x10, s15, s9, $0xb8;
	[tilespmem:$0x4400] =	vst v63  }
0xd7: {  	_ = 	snop  }
0xd8: {  	[spmem:s2] =	stream.indirect.scatter.add.f32 [tilespmem:s8], [sflag:$0x1], $0x10, s16, s9, $0xb8;
	[tilespmem:$0x4400] =	vst v63  }
0xd9: {  	_ = 	snop  }
0xda: {  	[spmem:s2] =	stream.indirect.scatter.add.f32 [tilespmem:s8], [sflag:$0x1], $0x10, s17, s9, $0xb8;
	[tilespmem:$0x4400] =	vst v63  }
0xdb: {  	_ =	swait.ge [sflag:s6], $0x800  }
0xdc: {  	[sflag:s6] =	ssyncset.done $0x0  }
0xdd: {  	[sflag:s6] =	ssyncadd.s32 $0xFFFFF800  }
0xde: {  	_ =	swait.ge [sflag:s6], $0x800  }
0xdf: {  	[sflag:s6] =	ssyncset.done $0x0  }
0xe0: {  	[sflag:s6] =	ssyncadd.s32 $0xFFFFF800  }
0xe1: {  	_ =	swait.ge [sflag:s6], $0x800  }
0xe2: {  	[sflag:s6] =	ssyncset.done $0x0  }
0xe3: {  	[sflag:s6] =	ssyncadd.s32 $0xFFFFF800  }
0xe4: {  	_ =	swait.ge [sflag:s6], $0x800  }
0xe5: {  	[sflag:s6] =	ssyncset.done $0x0  }
0xe6: {  	[sflag:s6] =	ssyncadd.s32 $0xFFFFF800  }
0xe7: {  	_ =	swait.ge [sflag:s6], $0x800  }
0xe8: {  	[sflag:s6] =	ssyncset.done $0x0  }
0xe9: {  	[sflag:s6] =	ssyncadd.s32 $0xFFFFF800  }
0xea: {  	_ =	swait.ge [sflag:s6], $0x800  }
0xeb: {  	[sflag:s6] =	ssyncset.done $0x0  }
0xec: {  	[sflag:s6] =	ssyncadd.s32 $0xFFFFF800  }
0xed: {  	_ =	swait.ge [sflag:s6], $0x800  }
0xee: {  	[sflag:s6] =	ssyncset.done $0x0  }
0xef: {  	[sflag:s6] =	ssyncadd.s32 $0xFFFFF800  }
0xf0: {  	_ =	swait.ge [sflag:s6], $0x800  }
0xf1: {  	[sflag:s6] =	ssyncset.done $0x0  }
0xf2: {  	[sflag:s6] =	ssyncadd.s32 $0xFFFFF800  }
0xf3: {  	[bflag:$0x0] =	sbarrier.arrive $0xFFFF  }
0xf4: {  	[hbm:s7], [sflag:s3] =	dma.local [spmem:s4], $0x500  }
0xf5: {  	s1 =	rddreg [dreg:$0x19]  }
0xf6: {  	p1 =	sne.s32 s1, $0x1  }
.Ltmp1:
0xf7: {  	_ = 	snop;
	(pc) =	sbr.rel @!p1 .LBB2_3-.Ltmp1, $3  }
0xf8: {  	_ =	sdelay $0x1  }
0xf9: {  	p0 =	por $0x1, $0x1;
	_ =	swait.ge [sflag:s5], $0x500  }
0xfa: {  	s1 =	sadd.s32 $0xFFFFFFFF, s1;
	s0 =	rddreg [dreg:$0x5];
	[sflag:s5] =	ssyncset.done $0x0  }
.LBB2_2:
0xfb: {  	[sflag:s5] =	ssyncadd.s32 $0xFFFFFB00  }
0xfc: {  	[spmem:s4], [sflag:s3] =	dma.local [hbm:s0], $0x500  }
0xfd: {  	_ =	swait.ge [sflag:s5], $0x500  }
0xfe: {  	[sflag:s5] =	ssyncset.done $0x0  }
0xff: {  	s10 =	rddreg [dreg:$0x4];
	[sflag:s5] =	ssyncadd.s32 $0xFFFFFB00  }
0x100: {  	[tilespmem:s8], [sflag:$0x2] =	stream.linear.gather [hbm4b:s10+s31], $0x800, $0x38;
	[tilespmem:$0x4400] =	vst v63  }
0x101: {  	_ =	swait.ge [sflag:s5], $0x800  }
0x102: {  	[sflag:s5] =	ssyncset.done $0x0  }
0x103: {  	s10 =	rddreg [dreg:$0x6];
	[sflag:s5] =	ssyncadd.s32 $0xFFFFF800  }
0x104: {  	[tilespmem:s31], [sflag:$0x2] =	stream.linear.gather [hbm4b:s10+s31], $0x1400, $0x38;
	[tilespmem:$0x4400] =	vst v63  }
0x105: {  	_ =	swait.ge [sflag:s5], $0x1400  }
0x106: {  	[sflag:s5] =	ssyncset.done $0x0  }
0x107: {  	[sflag:s5] =	ssyncadd.s32 $0xFFFFEC00  }
0x108: {  	[bflag:$0x0] =	sbarrier.arrive $0xFFFF  }
0x109: {  	[spmem:s2] =	stream.indirect.scatter.add.f32 [tilespmem:s8], [sflag:$0x1], $0x10, s31, s9, $0xb8;
	[tilespmem:$0x4400] =	vst v63  }
0x10a: {  	_ = 	snop  }
0x10b: {  	[spmem:s2] =	stream.indirect.scatter.add.f32 [tilespmem:s8], [sflag:$0x1], $0x10, s9, s9, $0xb8;
	[tilespmem:$0x4400] =	vst v63  }
0x10c: {  	s0 =	rddreg [dreg:$0x7]  }
0x10d: {  	[spmem:s2] =	stream.indirect.scatter.add.f32 [tilespmem:s8], [sflag:$0x1], $0x10, s0, s9, $0xb8;
	[tilespmem:$0x4400] =	vst v63  }
0x10e: {  	s10 =	rddreg [dreg:$0x8]  }
0x10f: {  	[spmem:s2] =	stream.indirect.scatter.add.f32 [tilespmem:s8], [sflag:$0x1], $0x10, s10, s9, $0xb8;
	[tilespmem:$0x4400] =	vst v63  }
0x110: {  	s0 =	rddreg [dreg:$0x9]  }
0x111: {  	[spmem:s2] =	stream.indirect.scatter.add.f32 [tilespmem:s8], [sflag:$0x1], $0x10, s0, s9, $0xb8;
	[tilespmem:$0x4400] =	vst v63  }
0x112: {  	s10 =	rddreg [dreg:$0xa]  }
0x113: {  	[spmem:s2] =	stream.indirect.scatter.add.f32 [tilespmem:s8], [sflag:$0x1], $0x10, s10, s9, $0xb8;
	[tilespmem:$0x4400] =	vst v63  }
0x114: {  	s0 =	rddreg [dreg:$0xb]  }
0x115: {  	[spmem:s2] =	stream.indirect.scatter.add.f32 [tilespmem:s8], [sflag:$0x1], $0x10, s0, s9, $0xb8;
	[tilespmem:$0x4400] =	vst v63  }
0x116: {  	s10 =	rddreg [dreg:$0xc]  }
0x117: {  	[spmem:s2] =	stream.indirect.scatter.add.f32 [tilespmem:s8], [sflag:$0x1], $0x10, s10, s9, $0xb8;
	[tilespmem:$0x4400] =	vst v63  }
0x118: {  	_ =	swait.ge [sflag:s6], $0x800  }
0x119: {  	[sflag:s6] =	ssyncset.done $0x0  }
0x11a: {  	[sflag:s6] =	ssyncadd.s32 $0xFFFFF800  }
0x11b: {  	_ =	swait.ge [sflag:s6], $0x800  }
0x11c: {  	[sflag:s6] =	ssyncset.done $0x0  }
0x11d: {  	[sflag:s6] =	ssyncadd.s32 $0xFFFFF800  }
0x11e: {  	_ =	swait.ge [sflag:s6], $0x800  }
0x11f: {  	[sflag:s6] =	ssyncset.done $0x0  }
0x120: {  	[sflag:s6] =	ssyncadd.s32 $0xFFFFF800  }
0x121: {  	_ =	swait.ge [sflag:s6], $0x800  }
0x122: {  	[sflag:s6] =	ssyncset.done $0x0  }
0x123: {  	[sflag:s6] =	ssyncadd.s32 $0xFFFFF800  }
0x124: {  	_ =	swait.ge [sflag:s6], $0x800  }
0x125: {  	[sflag:s6] =	ssyncset.done $0x0  }
0x126: {  	[sflag:s6] =	ssyncadd.s32 $0xFFFFF800  }
0x127: {  	_ =	swait.ge [sflag:s6], $0x800  }
0x128: {  	[sflag:s6] =	ssyncset.done $0x0  }
0x129: {  	[sflag:s6] =	ssyncadd.s32 $0xFFFFF800  }
0x12a: {  	_ =	swait.ge [sflag:s6], $0x800  }
0x12b: {  	[sflag:s6] =	ssyncset.done $0x0  }
0x12c: {  	[sflag:s6] =	ssyncadd.s32 $0xFFFFF800  }
0x12d: {  	_ =	swait.ge [sflag:s6], $0x800  }
0x12e: {  	[sflag:s6] =	ssyncset.done $0x0  }
0x12f: {  	s0 =	rddreg [dreg:$0xd];
	[sflag:s6] =	ssyncadd.s32 $0xFFFFF800  }
0x130: {  	[spmem:s2] =	stream.indirect.scatter.add.f32 [tilespmem:s8], [sflag:$0x1], $0x10, s0, s9, $0xb8;
	[tilespmem:$0x4400] =	vst v63  }
0x131: {  	s10 =	rddreg [dreg:$0xe]  }
0x132: {  	[spmem:s2] =	stream.indirect.scatter.add.f32 [tilespmem:s8], [sflag:$0x1], $0x10, s10, s9, $0xb8;
	[tilespmem:$0x4400] =	vst v63  }
0x133: {  	s0 =	rddreg [dreg:$0xf]  }
0x134: {  	[spmem:s2] =	stream.indirect.scatter.add.f32 [tilespmem:s8], [sflag:$0x1], $0x10, s0, s9, $0xb8;
	[tilespmem:$0x4400] =	vst v63  }
0x135: {  	s10 =	rddreg [dreg:$0x10]  }
0x136: {  	[spmem:s2] =	stream.indirect.scatter.add.f32 [tilespmem:s8], [sflag:$0x1], $0x10, s10, s9, $0xb8;
	[tilespmem:$0x4400] =	vst v63  }
0x137: {  	s0 =	rddreg [dreg:$0x11]  }
0x138: {  	[spmem:s2] =	stream.indirect.scatter.add.f32 [tilespmem:s8], [sflag:$0x1], $0x10, s0, s9, $0xb8;
	[tilespmem:$0x4400] =	vst v63  }
0x139: {  	s10 =	rddreg [dreg:$0x12]  }
0x13a: {  	[spmem:s2] =	stream.indirect.scatter.add.f32 [tilespmem:s8], [sflag:$0x1], $0x10, s10, s9, $0xb8;
	[tilespmem:$0x4400] =	vst v63  }
0x13b: {  	s0 =	rddreg [dreg:$0x13]  }
0x13c: {  	[spmem:s2] =	stream.indirect.scatter.add.f32 [tilespmem:s8], [sflag:$0x1], $0x10, s0, s9, $0xb8;
	[tilespmem:$0x4400] =	vst v63  }
0x13d: {  	s10 =	rddreg [dreg:$0x14]  }
0x13e: {  	[spmem:s2] =	stream.indirect.scatter.add.f32 [tilespmem:s8], [sflag:$0x1], $0x10, s10, s9, $0xb8;
	[tilespmem:$0x4400] =	vst v63  }
0x13f: {  	_ =	swait.ge [sflag:s6], $0x800  }
0x140: {  	[sflag:s6] =	ssyncset.done $0x0  }
0x141: {  	[sflag:s6] =	ssyncadd.s32 $0xFFFFF800  }
0x142: {  	_ =	swait.ge [sflag:s6], $0x800  }
0x143: {  	[sflag:s6] =	ssyncset.done $0x0  }
0x144: {  	[sflag:s6] =	ssyncadd.s32 $0xFFFFF800  }
0x145: {  	_ =	swait.ge [sflag:s6], $0x800  }
0x146: {  	[sflag:s6] =	ssyncset.done $0x0  }
0x147: {  	[sflag:s6] =	ssyncadd.s32 $0xFFFFF800  }
0x148: {  	_ =	swait.ge [sflag:s6], $0x800  }
0x149: {  	[sflag:s6] =	ssyncset.done $0x0  }
0x14a: {  	[sflag:s6] =	ssyncadd.s32 $0xFFFFF800  }
0x14b: {  	_ =	swait.ge [sflag:s6], $0x800  }
0x14c: {  	[sflag:s6] =	ssyncset.done $0x0  }
0x14d: {  	[sflag:s6] =	ssyncadd.s32 $0xFFFFF800  }
0x14e: {  	_ =	swait.ge [sflag:s6], $0x800  }
0x14f: {  	[sflag:s6] =	ssyncset.done $0x0  }
0x150: {  	[sflag:s6] =	ssyncadd.s32 $0xFFFFF800  }
0x151: {  	_ =	swait.ge [sflag:s6], $0x800  }
0x152: {  	[sflag:s6] =	ssyncset.done $0x0  }
0x153: {  	[sflag:s6] =	ssyncadd.s32 $0xFFFFF800  }
0x154: {  	_ =	swait.ge [sflag:s6], $0x800  }
0x155: {  	[sflag:s6] =	ssyncset.done $0x0  }
0x156: {  	s0 =	rddreg [dreg:$0x15];
	[sflag:s6] =	ssyncadd.s32 $0xFFFFF800  }
0x157: {  	[spmem:s2] =	stream.indirect.scatter.add.f32 [tilespmem:s8], [sflag:$0x1], $0x10, s0, s9, $0xb8;
	[tilespmem:$0x4400] =	vst v63  }
0x158: {  	s10 =	rddreg [dreg:$0x16]  }
0x159: {  	[spmem:s2] =	stream.indirect.scatter.add.f32 [tilespmem:s8], [sflag:$0x1], $0x10, s10, s9, $0xb8;
	[tilespmem:$0x4400] =	vst v63  }
0x15a: {  	s0 =	rddreg [dreg:$0x17]  }
0x15b: {  	[spmem:s2] =	stream.indirect.scatter.add.f32 [tilespmem:s8], [sflag:$0x1], $0x10, s0, s9, $0xb8;
	[tilespmem:$0x4400] =	vst v63  }
0x15c: {  	s10 =	rddreg [dreg:$0x18]  }
0x15d: {  	[spmem:s2] =	stream.indirect.scatter.add.f32 [tilespmem:s8], [sflag:$0x1], $0x10, s10, s9, $0xb8;
	[tilespmem:$0x4400] =	vst v63  }
0x15e: {  	_ = 	snop  }
0x15f: {  	[spmem:s2] =	stream.indirect.scatter.add.f32 [tilespmem:s8], [sflag:$0x1], $0x10, s26, s9, $0xb8;
	[tilespmem:$0x4400] =	vst v63  }
0x160: {  	_ = 	snop  }
0x161: {  	[spmem:s2] =	stream.indirect.scatter.add.f32 [tilespmem:s8], [sflag:$0x1], $0x10, s28, s9, $0xb8;
	[tilespmem:$0x4400] =	vst v63  }
0x162: {  	_ = 	snop  }
0x163: {  	[spmem:s2] =	stream.indirect.scatter.add.f32 [tilespmem:s8], [sflag:$0x1], $0x10, s29, s9, $0xb8;
	[tilespmem:$0x4400] =	vst v63  }
0x164: {  	_ = 	snop  }
0x165: {  	[spmem:s2] =	stream.indirect.scatter.add.f32 [tilespmem:s8], [sflag:$0x1], $0x10, s30, s9, $0xb8;
	[tilespmem:$0x4400] =	vst v63  }
0x166: {  	_ =	swait.ge [sflag:s6], $0x800  }
0x167: {  	[sflag:s6] =	ssyncset.done $0x0  }
0x168: {  	[sflag:s6] =	ssyncadd.s32 $0xFFFFF800  }
0x169: {  	_ =	swait.ge [sflag:s6], $0x800  }
0x16a: {  	[sflag:s6] =	ssyncset.done $0x0  }
0x16b: {  	[sflag:s6] =	ssyncadd.s32 $0xFFFFF800  }
0x16c: {  	_ =	swait.ge [sflag:s6], $0x800  }
0x16d: {  	[sflag:s6] =	ssyncset.done $0x0  }
0x16e: {  	[sflag:s6] =	ssyncadd.s32 $0xFFFFF800  }
0x16f: {  	_ =	swait.ge [sflag:s6], $0x800  }
0x170: {  	[sflag:s6] =	ssyncset.done $0x0  }
0x171: {  	[sflag:s6] =	ssyncadd.s32 $0xFFFFF800  }
0x172: {  	_ =	swait.ge [sflag:s6], $0x800  }
0x173: {  	[sflag:s6] =	ssyncset.done $0x0  }
0x174: {  	[sflag:s6] =	ssyncadd.s32 $0xFFFFF800  }
0x175: {  	_ =	swait.ge [sflag:s6], $0x800  }
0x176: {  	[sflag:s6] =	ssyncset.done $0x0  }
0x177: {  	[sflag:s6] =	ssyncadd.s32 $0xFFFFF800  }
0x178: {  	_ =	swait.ge [sflag:s6], $0x800  }
0x179: {  	[sflag:s6] =	ssyncset.done $0x0  }
0x17a: {  	[sflag:s6] =	ssyncadd.s32 $0xFFFFF800  }
0x17b: {  	_ =	swait.ge [sflag:s6], $0x800  }
0x17c: {  	[sflag:s6] =	ssyncset.done $0x0  }
0x17d: {  	[sflag:s6] =	ssyncadd.s32 $0xFFFFF800  }
0x17e: {  	[spmem:s2] =	stream.indirect.scatter.add.f32 [tilespmem:s8], [sflag:$0x1], $0x10, s18, s9, $0xb8;
	[tilespmem:$0x4400] =	vst v63  }
0x17f: {  	_ = 	snop  }
0x180: {  	[spmem:s2] =	stream.indirect.scatter.add.f32 [tilespmem:s8], [sflag:$0x1], $0x10, s19, s9, $0xb8;
	[tilespmem:$0x4400] =	vst v63  }
0x181: {  	_ = 	snop  }
0x182: {  	[spmem:s2] =	stream.indirect.scatter.add.f32 [tilespmem:s8], [sflag:$0x1], $0x10, s20, s9, $0xb8;
	[tilespmem:$0x4400] =	vst v63  }
0x183: {  	_ = 	snop  }
0x184: {  	[spmem:s2] =	stream.indirect.scatter.add.f32 [tilespmem:s8], [sflag:$0x1], $0x10, s21, s9, $0xb8;
	[tilespmem:$0x4400] =	vst v63  }
0x185: {  	_ = 	snop  }
0x186: {  	[spmem:s2] =	stream.indirect.scatter.add.f32 [tilespmem:s8], [sflag:$0x1], $0x10, s22, s9, $0xb8;
	[tilespmem:$0x4400] =	vst v63  }
0x187: {  	_ = 	snop  }
0x188: {  	[spmem:s2] =	stream.indirect.scatter.add.f32 [tilespmem:s8], [sflag:$0x1], $0x10, s23, s9, $0xb8;
	[tilespmem:$0x4400] =	vst v63  }
0x189: {  	_ = 	snop  }
0x18a: {  	[spmem:s2] =	stream.indirect.scatter.add.f32 [tilespmem:s8], [sflag:$0x1], $0x10, s24, s9, $0xb8;
	[tilespmem:$0x4400] =	vst v63  }
0x18b: {  	_ = 	snop  }
0x18c: {  	[spmem:s2] =	stream.indirect.scatter.add.f32 [tilespmem:s8], [sflag:$0x1], $0x10, s25, s9, $0xb8;
	[tilespmem:$0x4400] =	vst v63  }
0x18d: {  	_ =	swait.ge [sflag:s6], $0x800  }
0x18e: {  	[sflag:s6] =	ssyncset.done $0x0  }
0x18f: {  	[sflag:s6] =	ssyncadd.s32 $0xFFFFF800  }
0x190: {  	_ =	swait.ge [sflag:s6], $0x800  }
0x191: {  	[sflag:s6] =	ssyncset.done $0x0  }
0x192: {  	[sflag:s6] =	ssyncadd.s32 $0xFFFFF800  }
0x193: {  	_ =	swait.ge [sflag:s6], $0x800  }
0x194: {  	[sflag:s6] =	ssyncset.done $0x0  }
0x195: {  	[sflag:s6] =	ssyncadd.s32 $0xFFFFF800  }
0x196: {  	_ =	swait.ge [sflag:s6], $0x800  }
0x197: {  	[sflag:s6] =	ssyncset.done $0x0  }
0x198: {  	[sflag:s6] =	ssyncadd.s32 $0xFFFFF800  }
0x199: {  	_ =	swait.ge [sflag:s6], $0x800  }
0x19a: {  	[sflag:s6] =	ssyncset.done $0x0  }
0x19b: {  	[sflag:s6] =	ssyncadd.s32 $0xFFFFF800  }
0x19c: {  	_ =	swait.ge [sflag:s6], $0x800  }
0x19d: {  	[sflag:s6] =	ssyncset.done $0x0  }
0x19e: {  	[sflag:s6] =	ssyncadd.s32 $0xFFFFF800  }
0x19f: {  	_ =	swait.ge [sflag:s6], $0x800  }
0x1a0: {  	[sflag:s6] =	ssyncset.done $0x0  }
0x1a1: {  	[sflag:s6] =	ssyncadd.s32 $0xFFFFF800  }
0x1a2: {  	_ =	swait.ge [sflag:s6], $0x800  }
0x1a3: {  	[sflag:s6] =	ssyncset.done $0x0  }
0x1a4: {  	s10 =	simm.s32 $0x1000;
	[sflag:s6] =	ssyncadd.s32 $0xFFFFF800  }
0x1a5: {  	[spmem:s2] =	stream.indirect.scatter.add.f32 [tilespmem:s8], [sflag:$0x1], $0x10, s10, s9, $0xb8;
	[tilespmem:$0x4400] =	vst v63  }
0x1a6: {  	_ = 	snop  }
0x1a7: {  	[spmem:s2] =	stream.indirect.scatter.add.f32 [tilespmem:s8], [sflag:$0x1], $0x10, s11, s9, $0xb8;
	[tilespmem:$0x4400] =	vst v63  }
0x1a8: {  	_ = 	snop  }
0x1a9: {  	[spmem:s2] =	stream.indirect.scatter.add.f32 [tilespmem:s8], [sflag:$0x1], $0x10, s12, s9, $0xb8;
	[tilespmem:$0x4400] =	vst v63  }
0x1aa: {  	_ = 	snop  }
0x1ab: {  	[spmem:s2] =	stream.indirect.scatter.add.f32 [tilespmem:s8], [sflag:$0x1], $0x10, s13, s9, $0xb8;
	[tilespmem:$0x4400] =	vst v63  }
0x1ac: {  	_ = 	snop  }
0x1ad: {  	[spmem:s2] =	stream.indirect.scatter.add.f32 [tilespmem:s8], [sflag:$0x1], $0x10, s14, s9, $0xb8;
	[tilespmem:$0x4400] =	vst v63  }
0x1ae: {  	_ = 	snop  }
0x1af: {  	[spmem:s2] =	stream.indirect.scatter.add.f32 [tilespmem:s8], [sflag:$0x1], $0x10, s15, s9, $0xb8;
	[tilespmem:$0x4400] =	vst v63  }
0x1b0: {  	_ = 	snop  }
0x1b1: {  	[spmem:s2] =	stream.indirect.scatter.add.f32 [tilespmem:s8], [sflag:$0x1], $0x10, s16, s9, $0xb8;
	[tilespmem:$0x4400] =	vst v63  }
0x1b2: {  	_ = 	snop  }
0x1b3: {  	[spmem:s2] =	stream.indirect.scatter.add.f32 [tilespmem:s8], [sflag:$0x1], $0x10, s17, s9, $0xb8;
	[tilespmem:$0x4400] =	vst v63  }
0x1b4: {  	_ =	swait.ge [sflag:s6], $0x800  }
0x1b5: {  	[sflag:s6] =	ssyncset.done $0x0  }
0x1b6: {  	[sflag:s6] =	ssyncadd.s32 $0xFFFFF800  }
0x1b7: {  	_ =	swait.ge [sflag:s6], $0x800  }
0x1b8: {  	[sflag:s6] =	ssyncset.done $0x0  }
0x1b9: {  	[sflag:s6] =	ssyncadd.s32 $0xFFFFF800  }
0x1ba: {  	_ =	swait.ge [sflag:s6], $0x800  }
0x1bb: {  	[sflag:s6] =	ssyncset.done $0x0  }
0x1bc: {  	[sflag:s6] =	ssyncadd.s32 $0xFFFFF800  }
0x1bd: {  	_ =	swait.ge [sflag:s6], $0x800  }
0x1be: {  	[sflag:s6] =	ssyncset.done $0x0  }
0x1bf: {  	[sflag:s6] =	ssyncadd.s32 $0xFFFFF800  }
0x1c0: {  	_ =	swait.ge [sflag:s6], $0x800  }
0x1c1: {  	[sflag:s6] =	ssyncset.done $0x0  }
0x1c2: {  	[sflag:s6] =	ssyncadd.s32 $0xFFFFF800  }
0x1c3: {  	_ =	swait.ge [sflag:s6], $0x800  }
0x1c4: {  	[sflag:s6] =	ssyncset.done $0x0  }
0x1c5: {  	[sflag:s6] =	ssyncadd.s32 $0xFFFFF800  }
0x1c6: {  	_ =	swait.ge [sflag:s6], $0x800  }
0x1c7: {  	[sflag:s6] =	ssyncset.done $0x0  }
0x1c8: {  	[sflag:s6] =	ssyncadd.s32 $0xFFFFF800  }
0x1c9: {  	_ =	swait.ge [sflag:s6], $0x800  }
0x1ca: {  	p1 =	sne.s32 s1, $0x1;
	[sflag:s6] =	ssyncset.done $0x0  }
.Ltmp2:
0x1cb: {  	[sflag:s6] =	ssyncadd.s32 $0xFFFFF800;
	(pc) =	sbr.rel @p1 .LBB2_2-.Ltmp2, $4  }
0x1cc: {  	[bflag:$0x0] =	sbarrier.arrive $0xFFFF  }
0x1cd: {  	[hbm:s7], [sflag:s3] =	dma.local [spmem:s4], $0x500  }
0x1ce: {  	_ =	swait.ge [sflag:s5], $0x500  }
0x1cf: {  	s1 =	sadd.s32 $0xFFFFFFFF, s1;
	s0 =	rddreg [dreg:$0x5];
	[sflag:s5] =	ssyncset.done $0x0  }
.LBB2_3:
0x1d0: {  	[sflag:s5] =	ssyncadd.s32 @p0 $0xFFFFFB00  }
0x1d1: {  	[spmem:s4], [sflag:s3] =	dma.local [hbm:s0], $0x500  }
0x1d2: {  	_ =	swait.ge [sflag:s5], $0x500  }
0x1d3: {  	[sflag:s5] =	ssyncset.done $0x0  }
0x1d4: {  	s1 =	rddreg [dreg:$0x4];
	[sflag:s5] =	ssyncadd.s32 $0xFFFFFB00  }
0x1d5: {  	[tilespmem:s8], [sflag:$0x2] =	stream.linear.gather [hbm4b:s1+s31], $0x800, $0x38;
	[tilespmem:$0x4400] =	vst v63  }
0x1d6: {  	_ =	swait.ge [sflag:s5], $0x800  }
0x1d7: {  	[sflag:s5] =	ssyncset.done $0x0  }
0x1d8: {  	s1 =	rddreg [dreg:$0x6];
	[sflag:s5] =	ssyncadd.s32 $0xFFFFF800  }
0x1d9: {  	[tilespmem:s31], [sflag:$0x2] =	stream.linear.gather [hbm4b:s1+s31], $0x1400, $0x38;
	[tilespmem:$0x4400] =	vst v63  }
0x1da: {  	_ =	swait.ge [sflag:s5], $0x1400  }
0x1db: {  	[sflag:s5] =	ssyncset.done $0x0  }
0x1dc: {  	[sflag:s5] =	ssyncadd.s32 $0xFFFFEC00  }
0x1dd: {  	[bflag:$0x0] =	sbarrier.arrive $0xFFFF  }
0x1de: {  	[spmem:s2] =	stream.indirect.scatter.add.f32 [tilespmem:s8], [sflag:$0x1], $0x10, s31, s9, $0xb8;
	[tilespmem:$0x4400] =	vst v63  }
0x1df: {  	_ = 	snop  }
0x1e0: {  	[spmem:s2] =	stream.indirect.scatter.add.f32 [tilespmem:s8], [sflag:$0x1], $0x10, s9, s9, $0xb8;
	[tilespmem:$0x4400] =	vst v63  }
0x1e1: {  	s31 =	rddreg [dreg:$0x7]  }
0x1e2: {  	[spmem:s2] =	stream.indirect.scatter.add.f32 [tilespmem:s8], [sflag:$0x1], $0x10, s31, s9, $0xb8;
	[tilespmem:$0x4400] =	vst v63  }
0x1e3: {  	s1 =	rddreg [dreg:$0x8]  }
0x1e4: {  	[spmem:s2] =	stream.indirect.scatter.add.f32 [tilespmem:s8], [sflag:$0x1], $0x10, s1, s9, $0xb8;
	[tilespmem:$0x4400] =	vst v63  }
0x1e5: {  	s0 =	rddreg [dreg:$0x9]  }
0x1e6: {  	[spmem:s2] =	stream.indirect.scatter.add.f32 [tilespmem:s8], [sflag:$0x1], $0x10, s0, s9, $0xb8;
	[tilespmem:$0x4400] =	vst v63  }
0x1e7: {  	s31 =	rddreg [dreg:$0xa]  }
0x1e8: {  	[spmem:s2] =	stream.indirect.scatter.add.f32 [tilespmem:s8], [sflag:$0x1], $0x10, s31, s9, $0xb8;
	[tilespmem:$0x4400] =	vst v63  }
0x1e9: {  	s0 =	rddreg [dreg:$0xb]  }
0x1ea: {  	[spmem:s2] =	stream.indirect.scatter.add.f32 [tilespmem:s8], [sflag:$0x1], $0x10, s0, s9, $0xb8;
	[tilespmem:$0x4400] =	vst v63  }
0x1eb: {  	s31 =	rddreg [dreg:$0xc]  }
0x1ec: {  	[spmem:s2] =	stream.indirect.scatter.add.f32 [tilespmem:s8], [sflag:$0x1], $0x10, s31, s9, $0xb8;
	[tilespmem:$0x4400] =	vst v63  }
0x1ed: {  	_ =	swait.ge [sflag:s6], $0x800  }
0x1ee: {  	[sflag:s6] =	ssyncset.done $0x0  }
0x1ef: {  	[sflag:s6] =	ssyncadd.s32 $0xFFFFF800  }
0x1f0: {  	_ =	swait.ge [sflag:s6], $0x800  }
0x1f1: {  	[sflag:s6] =	ssyncset.done $0x0  }
0x1f2: {  	[sflag:s6] =	ssyncadd.s32 $0xFFFFF800  }
0x1f3: {  	_ =	swait.ge [sflag:s6], $0x800  }
0x1f4: {  	[sflag:s6] =	ssyncset.done $0x0  }
0x1f5: {  	[sflag:s6] =	ssyncadd.s32 $0xFFFFF800  }
0x1f6: {  	_ =	swait.ge [sflag:s6], $0x800  }
0x1f7: {  	[sflag:s6] =	ssyncset.done $0x0  }
0x1f8: {  	[sflag:s6] =	ssyncadd.s32 $0xFFFFF800  }
0x1f9: {  	_ =	swait.ge [sflag:s6], $0x800  }
0x1fa: {  	[sflag:s6] =	ssyncset.done $0x0  }
0x1fb: {  	[sflag:s6] =	ssyncadd.s32 $0xFFFFF800  }
0x1fc: {  	_ =	swait.ge [sflag:s6], $0x800  }
0x1fd: {  	[sflag:s6] =	ssyncset.done $0x0  }
0x1fe: {  	[sflag:s6] =	ssyncadd.s32 $0xFFFFF800  }
0x1ff: {  	_ =	swait.ge [sflag:s6], $0x800  }
0x200: {  	[sflag:s6] =	ssyncset.done $0x0  }
0x201: {  	[sflag:s6] =	ssyncadd.s32 $0xFFFFF800  }
0x202: {  	_ =	swait.ge [sflag:s6], $0x800  }
0x203: {  	[sflag:s6] =	ssyncset.done $0x0  }
0x204: {  	s1 =	rddreg [dreg:$0xd];
	[sflag:s6] =	ssyncadd.s32 $0xFFFFF800  }
0x205: {  	[spmem:s2] =	stream.indirect.scatter.add.f32 [tilespmem:s8], [sflag:$0x1], $0x10, s1, s9, $0xb8;
	[tilespmem:$0x4400] =	vst v63  }
0x206: {  	s31 =	rddreg [dreg:$0xe]  }
0x207: {  	[spmem:s2] =	stream.indirect.scatter.add.f32 [tilespmem:s8], [sflag:$0x1], $0x10, s31, s9, $0xb8;
	[tilespmem:$0x4400] =	vst v63  }
0x208: {  	s0 =	rddreg [dreg:$0xf]  }
0x209: {  	[spmem:s2] =	stream.indirect.scatter.add.f32 [tilespmem:s8], [sflag:$0x1], $0x10, s0, s9, $0xb8;
	[tilespmem:$0x4400] =	vst v63  }
0x20a: {  	s31 =	rddreg [dreg:$0x10]  }
0x20b: {  	[spmem:s2] =	stream.indirect.scatter.add.f32 [tilespmem:s8], [sflag:$0x1], $0x10, s31, s9, $0xb8;
	[tilespmem:$0x4400] =	vst v63  }
0x20c: {  	s0 =	rddreg [dreg:$0x11]  }
0x20d: {  	[spmem:s2] =	stream.indirect.scatter.add.f32 [tilespmem:s8], [sflag:$0x1], $0x10, s0, s9, $0xb8;
	[tilespmem:$0x4400] =	vst v63  }
0x20e: {  	s31 =	rddreg [dreg:$0x12]  }
0x20f: {  	[spmem:s2] =	stream.indirect.scatter.add.f32 [tilespmem:s8], [sflag:$0x1], $0x10, s31, s9, $0xb8;
	[tilespmem:$0x4400] =	vst v63  }
0x210: {  	s0 =	rddreg [dreg:$0x13]  }
0x211: {  	[spmem:s2] =	stream.indirect.scatter.add.f32 [tilespmem:s8], [sflag:$0x1], $0x10, s0, s9, $0xb8;
	[tilespmem:$0x4400] =	vst v63  }
0x212: {  	s31 =	rddreg [dreg:$0x14]  }
0x213: {  	[spmem:s2] =	stream.indirect.scatter.add.f32 [tilespmem:s8], [sflag:$0x1], $0x10, s31, s9, $0xb8;
	[tilespmem:$0x4400] =	vst v63  }
0x214: {  	_ =	swait.ge [sflag:s6], $0x800  }
0x215: {  	[sflag:s6] =	ssyncset.done $0x0  }
0x216: {  	[sflag:s6] =	ssyncadd.s32 $0xFFFFF800  }
0x217: {  	_ =	swait.ge [sflag:s6], $0x800  }
0x218: {  	[sflag:s6] =	ssyncset.done $0x0  }
0x219: {  	[sflag:s6] =	ssyncadd.s32 $0xFFFFF800  }
0x21a: {  	_ =	swait.ge [sflag:s6], $0x800  }
0x21b: {  	[sflag:s6] =	ssyncset.done $0x0  }
0x21c: {  	[sflag:s6] =	ssyncadd.s32 $0xFFFFF800  }
0x21d: {  	_ =	swait.ge [sflag:s6], $0x800  }
0x21e: {  	[sflag:s6] =	ssyncset.done $0x0  }
0x21f: {  	[sflag:s6] =	ssyncadd.s32 $0xFFFFF800  }
0x220: {  	_ =	swait.ge [sflag:s6], $0x800  }
0x221: {  	[sflag:s6] =	ssyncset.done $0x0  }
0x222: {  	[sflag:s6] =	ssyncadd.s32 $0xFFFFF800  }
0x223: {  	_ =	swait.ge [sflag:s6], $0x800  }
0x224: {  	[sflag:s6] =	ssyncset.done $0x0  }
0x225: {  	[sflag:s6] =	ssyncadd.s32 $0xFFFFF800  }
0x226: {  	_ =	swait.ge [sflag:s6], $0x800  }
0x227: {  	[sflag:s6] =	ssyncset.done $0x0  }
0x228: {  	[sflag:s6] =	ssyncadd.s32 $0xFFFFF800  }
0x229: {  	_ =	swait.ge [sflag:s6], $0x800  }
0x22a: {  	[sflag:s6] =	ssyncset.done $0x0  }
0x22b: {  	s1 =	rddreg [dreg:$0x15];
	[sflag:s6] =	ssyncadd.s32 $0xFFFFF800  }
0x22c: {  	[spmem:s2] =	stream.indirect.scatter.add.f32 [tilespmem:s8], [sflag:$0x1], $0x10, s1, s9, $0xb8;
	[tilespmem:$0x4400] =	vst v63  }
0x22d: {  	s31 =	rddreg [dreg:$0x16]  }
0x22e: {  	[spmem:s2] =	stream.indirect.scatter.add.f32 [tilespmem:s8], [sflag:$0x1], $0x10, s31, s9, $0xb8;
	[tilespmem:$0x4400] =	vst v63  }
0x22f: {  	s0 =	rddreg [dreg:$0x17]  }
0x230: {  	[spmem:s2] =	stream.indirect.scatter.add.f32 [tilespmem:s8], [sflag:$0x1], $0x10, s0, s9, $0xb8;
	[tilespmem:$0x4400] =	vst v63  }
0x231: {  	s31 =	rddreg [dreg:$0x18]  }
0x232: {  	[spmem:s2] =	stream.indirect.scatter.add.f32 [tilespmem:s8], [sflag:$0x1], $0x10, s31, s9, $0xb8;
	[tilespmem:$0x4400] =	vst v63  }
0x233: {  	_ = 	snop  }
0x234: {  	[spmem:s2] =	stream.indirect.scatter.add.f32 [tilespmem:s8], [sflag:$0x1], $0x10, s26, s9, $0xb8;
	[tilespmem:$0x4400] =	vst v63  }
0x235: {  	_ = 	snop  }
0x236: {  	[spmem:s2] =	stream.indirect.scatter.add.f32 [tilespmem:s8], [sflag:$0x1], $0x10, s28, s9, $0xb8;
	[tilespmem:$0x4400] =	vst v63  }
0x237: {  	_ = 	snop  }
0x238: {  	[spmem:s2] =	stream.indirect.scatter.add.f32 [tilespmem:s8], [sflag:$0x1], $0x10, s29, s9, $0xb8;
	[tilespmem:$0x4400] =	vst v63  }
0x239: {  	_ = 	snop  }
0x23a: {  	[spmem:s2] =	stream.indirect.scatter.add.f32 [tilespmem:s8], [sflag:$0x1], $0x10, s30, s9, $0xb8;
	[tilespmem:$0x4400] =	vst v63  }
0x23b: {  	_ =	swait.ge [sflag:s6], $0x800  }
0x23c: {  	[sflag:s6] =	ssyncset.done $0x0  }
0x23d: {  	[sflag:s6] =	ssyncadd.s32 $0xFFFFF800  }
0x23e: {  	_ =	swait.ge [sflag:s6], $0x800  }
0x23f: {  	[sflag:s6] =	ssyncset.done $0x0  }
0x240: {  	[sflag:s6] =	ssyncadd.s32 $0xFFFFF800  }
0x241: {  	_ =	swait.ge [sflag:s6], $0x800  }
0x242: {  	[sflag:s6] =	ssyncset.done $0x0  }
0x243: {  	[sflag:s6] =	ssyncadd.s32 $0xFFFFF800  }
0x244: {  	_ =	swait.ge [sflag:s6], $0x800  }
0x245: {  	[sflag:s6] =	ssyncset.done $0x0  }
0x246: {  	[sflag:s6] =	ssyncadd.s32 $0xFFFFF800  }
0x247: {  	_ =	swait.ge [sflag:s6], $0x800  }
0x248: {  	[sflag:s6] =	ssyncset.done $0x0  }
0x249: {  	[sflag:s6] =	ssyncadd.s32 $0xFFFFF800  }
0x24a: {  	_ =	swait.ge [sflag:s6], $0x800  }
0x24b: {  	[sflag:s6] =	ssyncset.done $0x0  }
0x24c: {  	[sflag:s6] =	ssyncadd.s32 $0xFFFFF800  }
0x24d: {  	_ =	swait.ge [sflag:s6], $0x800  }
0x24e: {  	[sflag:s6] =	ssyncset.done $0x0  }
0x24f: {  	[sflag:s6] =	ssyncadd.s32 $0xFFFFF800  }
0x250: {  	_ =	swait.ge [sflag:s6], $0x800  }
0x251: {  	[sflag:s6] =	ssyncset.done $0x0  }
0x252: {  	[sflag:s6] =	ssyncadd.s32 $0xFFFFF800  }
0x253: {  	[spmem:s2] =	stream.indirect.scatter.add.f32 [tilespmem:s8], [sflag:$0x1], $0x10, s18, s9, $0xb8;
	[tilespmem:$0x4400] =	vst v63  }
0x254: {  	_ = 	snop  }
0x255: {  	[spmem:s2] =	stream.indirect.scatter.add.f32 [tilespmem:s8], [sflag:$0x1], $0x10, s19, s9, $0xb8;
	[tilespmem:$0x4400] =	vst v63  }
0x256: {  	_ = 	snop  }
0x257: {  	[spmem:s2] =	stream.indirect.scatter.add.f32 [tilespmem:s8], [sflag:$0x1], $0x10, s20, s9, $0xb8;
	[tilespmem:$0x4400] =	vst v63  }
0x258: {  	_ = 	snop  }
0x259: {  	[spmem:s2] =	stream.indirect.scatter.add.f32 [tilespmem:s8], [sflag:$0x1], $0x10, s21, s9, $0xb8;
	[tilespmem:$0x4400] =	vst v63  }
0x25a: {  	_ = 	snop  }
0x25b: {  	[spmem:s2] =	stream.indirect.scatter.add.f32 [tilespmem:s8], [sflag:$0x1], $0x10, s22, s9, $0xb8;
	[tilespmem:$0x4400] =	vst v63  }
0x25c: {  	_ = 	snop  }
0x25d: {  	[spmem:s2] =	stream.indirect.scatter.add.f32 [tilespmem:s8], [sflag:$0x1], $0x10, s23, s9, $0xb8;
	[tilespmem:$0x4400] =	vst v63  }
0x25e: {  	_ = 	snop  }
0x25f: {  	[spmem:s2] =	stream.indirect.scatter.add.f32 [tilespmem:s8], [sflag:$0x1], $0x10, s24, s9, $0xb8;
	[tilespmem:$0x4400] =	vst v63  }
0x260: {  	_ = 	snop  }
0x261: {  	[spmem:s2] =	stream.indirect.scatter.add.f32 [tilespmem:s8], [sflag:$0x1], $0x10, s25, s9, $0xb8;
	[tilespmem:$0x4400] =	vst v63  }
0x262: {  	_ =	swait.ge [sflag:s6], $0x800  }
0x263: {  	[sflag:s6] =	ssyncset.done $0x0  }
0x264: {  	[sflag:s6] =	ssyncadd.s32 $0xFFFFF800  }
0x265: {  	_ =	swait.ge [sflag:s6], $0x800  }
0x266: {  	[sflag:s6] =	ssyncset.done $0x0  }
0x267: {  	[sflag:s6] =	ssyncadd.s32 $0xFFFFF800  }
0x268: {  	_ =	swait.ge [sflag:s6], $0x800  }
0x269: {  	[sflag:s6] =	ssyncset.done $0x0  }
0x26a: {  	[sflag:s6] =	ssyncadd.s32 $0xFFFFF800  }
0x26b: {  	_ =	swait.ge [sflag:s6], $0x800  }
0x26c: {  	[sflag:s6] =	ssyncset.done $0x0  }
0x26d: {  	[sflag:s6] =	ssyncadd.s32 $0xFFFFF800  }
0x26e: {  	_ =	swait.ge [sflag:s6], $0x800  }
0x26f: {  	[sflag:s6] =	ssyncset.done $0x0  }
0x270: {  	[sflag:s6] =	ssyncadd.s32 $0xFFFFF800  }
0x271: {  	_ =	swait.ge [sflag:s6], $0x800  }
0x272: {  	[sflag:s6] =	ssyncset.done $0x0  }
0x273: {  	[sflag:s6] =	ssyncadd.s32 $0xFFFFF800  }
0x274: {  	_ =	swait.ge [sflag:s6], $0x800  }
0x275: {  	[sflag:s6] =	ssyncset.done $0x0  }
0x276: {  	[sflag:s6] =	ssyncadd.s32 $0xFFFFF800  }
0x277: {  	_ =	swait.ge [sflag:s6], $0x800  }
0x278: {  	[sflag:s6] =	ssyncset.done $0x0  }
0x279: {  	[sflag:s6] =	ssyncadd.s32 $0xFFFFF800  }
0x27a: {  	[spmem:s2] =	stream.indirect.scatter.add.f32 [tilespmem:s8], [sflag:$0x1], $0x10, s10, s9, $0xb8;
	[tilespmem:$0x4400] =	vst v63  }
0x27b: {  	_ = 	snop  }
0x27c: {  	[spmem:s2] =	stream.indirect.scatter.add.f32 [tilespmem:s8], [sflag:$0x1], $0x10, s11, s9, $0xb8;
	[tilespmem:$0x4400] =	vst v63  }
0x27d: {  	_ = 	snop  }
0x27e: {  	[spmem:s2] =	stream.indirect.scatter.add.f32 [tilespmem:s8], [sflag:$0x1], $0x10, s12, s9, $0xb8;
	[tilespmem:$0x4400] =	vst v63  }
0x27f: {  	_ = 	snop  }
0x280: {  	[spmem:s2] =	stream.indirect.scatter.add.f32 [tilespmem:s8], [sflag:$0x1], $0x10, s13, s9, $0xb8;
	[tilespmem:$0x4400] =	vst v63  }
0x281: {  	_ = 	snop  }
0x282: {  	[spmem:s2] =	stream.indirect.scatter.add.f32 [tilespmem:s8], [sflag:$0x1], $0x10, s14, s9, $0xb8;
	[tilespmem:$0x4400] =	vst v63  }
0x283: {  	_ = 	snop  }
0x284: {  	[spmem:s2] =	stream.indirect.scatter.add.f32 [tilespmem:s8], [sflag:$0x1], $0x10, s15, s9, $0xb8;
	[tilespmem:$0x4400] =	vst v63  }
0x285: {  	_ = 	snop  }
0x286: {  	[spmem:s2] =	stream.indirect.scatter.add.f32 [tilespmem:s8], [sflag:$0x1], $0x10, s16, s9, $0xb8;
	[tilespmem:$0x4400] =	vst v63  }
0x287: {  	_ = 	snop  }
0x288: {  	[spmem:s2] =	stream.indirect.scatter.add.f32 [tilespmem:s8], [sflag:$0x1], $0x10, s17, s9, $0xb8;
	[tilespmem:$0x4400] =	vst v63  }
0x289: {  	_ =	swait.ge [sflag:s6], $0x800  }
0x28a: {  	[sflag:s6] =	ssyncset.done $0x0  }
0x28b: {  	[sflag:s6] =	ssyncadd.s32 $0xFFFFF800  }
0x28c: {  	_ =	swait.ge [sflag:s6], $0x800  }
0x28d: {  	[sflag:s6] =	ssyncset.done $0x0  }
0x28e: {  	[sflag:s6] =	ssyncadd.s32 $0xFFFFF800  }
0x28f: {  	_ =	swait.ge [sflag:s6], $0x800  }
0x290: {  	[sflag:s6] =	ssyncset.done $0x0  }
0x291: {  	[sflag:s6] =	ssyncadd.s32 $0xFFFFF800  }
0x292: {  	_ =	swait.ge [sflag:s6], $0x800  }
0x293: {  	[sflag:s6] =	ssyncset.done $0x0  }
0x294: {  	[sflag:s6] =	ssyncadd.s32 $0xFFFFF800  }
0x295: {  	_ =	swait.ge [sflag:s6], $0x800  }
0x296: {  	[sflag:s6] =	ssyncset.done $0x0  }
0x297: {  	[sflag:s6] =	ssyncadd.s32 $0xFFFFF800  }
0x298: {  	_ =	swait.ge [sflag:s6], $0x800  }
0x299: {  	[sflag:s6] =	ssyncset.done $0x0  }
0x29a: {  	[sflag:s6] =	ssyncadd.s32 $0xFFFFF800  }
0x29b: {  	_ =	swait.ge [sflag:s6], $0x800  }
0x29c: {  	[sflag:s6] =	ssyncset.done $0x0  }
0x29d: {  	[sflag:s6] =	ssyncadd.s32 $0xFFFFF800  }
0x29e: {  	_ =	swait.ge [sflag:s6], $0x800  }
0x29f: {  	[sflag:s6] =	ssyncset.done $0x0  }
0x2a0: {  	[sflag:s6] =	ssyncadd.s32 $0xFFFFF800  }
0x2a1: {  	[bflag:$0x0] =	sbarrier.arrive $0xFFFF  }
0x2a2: {  	[hbm:s7], [sflag:s3] =	dma.local [spmem:s4], $0x500  }
0x2a3: {  	_ =	swait.ge [sflag:s5], $0x500  }
0x2a4: {  	[sflag:s5] =	ssyncset.done $0x0  }
0x2a5: {  	[sflag:s5] =	ssyncadd.s32 $0xFFFFFB00  }
0x2a6: {  	_ =	sfence.sel $0x180000  }
0x2a7: {  	[bflag:$0x0] =	sbarrier.arrive $0xFFFF  }
0x2a8: {  	_ =	strace $0x90000047  }
0x2a9: {  	s31 =	stileid.u32;
	[bflag:$0x2] =	sbarrier.arrive $0xFFFF  }
0x2aa: {  	p0 =	sne.s32 s31, $0x0;
	s0 =	rddreg [dreg:$0x3]  }
0x2ab: {  	s0 =	sadd.s32 @!p0 $0x100000, s0  }
0x2ac: {  	[sflag:s0] =	ssyncadd.tile.s32 @!p0 $0x1;
	_ =	shalt  }
.Lfunc_end2:
_tile_overlayer_lowered:
.L_overlay_start_2:
0x2ad: {  	(tag) =	ssettag $0x2  }
0x2ae: {  	s0 =	rddreg [dreg:$0x0];
	s2 =	stileid.u32  }
0x2af: {  	s1 =	rddreg [dreg:$0x1];
	p0 =	sne.s32 s2, $0x0  }
0x2b0: {  	s3 =	rddreg [dreg:$0x2];
	[bflag:$0x3] =	sbarrier.arrive $0xFFFF;
	s2 =	simm.s32 @!p0 $0x1C02  }
0x2b1: {  	[timem:s3], [sflag:s2] =	dma.local @!p0 [hbm:s0], s1  }
0x2b2: {  	s0 =	simm.s32 @!p0 $0x2  }
0x2b3: {  	_ =	swait.ge @!p0 [sflag:s0], s1  }
0x2b4: {  	s1 =	ssub.s32 @!p0 $0x0, s1;
	[sflag:s0] =	ssyncset.done @!p0 $0x0  }
0x2b5: {  	[sflag:s0] =	ssyncadd.s32 @!p0 s1  }
0x2b6: {  	[bflag:$0x3] =	sbarrier.arrive $0xFFFF  }
0x2b7: {  	_ =	shalt  }

</sc_bundles>
